<compile_context>
chip_gen: v7x
topology: tpu7x:2x2x1
jax: 0.10.2.dev20260603
libtpu: 0.0.44.dev20260713+nightly
codegen_flags: <defaults>
</compile_context>

<pallas_src>
import functools

import jax
import jax.numpy as jnp
from jax import lax
from jax.experimental import pallas as pl
from jax.experimental.pallas import tpu as pltpu
from jax.experimental.pallas import tpu_sc as plsc

N_NODES = 10000
N_PAD = 10240
N_EDGES = 320000
D = 128
N_GRAPHS = 256

NC = 2
NS = 16
NW = NC * NS
E_PER_W = N_EDGES // NW
CHUNK = 80
N_CHUNKS = E_PER_W // CHUNK
ROWS_PER_TILE = N_PAD // NS

@functools.cache
def _mesh():
    return plsc.VectorSubcoreMesh(
        core_axis_name="c", subcore_axis_name="s",
        num_cores=NC, num_subcores=NS)


DEG_NSLOT = 3
DEG_ROUNDS = 40


def _deg_body(dst_hbm, ones_hbm, zeros_hbm, out_hbm,
              didx0, didx1, didx2, ones_v, acc_sh,
              isem0, isem1, isem2, ssem0, ssem1, ssem2):
    c = lax.axis_index("c")
    s = lax.axis_index("s")
    wid = s * NC + c
    base = wid * E_PER_W
    pltpu.sync_copy(zeros_hbm, acc_sh.at[pl.ds(s * ROWS_PER_TILE, ROWS_PER_TILE)])
    pltpu.sync_copy(ones_hbm, ones_v)
    plsc.subcore_barrier()

    bufs = ((didx0, isem0, ssem0), (didx1, isem1, ssem1), (didx2, isem2, ssem2))

    def ifire(k, b):
        didx_v, isem, _ = bufs[b]
        pltpu.async_copy(dst_hbm.at[pl.ds(base + k * CHUNK, CHUNK)], didx_v, isem)

    def iwait(b):
        didx_v, isem, _ = bufs[b]
        pltpu.make_async_copy(dst_hbm.at[pl.ds(0, CHUNK)], didx_v, isem).wait()

    def sissue(b):
        didx_v, _, ssem = bufs[b]
        pltpu.async_copy(ones_v, acc_sh.at[didx_v], ssem, add=True)

    def swait(b):
        didx_v, _, ssem = bufs[b]
        pltpu.make_async_copy(ones_v, acc_sh.at[didx_v], ssem).wait()

    ifire(0, 0)
    ifire(1, 1)
    iwait(0)
    sissue(0)
    ifire(2, 2)
    iwait(1)
    sissue(1)
    swait(0)
    ifire(3, 0)
    iwait(2)
    sissue(2)
    swait(1)
    ifire(4, 1)

    def rnd(p, carry):
        k = DEG_NSLOT * p + 3
        for j in range(DEG_NSLOT):
            b = j
            iwait(b)
            sissue(b)
            swait((b + 2) % DEG_NSLOT)
            ifire(k + j + 2, (b + 2) % DEG_NSLOT)
        return carry

    lax.fori_loop(0, DEG_ROUNDS, rnd, 0)
    iwait(0)
    sissue(0)
    swait(2)
    iwait(1)
    sissue(1)
    swait(0)
    swait(1)

    plsc.subcore_barrier()
    pltpu.sync_copy(acc_sh.at[pl.ds(s * ROWS_PER_TILE, ROWS_PER_TILE)],
                    out_hbm.at[c, pl.ds(s * ROWS_PER_TILE, ROWS_PER_TILE)])


@functools.cache
def _deg():
    return pl.kernel(
        _deg_body,
        out_type=jax.ShapeDtypeStruct((NC, N_PAD, D), jnp.float32),
        mesh=_mesh(),
        scratch_types=[
            pltpu.VMEM((CHUNK,), jnp.int32),
            pltpu.VMEM((CHUNK,), jnp.int32),
            pltpu.VMEM((CHUNK,), jnp.int32),
            pltpu.VMEM((CHUNK, D), jnp.float32),
            pltpu.VMEM_SHARED((N_PAD, D), jnp.float32),
            pltpu.SemaphoreType.DMA,
            pltpu.SemaphoreType.DMA,
            pltpu.SemaphoreType.DMA,
            pltpu.SemaphoreType.DMA,
            pltpu.SemaphoreType.DMA,
            pltpu.SemaphoreType.DMA,
        ],
    )


NSLOT = 4
N_QUADS = 30


def _prop_body(src_hbm, dst_hbm, feat_hbm, zeros_hbm, out_hbm,
               sidx0, didx0, rows0, sidx1, didx1, rows1,
               sidx2, didx2, rows2, sidx3, didx3, rows3,
               acc_sh,
               gsem0, gsem1, gsem2, gsem3, isem0, isem1, isem2, isem3,
               ssem0, ssem1, ssem2, ssem3):
    c = lax.axis_index("c")
    s = lax.axis_index("s")
    wid = s * NC + c
    base = wid * E_PER_W
    pltpu.sync_copy(zeros_hbm, acc_sh.at[pl.ds(s * ROWS_PER_TILE, ROWS_PER_TILE)])
    plsc.subcore_barrier()

    bufs = ((sidx0, didx0, rows0, gsem0, isem0, ssem0),
            (sidx1, didx1, rows1, gsem1, isem1, ssem1),
            (sidx2, didx2, rows2, gsem2, isem2, ssem2),
            (sidx3, didx3, rows3, gsem3, isem3, ssem3))

    def ifire(k, b):
        sidx_v, didx_v, _, _, isem, _ = bufs[b]
        off = base + k * CHUNK
        pltpu.async_copy(src_hbm.at[pl.ds(off, CHUNK)], sidx_v, isem)
        pltpu.async_copy(dst_hbm.at[pl.ds(off, CHUNK)], didx_v, isem)

    def iwait(b):
        sidx_v, didx_v, _, _, isem, _ = bufs[b]
        pltpu.make_async_copy(src_hbm.at[pl.ds(0, CHUNK)], sidx_v, isem).wait()
        pltpu.make_async_copy(dst_hbm.at[pl.ds(0, CHUNK)], didx_v, isem).wait()

    def gfire(b):
        sidx_v, _, rows_v, gsem, _, _ = bufs[b]
        pltpu.async_copy(feat_hbm.at[sidx_v], rows_v, gsem)

    def gwait(b):
        sidx_v, _, rows_v, gsem, _, _ = bufs[b]
        pltpu.make_async_copy(feat_hbm.at[sidx_v], rows_v, gsem).wait()

    def sissue(b):
        _, didx_v, rows_v, _, _, ssem = bufs[b]
        pltpu.async_copy(rows_v, acc_sh.at[didx_v], ssem, add=True)

    def swait(b):
        _, didx_v, rows_v, _, _, ssem = bufs[b]
        pltpu.make_async_copy(rows_v, acc_sh.at[didx_v], ssem).wait()

    ifire(0, 0)
    ifire(1, 1)
    ifire(2, 2)
    iwait(0)
    gfire(0)
    iwait(1)
    gfire(1)
    gwait(0)
    sissue(0)
    iwait(2)
    gfire(2)
    ifire(3, 3)
    gwait(1)
    sissue(1)
    swait(0)
    iwait(3)
    gfire(3)
    ifire(4, 0)

    def rnd(p, carry):
        k = NSLOT * p + 2
        for j in range(NSLOT):
            b = (2 + j) % NSLOT
            gwait(b)
            sissue(b)
            swait((b + 3) % NSLOT)
            iwait((b + 2) % NSLOT)
            gfire((b + 2) % NSLOT)
            ifire(k + j + 3, (b + 3) % NSLOT)
        return carry

    lax.fori_loop(0, N_QUADS, rnd, 0)
    gwait(2)
    sissue(2)
    swait(1)
    iwait(0)
    gfire(0)
    gwait(3)
    sissue(3)
    swait(2)
    gwait(0)
    sissue(0)
    swait(3)
    swait(0)

    plsc.subcore_barrier()
    pltpu.sync_copy(acc_sh.at[pl.ds(s * ROWS_PER_TILE, ROWS_PER_TILE)],
                    out_hbm.at[c, pl.ds(s * ROWS_PER_TILE, ROWS_PER_TILE)])


@functools.cache
def _prop():
    return pl.kernel(
        _prop_body,
        out_type=jax.ShapeDtypeStruct((NC, N_PAD, D), jnp.float32),
        mesh=_mesh(),
        scratch_types=(
            [pltpu.VMEM((CHUNK,), jnp.int32), pltpu.VMEM((CHUNK,), jnp.int32),
             pltpu.VMEM((CHUNK, D), jnp.float32)] * NSLOT
            + [pltpu.VMEM_SHARED((N_PAD, D), jnp.float32)]
            + [pltpu.SemaphoreType.DMA] * (3 * NSLOT)
        ),
    )


NBLK = 10
BLK = N_PAD // NBLK


def _dinv_of(deg_ref):
    deg = deg_ref[0, :, 0:1] + deg_ref[1, :, 0:1]
    return lax.rsqrt(jnp.maximum(deg, 1.0))


def _u1_body(x_ref, w1_ref, deg_ref, o_ref):
    g = jnp.dot(x_ref[...], w1_ref[...], preferred_element_type=jnp.float32)
    o_ref[...] = g * _dinv_of(deg_ref)


def _u2_body(s_ref, deg_ref, b1_ref, w2_ref, o_ref):
    dinv = _dinv_of(deg_ref)
    h = jnp.maximum((s_ref[0] + s_ref[1]) * dinv + b1_ref[...], 0.0)
    o_ref[...] = jnp.dot(h, w2_ref[...], preferred_element_type=jnp.float32) * dinv


def _head_body(s_ref, deg_ref, b2_ref, bat_ref, wp1_ref, bp1_ref,
               wp2_ref, bp2_ref, o_ref, acc_ref, cnt_ref):
    i = pl.program_id(0)

    @pl.when(i == 0)
    def _init():
        acc_ref[...] = jnp.zeros_like(acc_ref)
        cnt_ref[...] = jnp.zeros_like(cnt_ref)

    dinv = _dinv_of(deg_ref)
    h2 = (s_ref[0] + s_ref[1]) * dinv + b2_ref[...]
    b = bat_ref[0, 0, :].astype(jnp.int32)
    gid = lax.broadcasted_iota(jnp.int32, (BLK, N_GRAPHS), 1)
    onehot = jnp.where(b[:, None] == gid, 1.0, 0.0)
    dn = (((0,), (0,)), ((), ()))
    acc_ref[...] += lax.dot_general(onehot, h2, dn,
                                    preferred_element_type=jnp.float32)
    cnt_ref[...] += lax.dot_general(onehot, jnp.ones((BLK, D), jnp.float32),
                                    dn, preferred_element_type=jnp.float32)

    @pl.when(i == NBLK - 1)
    def _fin():
        pooled = acc_ref[...] / jnp.maximum(cnt_ref[...], 1.0)
        t = jnp.maximum(
            jnp.dot(pooled, wp1_ref[...], preferred_element_type=jnp.float32)
            + bp1_ref[...], 0.0)
        o_ref[...] = (jnp.dot(t, wp2_ref[...], preferred_element_type=jnp.float32)
                      + bp2_ref[...])


_row_spec = pl.BlockSpec((BLK, D), lambda i: (i, 0))
_deg_spec = pl.BlockSpec((2, BLK, D), lambda i: (0, i, 0))
_w_spec = pl.BlockSpec((D, D), lambda i: (0, 0))
_b_spec = pl.BlockSpec((1, D), lambda i: (0, 0))
_s_spec = pl.BlockSpec((2, BLK, D), lambda i: (0, i, 0))

_u1 = pl.pallas_call(
    _u1_body,
    grid=(NBLK,),
    in_specs=[_row_spec, _w_spec, _deg_spec],
    out_specs=_row_spec,
    out_shape=jax.ShapeDtypeStruct((N_PAD, D), jnp.float32),
)

_u2 = pl.pallas_call(
    _u2_body,
    grid=(NBLK,),
    in_specs=[_s_spec, _deg_spec, _b_spec, _w_spec],
    out_specs=_row_spec,
    out_shape=jax.ShapeDtypeStruct((N_PAD, D), jnp.float32),
)

_head = pl.pallas_call(
    _head_body,
    grid=(NBLK,),
    in_specs=[_s_spec, _deg_spec, _b_spec,
              pl.BlockSpec((1, 1, BLK), lambda i: (i, 0, 0)),
              _w_spec, _b_spec, _w_spec, _b_spec],
    out_specs=pl.BlockSpec((N_GRAPHS, D), lambda i: (0, 0)),
    out_shape=jax.ShapeDtypeStruct((N_GRAPHS, D), jnp.float32),
    scratch_shapes=[pltpu.VMEM((N_GRAPHS, D), jnp.float32),
                    pltpu.VMEM((N_GRAPHS, D), jnp.float32)],
)


def kernel(x, edge_index, batch, W1, b1, W2, b2, Wp1, bp1, Wp2, bp2):
    src = edge_index[0]
    dst = edge_index[1]
    zeros_d = jnp.zeros((ROWS_PER_TILE, D), jnp.float32)
    ones_d = jnp.ones((CHUNK, D), jnp.float32)
    xp = jnp.pad(x, ((0, N_PAD - N_NODES), (0, 0)))
    batf = jnp.pad(batch.astype(jnp.float32), (0, N_PAD - N_NODES),
                   constant_values=float(N_GRAPHS)).reshape(NBLK, 1, BLK)

    deg16 = _deg()(dst, ones_d, zeros_d)
    u1 = _u1(xp, W1, deg16)
    s1 = _prop()(src, dst, u1, zeros_d)
    u2 = _u2(s1, deg16, b1.reshape(1, D), W2)
    s2 = _prop()(src, dst, u2, zeros_d)
    z = _head(s2, deg16, b2.reshape(1, D), batf,
              Wp1, bp1.reshape(1, D), Wp2, bp2.reshape(1, D))
    return z

# --- scband reference (transcript-rebuilt; emitter-appended) ---
"""Pipeline reference for scband-sim-grace-14216341750315 (READ-ONLY COPY).

The authoritative reference and input builder live on the scoring server;
editing this copy changes nothing except your own understanding.
"""

import jax, jax.numpy as jnp
import numpy as np

N_NODES = 10000
N_EDGES = 320000
D_FEAT = 128
HID = 128
N_GRAPHS = 256

def setup_inputs(seed: int = 0) -> dict:
    key = jax.random.key(seed)
    ks = jax.random.split(key, 12)
    x = jax.random.normal(ks[0], (N_NODES, D_FEAT), dtype=jnp.float32)
    edge_index = jax.random.randint(ks[1], (2, N_EDGES), 0, N_NODES, dtype=jnp.int64 if jax.config.jax_enable_x64 else jnp.int32).astype(jnp.int32)
    batch = jnp.sort(jax.random.randint(ks[2], (N_NODES,), 0, N_GRAPHS).astype(jnp.int32))
    s1 = 1.0 / np.sqrt(D_FEAT)
    s2 = 1.0 / np.sqrt(HID)
    W1 = jax.random.normal(ks[3], (D_FEAT, HID), dtype=jnp.float32) * s1
    b1 = jnp.zeros((HID,), dtype=jnp.float32)
    W2 = jax.random.normal(ks[4], (HID, HID), dtype=jnp.float32) * s2
    b2 = jnp.zeros((HID,), dtype=jnp.float32)
    Wp1 = jax.random.normal(ks[5], (HID, HID), dtype=jnp.float32) * s2
    bp1 = jnp.zeros((HID,), dtype=jnp.float32)
    Wp2 = jax.random.normal(ks[6], (HID, HID), dtype=jnp.float32) * s2
    bp2 = jnp.zeros((HID,), dtype=jnp.float32)
    return {"x": x, "edge_index": edge_index, "batch": batch,
            "W1": W1, "b1": b1, "W2": W2, "b2": b2,
            "Wp1": Wp1, "bp1": bp1, "Wp2": Wp2, "bp2": bp2}

def _gcn_layer(h, src, dst, W, b):
    ones = jnp.ones((src.shape[0],), dtype=h.dtype)
    deg = jax.ops.segment_sum(ones, dst, num_segments=N_NODES)
    deg = jnp.clip(deg, 1.0, None)
    norm = jax.lax.rsqrt(deg[src] * deg[dst])
    msg = h[src] * norm[:, None]
    agg = jax.ops.segment_sum(msg, dst, num_segments=N_NODES)
    return agg @ W + b

def reference(x, edge_index, batch, W1, b1, W2, b2, Wp1, bp1, Wp2, bp2):
    # SimGRACE.forward_cl: 2-layer GCN -> global mean pool -> projection head
    src = edge_index[0]
    dst = edge_index[1]
    h = _gcn_layer(x, src, dst, W1, b1)
    h = jax.nn.relu(h)
    h = _gcn_layer(h, src, dst, W2, b2)
    # global mean pool per graph in the batch
    counts = jax.ops.segment_sum(jnp.ones((N_NODES,), dtype=h.dtype), batch, num_segments=N_GRAPHS)
    pooled = jax.ops.segment_sum(h, batch, num_segments=N_GRAPHS) / jnp.clip(counts, 1.0, None)[:, None]
    # projection head: Linear -> ReLU -> Linear
    z = jax.nn.relu(pooled @ Wp1 + bp1) @ Wp2 + bp2
    return z

if __name__ == "__main__":
    import jax
    _d = setup_inputs()
    print(jax.jit(kernel)(*tuple(_d.values())))

</pallas_src>

<mosaic_0001>
#map = affine_map<(d0, d1) -> (0)>
#map1 = affine_map<(d0, d1) -> (0, 0)>
#map2 = affine_map<(d0, d1) -> (0, 0, 0)>
module attributes {stable_mosaic.version = 14 : i64} {
  func.func @_deg_body(%arg0: i32, %arg1: i32, %arg2: memref<320000xi32, #tpu.memory_space<hbm>>, %arg3: memref<80x128xf32, #tpu.memory_space<hbm>>, %arg4: memref<640x128xf32, #tpu.memory_space<hbm>>, %arg5: memref<2x10240x128xf32, #tpu.memory_space<hbm>>, %arg6: memref<80xi32, #tpu.memory_space<vmem>>, %arg7: memref<80xi32, #tpu.memory_space<vmem>>, %arg8: memref<80xi32, #tpu.memory_space<vmem>>, %arg9: memref<80x128xf32, #tpu.memory_space<vmem>>, %arg10: memref<10240x128xf32, #tpu.memory_space<vmem_shared>>, %arg11: memref<!tpu.dma_semaphore, #tpu.memory_space<semaphore_mem>>, %arg12: memref<!tpu.dma_semaphore, #tpu.memory_space<semaphore_mem>>, %arg13: memref<!tpu.dma_semaphore, #tpu.memory_space<semaphore_mem>>, %arg14: memref<!tpu.dma_semaphore, #tpu.memory_space<semaphore_mem>>, %arg15: memref<!tpu.dma_semaphore, #tpu.memory_space<semaphore_mem>>, %arg16: memref<!tpu.dma_semaphore, #tpu.memory_space<semaphore_mem>>) attributes {dimension_semantics = [#tpu.dimension_semantics<core_parallel>, #tpu.dimension_semantics<subcore_parallel>], iteration_bounds = array<i64: 2, 16>, scalar_prefetch = 0 : i64, scratch_operands = 11 : i64, tpu.core_type = #tpu.core_type<sc_vector_subcore>, window_params = [{transform_indices = #map}, {transform_indices = #map1}, {transform_indices = #map1}, {transform_indices = #map2}]} {
    %mul3A = arith.constant 2 : i32
    %mul3A_0 = arith.muli %arg1, %mul3A : i32
    %add3A = arith.addi %mul3A_0, %arg0 : i32
    %mul3A_1 = arith.constant 10000 : i32
    %mul3A_2 = arith.muli %add3A, %mul3A_1 : i32
    %mul3A_3 = arith.constant 640 : i32
    %mul3A_4 = arith.muli %arg1, %mul3A_3 : i32
    "tpu.region"() ({
      %run_scoped3A = tpu.sem_alloc : memref<!tpu.dma_semaphore, #tpu.memory_space<semaphore_mem>>
      %dma_start3A_83 = arith.constant 0 : i32
      %dma_start3A_84 = tpu.memref_slice %arg10[%mul3A_4, %dma_start3A_83] : memref<10240x128xf32, #tpu.memory_space<vmem_shared>> -> memref<640x128xf32, #tpu.memory_space<vmem_shared>>
      tpu.enqueue_dma source(%arg4 : memref<640x128xf32, #tpu.memory_space<hbm>>) target(%dma_start3A_84 : memref<640x128xf32, #tpu.memory_space<vmem_shared>>) target_semaphore(%run_scoped3A : memref<!tpu.dma_semaphore, #tpu.memory_space<semaphore_mem>>)
      %dma_wait3A_85 = arith.constant 0 : i32
      %dma_wait3A_86 = tpu.memref_slice %arg10[%mul3A_4, %dma_wait3A_85] : memref<10240x128xf32, #tpu.memory_space<vmem_shared>> -> memref<640x128xf32, #tpu.memory_space<vmem_shared>>
      tpu.wait_dma2 semaphore(%run_scoped3A : memref<!tpu.dma_semaphore, #tpu.memory_space<semaphore_mem>>) src(%arg4 : memref<640x128xf32, #tpu.memory_space<hbm>>) dst(%dma_wait3A_86 : memref<640x128xf32, #tpu.memory_space<vmem_shared>>)
      tpu.yield
    }) : () -> ()
    "tpu.region"() ({
      %run_scoped3A = tpu.sem_alloc : memref<!tpu.dma_semaphore, #tpu.memory_space<semaphore_mem>>
      tpu.enqueue_dma source(%arg3 : memref<80x128xf32, #tpu.memory_space<hbm>>) target(%arg9 : memref<80x128xf32, #tpu.memory_space<vmem>>) target_semaphore(%run_scoped3A : memref<!tpu.dma_semaphore, #tpu.memory_space<semaphore_mem>>)
      tpu.wait_dma2 semaphore(%run_scoped3A : memref<!tpu.dma_semaphore, #tpu.memory_space<semaphore_mem>>) src(%arg3 : memref<80x128xf32, #tpu.memory_space<hbm>>) dst(%arg9 : memref<80x128xf32, #tpu.memory_space<vmem>>)
      tpu.yield
    }) : () -> ()
    %barrier3A = arith.constant 0 : index
    tpu.barrier barrier_id(%barrier3A)
    %add3A_5 = arith.constant 0 : i32
    %add3A_6 = arith.addi %mul3A_2, %add3A_5 : i32
    %dma_start3A = tpu.memref_slice %arg2[%add3A_6] : memref<320000xi32, #tpu.memory_space<hbm>> -> memref<80xi32, #tpu.memory_space<hbm>>
    %dma_start3A_7 = tpu.memref_slice %arg2[%add3A_6] : memref<320000xi32, #tpu.memory_space<hbm>> -> memref<80xi32, #tpu.memory_space<hbm>>
    tpu.enqueue_dma source(%dma_start3A_7 : memref<80xi32, #tpu.memory_space<hbm>>) target(%arg6 : memref<80xi32, #tpu.memory_space<vmem>>) target_semaphore(%arg11 : memref<!tpu.dma_semaphore, #tpu.memory_space<semaphore_mem>>)
    %add3A_8 = arith.constant 80 : i32
    %add3A_9 = arith.addi %mul3A_2, %add3A_8 : i32
    %dma_start3A_10 = tpu.memref_slice %arg2[%add3A_9] : memref<320000xi32, #tpu.memory_space<hbm>> -> memref<80xi32, #tpu.memory_space<hbm>>
    %dma_start3A_11 = tpu.memref_slice %arg2[%add3A_9] : memref<320000xi32, #tpu.memory_space<hbm>> -> memref<80xi32, #tpu.memory_space<hbm>>
    tpu.enqueue_dma source(%dma_start3A_11 : memref<80xi32, #tpu.memory_space<hbm>>) target(%arg7 : memref<80xi32, #tpu.memory_space<vmem>>) target_semaphore(%arg12 : memref<!tpu.dma_semaphore, #tpu.memory_space<semaphore_mem>>)
    %dma_wait3A = arith.constant 0 : i32
    %dma_wait3A_12 = tpu.memref_slice %arg2[%dma_wait3A] : memref<320000xi32, #tpu.memory_space<hbm>> -> memref<80xi32, #tpu.memory_space<hbm>>
    %dma_wait3A_13 = arith.constant 0 : i32
    %dma_wait3A_14 = tpu.memref_slice %arg2[%dma_wait3A_13] : memref<320000xi32, #tpu.memory_space<hbm>> -> memref<80xi32, #tpu.memory_space<hbm>>
    tpu.wait_dma2 semaphore(%arg11 : memref<!tpu.dma_semaphore, #tpu.memory_space<semaphore_mem>>) src(%dma_wait3A_14 : memref<80xi32, #tpu.memory_space<hbm>>) dst(%arg6 : memref<80xi32, #tpu.memory_space<vmem>>)
    %dma_start3A_15 = arith.constant 0 : i32
    %dma_start3A_16 = arith.constant 0 : i32
    %dma_start3A_17 = tpu.memref_slice %arg10[%dma_start3A_15, %dma_start3A_16] : memref<10240x128xf32, #tpu.memory_space<vmem_shared>> -> memref<10240x128xf32, #tpu.memory_space<vmem_shared>>
    tpu.enqueue_indirect_dma source(%arg9 : memref<80x128xf32, #tpu.memory_space<vmem>>) target(%dma_start3A_17 : memref<10240x128xf32, #tpu.memory_space<vmem_shared>>) offsets(%arg6 : memref<80xi32, #tpu.memory_space<vmem>>) semaphore(%arg14 : memref<!tpu.dma_semaphore, #tpu.memory_space<semaphore_mem>>) {add = true}
    %add3A_18 = arith.constant 160 : i32
    %add3A_19 = arith.addi %mul3A_2, %add3A_18 : i32
    %dma_start3A_20 = tpu.memref_slice %arg2[%add3A_19] : memref<320000xi32, #tpu.memory_space<hbm>> -> memref<80xi32, #tpu.memory_space<hbm>>
    %dma_start3A_21 = tpu.memref_slice %arg2[%add3A_19] : memref<320000xi32, #tpu.memory_space<hbm>> -> memref<80xi32, #tpu.memory_space<hbm>>
    tpu.enqueue_dma source(%dma_start3A_21 : memref<80xi32, #tpu.memory_space<hbm>>) target(%arg8 : memref<80xi32, #tpu.memory_space<vmem>>) target_semaphore(%arg13 : memref<!tpu.dma_semaphore, #tpu.memory_space<semaphore_mem>>)
    %dma_wait3A_22 = arith.constant 0 : i32
    %dma_wait3A_23 = tpu.memref_slice %arg2[%dma_wait3A_22] : memref<320000xi32, #tpu.memory_space<hbm>> -> memref<80xi32, #tpu.memory_space<hbm>>
    %dma_wait3A_24 = arith.constant 0 : i32
    %dma_wait3A_25 = tpu.memref_slice %arg2[%dma_wait3A_24] : memref<320000xi32, #tpu.memory_space<hbm>> -> memref<80xi32, #tpu.memory_space<hbm>>
    tpu.wait_dma2 semaphore(%arg12 : memref<!tpu.dma_semaphore, #tpu.memory_space<semaphore_mem>>) src(%dma_wait3A_25 : memref<80xi32, #tpu.memory_space<hbm>>) dst(%arg7 : memref<80xi32, #tpu.memory_space<vmem>>)
    %dma_start3A_26 = arith.constant 0 : i32
    %dma_start3A_27 = arith.constant 0 : i32
    %dma_start3A_28 = tpu.memref_slice %arg10[%dma_start3A_26, %dma_start3A_27] : memref<10240x128xf32, #tpu.memory_space<vmem_shared>> -> memref<10240x128xf32, #tpu.memory_space<vmem_shared>>
    tpu.enqueue_indirect_dma source(%arg9 : memref<80x128xf32, #tpu.memory_space<vmem>>) target(%dma_start3A_28 : memref<10240x128xf32, #tpu.memory_space<vmem_shared>>) offsets(%arg7 : memref<80xi32, #tpu.memory_space<vmem>>) semaphore(%arg15 : memref<!tpu.dma_semaphore, #tpu.memory_space<semaphore_mem>>) {add = true}
    %dma_wait3A_29 = arith.constant 0 : i32
    %dma_wait3A_30 = arith.constant 0 : i32
    %dma_wait3A_31 = tpu.memref_slice %arg10[%dma_wait3A_29, %dma_wait3A_30] : memref<10240x128xf32, #tpu.memory_space<vmem_shared>> -> memref<10240x128xf32, #tpu.memory_space<vmem_shared>>
    tpu.wait_indirect_dma semaphore(%arg14 : memref<!tpu.dma_semaphore, #tpu.memory_space<semaphore_mem>>) src(%arg9 : memref<80x128xf32, #tpu.memory_space<vmem>>) dst(%dma_wait3A_31 : memref<10240x128xf32, #tpu.memory_space<vmem_shared>>)
    %add3A_32 = arith.constant 240 : i32
    %add3A_33 = arith.addi %mul3A_2, %add3A_32 : i32
    %dma_start3A_34 = tpu.memref_slice %arg2[%add3A_33] : memref<320000xi32, #tpu.memory_space<hbm>> -> memref<80xi32, #tpu.memory_space<hbm>>
    %dma_start3A_35 = tpu.memref_slice %arg2[%add3A_33] : memref<320000xi32, #tpu.memory_space<hbm>> -> memref<80xi32, #tpu.memory_space<hbm>>
    tpu.enqueue_dma source(%dma_start3A_35 : memref<80xi32, #tpu.memory_space<hbm>>) target(%arg6 : memref<80xi32, #tpu.memory_space<vmem>>) target_semaphore(%arg11 : memref<!tpu.dma_semaphore, #tpu.memory_space<semaphore_mem>>)
    %dma_wait3A_36 = arith.constant 0 : i32
    %dma_wait3A_37 = tpu.memref_slice %arg2[%dma_wait3A_36] : memref<320000xi32, #tpu.memory_space<hbm>> -> memref<80xi32, #tpu.memory_space<hbm>>
    %dma_wait3A_38 = arith.constant 0 : i32
    %dma_wait3A_39 = tpu.memref_slice %arg2[%dma_wait3A_38] : memref<320000xi32, #tpu.memory_space<hbm>> -> memref<80xi32, #tpu.memory_space<hbm>>
    tpu.wait_dma2 semaphore(%arg13 : memref<!tpu.dma_semaphore, #tpu.memory_space<semaphore_mem>>) src(%dma_wait3A_39 : memref<80xi32, #tpu.memory_space<hbm>>) dst(%arg8 : memref<80xi32, #tpu.memory_space<vmem>>)
    %dma_start3A_40 = arith.constant 0 : i32
    %dma_start3A_41 = arith.constant 0 : i32
    %dma_start3A_42 = tpu.memref_slice %arg10[%dma_start3A_40, %dma_start3A_41] : memref<10240x128xf32, #tpu.memory_space<vmem_shared>> -> memref<10240x128xf32, #tpu.memory_space<vmem_shared>>
    tpu.enqueue_indirect_dma source(%arg9 : memref<80x128xf32, #tpu.memory_space<vmem>>) target(%dma_start3A_42 : memref<10240x128xf32, #tpu.memory_space<vmem_shared>>) offsets(%arg8 : memref<80xi32, #tpu.memory_space<vmem>>) semaphore(%arg16 : memref<!tpu.dma_semaphore, #tpu.memory_space<semaphore_mem>>) {add = true}
    %dma_wait3A_43 = arith.constant 0 : i32
    %dma_wait3A_44 = arith.constant 0 : i32
    %dma_wait3A_45 = tpu.memref_slice %arg10[%dma_wait3A_43, %dma_wait3A_44] : memref<10240x128xf32, #tpu.memory_space<vmem_shared>> -> memref<10240x128xf32, #tpu.memory_space<vmem_shared>>
    tpu.wait_indirect_dma semaphore(%arg15 : memref<!tpu.dma_semaphore, #tpu.memory_space<semaphore_mem>>) src(%arg9 : memref<80x128xf32, #tpu.memory_space<vmem>>) dst(%dma_wait3A_45 : memref<10240x128xf32, #tpu.memory_space<vmem_shared>>)
    %add3A_46 = arith.constant 320 : i32
    %add3A_47 = arith.addi %mul3A_2, %add3A_46 : i32
    %dma_start3A_48 = tpu.memref_slice %arg2[%add3A_47] : memref<320000xi32, #tpu.memory_space<hbm>> -> memref<80xi32, #tpu.memory_space<hbm>>
    %dma_start3A_49 = tpu.memref_slice %arg2[%add3A_47] : memref<320000xi32, #tpu.memory_space<hbm>> -> memref<80xi32, #tpu.memory_space<hbm>>
    tpu.enqueue_dma source(%dma_start3A_49 : memref<80xi32, #tpu.memory_space<hbm>>) target(%arg7 : memref<80xi32, #tpu.memory_space<vmem>>) target_semaphore(%arg12 : memref<!tpu.dma_semaphore, #tpu.memory_space<semaphore_mem>>)
    %scan3A = arith.constant 0 : i32
    %scan3A_50 = arith.constant 0 : i32
    %scan3A_51 = arith.constant 40 : i32
    %scan3A_52 = arith.addi %scan3A_50, %scan3A_51 : i32
    %scan3A_53 = arith.constant 1 : i32
    scf.for %scan3A_83 = %scan3A_50 to %scan3A_52 step %scan3A_53  : i32 {
      %mul3A_84 = arith.constant 3 : i32
      %mul3A_85 = arith.muli %mul3A_84, %scan3A_83 : i32
      %add3A_86 = arith.constant 3 : i32
      %add3A_87 = arith.addi %mul3A_85, %add3A_86 : i32
      %dma_wait3A_88 = arith.constant 0 : i32
      %dma_wait3A_89 = tpu.memref_slice %arg2[%dma_wait3A_88] : memref<320000xi32, #tpu.memory_space<hbm>> -> memref<80xi32, #tpu.memory_space<hbm>>
      %dma_wait3A_90 = arith.constant 0 : i32
      %dma_wait3A_91 = tpu.memref_slice %arg2[%dma_wait3A_90] : memref<320000xi32, #tpu.memory_space<hbm>> -> memref<80xi32, #tpu.memory_space<hbm>>
      tpu.wait_dma2 semaphore(%arg11 : memref<!tpu.dma_semaphore, #tpu.memory_space<semaphore_mem>>) src(%dma_wait3A_91 : memref<80xi32, #tpu.memory_space<hbm>>) dst(%arg6 : memref<80xi32, #tpu.memory_space<vmem>>)
      %dma_start3A_92 = arith.constant 0 : i32
      %dma_start3A_93 = arith.constant 0 : i32
      %dma_start3A_94 = tpu.memref_slice %arg10[%dma_start3A_92, %dma_start3A_93] : memref<10240x128xf32, #tpu.memory_space<vmem_shared>> -> memref<10240x128xf32, #tpu.memory_space<vmem_shared>>
      tpu.enqueue_indirect_dma source(%arg9 : memref<80x128xf32, #tpu.memory_space<vmem>>) target(%dma_start3A_94 : memref<10240x128xf32, #tpu.memory_space<vmem_shared>>) offsets(%arg6 : memref<80xi32, #tpu.memory_space<vmem>>) semaphore(%arg14 : memref<!tpu.dma_semaphore, #tpu.memory_space<semaphore_mem>>) {add = true}
      %dma_wait3A_95 = arith.constant 0 : i32
      %dma_wait3A_96 = arith.constant 0 : i32
      %dma_wait3A_97 = tpu.memref_slice %arg10[%dma_wait3A_95, %dma_wait3A_96] : memref<10240x128xf32, #tpu.memory_space<vmem_shared>> -> memref<10240x128xf32, #tpu.memory_space<vmem_shared>>
      tpu.wait_indirect_dma semaphore(%arg16 : memref<!tpu.dma_semaphore, #tpu.memory_space<semaphore_mem>>) src(%arg9 : memref<80x128xf32, #tpu.memory_space<vmem>>) dst(%dma_wait3A_97 : memref<10240x128xf32, #tpu.memory_space<vmem_shared>>)
      %add3A_98 = arith.constant 0 : i32
      %add3A_99 = arith.addi %add3A_87, %add3A_98 : i32
      %add3A_100 = arith.constant 2 : i32
      %add3A_101 = arith.addi %add3A_99, %add3A_100 : i32
      %mul3A_102 = arith.constant 80 : i32
      %mul3A_103 = arith.muli %add3A_101, %mul3A_102 : i32
      %add3A_104 = arith.addi %mul3A_2, %mul3A_103 : i32
      %dma_start3A_105 = tpu.memref_slice %arg2[%add3A_104] : memref<320000xi32, #tpu.memory_space<hbm>> -> memref<80xi32, #tpu.memory_space<hbm>>
      %dma_start3A_106 = tpu.memref_slice %arg2[%add3A_104] : memref<320000xi32, #tpu.memory_space<hbm>> -> memref<80xi32, #tpu.memory_space<hbm>>
      tpu.enqueue_dma source(%dma_start3A_106 : memref<80xi32, #tpu.memory_space<hbm>>) target(%arg8 : memref<80xi32, #tpu.memory_space<vmem>>) target_semaphore(%arg13 : memref<!tpu.dma_semaphore, #tpu.memory_space<semaphore_mem>>)
      %dma_wait3A_107 = arith.constant 0 : i32
      %dma_wait3A_108 = tpu.memref_slice %arg2[%dma_wait3A_107] : memref<320000xi32, #tpu.memory_space<hbm>> -> memref<80xi32, #tpu.memory_space<hbm>>
      %dma_wait3A_109 = arith.constant 0 : i32
      %dma_wait3A_110 = tpu.memref_slice %arg2[%dma_wait3A_109] : memref<320000xi32, #tpu.memory_space<hbm>> -> memref<80xi32, #tpu.memory_space<hbm>>
      tpu.wait_dma2 semaphore(%arg12 : memref<!tpu.dma_semaphore, #tpu.memory_space<semaphore_mem>>) src(%dma_wait3A_110 : memref<80xi32, #tpu.memory_space<hbm>>) dst(%arg7 : memref<80xi32, #tpu.memory_space<vmem>>)
      %dma_start3A_111 = arith.constant 0 : i32
      %dma_start3A_112 = arith.constant 0 : i32
      %dma_start3A_113 = tpu.memref_slice %arg10[%dma_start3A_111, %dma_start3A_112] : memref<10240x128xf32, #tpu.memory_space<vmem_shared>> -> memref<10240x128xf32, #tpu.memory_space<vmem_shared>>
      tpu.enqueue_indirect_dma source(%arg9 : memref<80x128xf32, #tpu.memory_space<vmem>>) target(%dma_start3A_113 : memref<10240x128xf32, #tpu.memory_space<vmem_shared>>) offsets(%arg7 : memref<80xi32, #tpu.memory_space<vmem>>) semaphore(%arg15 : memref<!tpu.dma_semaphore, #tpu.memory_space<semaphore_mem>>) {add = true}
      %dma_wait3A_114 = arith.constant 0 : i32
      %dma_wait3A_115 = arith.constant 0 : i32
      %dma_wait3A_116 = tpu.memref_slice %arg10[%dma_wait3A_114, %dma_wait3A_115] : memref<10240x128xf32, #tpu.memory_space<vmem_shared>> -> memref<10240x128xf32, #tpu.memory_space<vmem_shared>>
      tpu.wait_indirect_dma semaphore(%arg14 : memref<!tpu.dma_semaphore, #tpu.memory_space<semaphore_mem>>) src(%arg9 : memref<80x128xf32, #tpu.memory_space<vmem>>) dst(%dma_wait3A_116 : memref<10240x128xf32, #tpu.memory_space<vmem_shared>>)
      %add3A_117 = arith.constant 1 : i32
      %add3A_118 = arith.addi %add3A_87, %add3A_117 : i32
      %add3A_119 = arith.constant 2 : i32
      %add3A_120 = arith.addi %add3A_118, %add3A_119 : i32
      %mul3A_121 = arith.constant 80 : i32
      %mul3A_122 = arith.muli %add3A_120, %mul3A_121 : i32
      %add3A_123 = arith.addi %mul3A_2, %mul3A_122 : i32
      %dma_start3A_124 = tpu.memref_slice %arg2[%add3A_123] : memref<320000xi32, #tpu.memory_space<hbm>> -> memref<80xi32, #tpu.memory_space<hbm>>
      %dma_start3A_125 = tpu.memref_slice %arg2[%add3A_123] : memref<320000xi32, #tpu.memory_space<hbm>> -> memref<80xi32, #tpu.memory_space<hbm>>
      tpu.enqueue_dma source(%dma_start3A_125 : memref<80xi32, #tpu.memory_space<hbm>>) target(%arg6 : memref<80xi32, #tpu.memory_space<vmem>>) target_semaphore(%arg11 : memref<!tpu.dma_semaphore, #tpu.memory_space<semaphore_mem>>)
      %dma_wait3A_126 = arith.constant 0 : i32
      %dma_wait3A_127 = tpu.memref_slice %arg2[%dma_wait3A_126] : memref<320000xi32, #tpu.memory_space<hbm>> -> memref<80xi32, #tpu.memory_space<hbm>>
      %dma_wait3A_128 = arith.constant 0 : i32
      %dma_wait3A_129 = tpu.memref_slice %arg2[%dma_wait3A_128] : memref<320000xi32, #tpu.memory_space<hbm>> -> memref<80xi32, #tpu.memory_space<hbm>>
      tpu.wait_dma2 semaphore(%arg13 : memref<!tpu.dma_semaphore, #tpu.memory_space<semaphore_mem>>) src(%dma_wait3A_129 : memref<80xi32, #tpu.memory_space<hbm>>) dst(%arg8 : memref<80xi32, #tpu.memory_space<vmem>>)
      %dma_start3A_130 = arith.constant 0 : i32
      %dma_start3A_131 = arith.constant 0 : i32
      %dma_start3A_132 = tpu.memref_slice %arg10[%dma_start3A_130, %dma_start3A_131] : memref<10240x128xf32, #tpu.memory_space<vmem_shared>> -> memref<10240x128xf32, #tpu.memory_space<vmem_shared>>
      tpu.enqueue_indirect_dma source(%arg9 : memref<80x128xf32, #tpu.memory_space<vmem>>) target(%dma_start3A_132 : memref<10240x128xf32, #tpu.memory_space<vmem_shared>>) offsets(%arg8 : memref<80xi32, #tpu.memory_space<vmem>>) semaphore(%arg16 : memref<!tpu.dma_semaphore, #tpu.memory_space<semaphore_mem>>) {add = true}
      %dma_wait3A_133 = arith.constant 0 : i32
      %dma_wait3A_134 = arith.constant 0 : i32
      %dma_wait3A_135 = tpu.memref_slice %arg10[%dma_wait3A_133, %dma_wait3A_134] : memref<10240x128xf32, #tpu.memory_space<vmem_shared>> -> memref<10240x128xf32, #tpu.memory_space<vmem_shared>>
      tpu.wait_indirect_dma semaphore(%arg15 : memref<!tpu.dma_semaphore, #tpu.memory_space<semaphore_mem>>) src(%arg9 : memref<80x128xf32, #tpu.memory_space<vmem>>) dst(%dma_wait3A_135 : memref<10240x128xf32, #tpu.memory_space<vmem_shared>>)
      %add3A_136 = arith.constant 2 : i32
      %add3A_137 = arith.addi %add3A_87, %add3A_136 : i32
      %add3A_138 = arith.constant 2 : i32
      %add3A_139 = arith.addi %add3A_137, %add3A_138 : i32
      %mul3A_140 = arith.constant 80 : i32
      %mul3A_141 = arith.muli %add3A_139, %mul3A_140 : i32
      %add3A_142 = arith.addi %mul3A_2, %mul3A_141 : i32
      %dma_start3A_143 = tpu.memref_slice %arg2[%add3A_142] : memref<320000xi32, #tpu.memory_space<hbm>> -> memref<80xi32, #tpu.memory_space<hbm>>
      %dma_start3A_144 = tpu.memref_slice %arg2[%add3A_142] : memref<320000xi32, #tpu.memory_space<hbm>> -> memref<80xi32, #tpu.memory_space<hbm>>
      tpu.enqueue_dma source(%dma_start3A_144 : memref<80xi32, #tpu.memory_space<hbm>>) target(%arg7 : memref<80xi32, #tpu.memory_space<vmem>>) target_semaphore(%arg12 : memref<!tpu.dma_semaphore, #tpu.memory_space<semaphore_mem>>)
    }
    %scan3A_54 = arith.constant 40 : i32
    %dma_wait3A_55 = arith.constant 0 : i32
    %dma_wait3A_56 = tpu.memref_slice %arg2[%dma_wait3A_55] : memref<320000xi32, #tpu.memory_space<hbm>> -> memref<80xi32, #tpu.memory_space<hbm>>
    %dma_wait3A_57 = arith.constant 0 : i32
    %dma_wait3A_58 = tpu.memref_slice %arg2[%dma_wait3A_57] : memref<320000xi32, #tpu.memory_space<hbm>> -> memref<80xi32, #tpu.memory_space<hbm>>
    tpu.wait_dma2 semaphore(%arg11 : memref<!tpu.dma_semaphore, #tpu.memory_space<semaphore_mem>>) src(%dma_wait3A_58 : memref<80xi32, #tpu.memory_space<hbm>>) dst(%arg6 : memref<80xi32, #tpu.memory_space<vmem>>)
    %dma_start3A_59 = arith.constant 0 : i32
    %dma_start3A_60 = arith.constant 0 : i32
    %dma_start3A_61 = tpu.memref_slice %arg10[%dma_start3A_59, %dma_start3A_60] : memref<10240x128xf32, #tpu.memory_space<vmem_shared>> -> memref<10240x128xf32, #tpu.memory_space<vmem_shared>>
    tpu.enqueue_indirect_dma source(%arg9 : memref<80x128xf32, #tpu.memory_space<vmem>>) target(%dma_start3A_61 : memref<10240x128xf32, #tpu.memory_space<vmem_shared>>) offsets(%arg6 : memref<80xi32, #tpu.memory_space<vmem>>) semaphore(%arg14 : memref<!tpu.dma_semaphore, #tpu.memory_space<semaphore_mem>>) {add = true}
    %dma_wait3A_62 = arith.constant 0 : i32
    %dma_wait3A_63 = arith.constant 0 : i32
    %dma_wait3A_64 = tpu.memref_slice %arg10[%dma_wait3A_62, %dma_wait3A_63] : memref<10240x128xf32, #tpu.memory_space<vmem_shared>> -> memref<10240x128xf32, #tpu.memory_space<vmem_shared>>
    tpu.wait_indirect_dma semaphore(%arg16 : memref<!tpu.dma_semaphore, #tpu.memory_space<semaphore_mem>>) src(%arg9 : memref<80x128xf32, #tpu.memory_space<vmem>>) dst(%dma_wait3A_64 : memref<10240x128xf32, #tpu.memory_space<vmem_shared>>)
    %dma_wait3A_65 = arith.constant 0 : i32
    %dma_wait3A_66 = tpu.memref_slice %arg2[%dma_wait3A_65] : memref<320000xi32, #tpu.memory_space<hbm>> -> memref<80xi32, #tpu.memory_space<hbm>>
    %dma_wait3A_67 = arith.constant 0 : i32
    %dma_wait3A_68 = tpu.memref_slice %arg2[%dma_wait3A_67] : memref<320000xi32, #tpu.memory_space<hbm>> -> memref<80xi32, #tpu.memory_space<hbm>>
    tpu.wait_dma2 semaphore(%arg12 : memref<!tpu.dma_semaphore, #tpu.memory_space<semaphore_mem>>) src(%dma_wait3A_68 : memref<80xi32, #tpu.memory_space<hbm>>) dst(%arg7 : memref<80xi32, #tpu.memory_space<vmem>>)
    %dma_start3A_69 = arith.constant 0 : i32
    %dma_start3A_70 = arith.constant 0 : i32
    %dma_start3A_71 = tpu.memref_slice %arg10[%dma_start3A_69, %dma_start3A_70] : memref<10240x128xf32, #tpu.memory_space<vmem_shared>> -> memref<10240x128xf32, #tpu.memory_space<vmem_shared>>
    tpu.enqueue_indirect_dma source(%arg9 : memref<80x128xf32, #tpu.memory_space<vmem>>) target(%dma_start3A_71 : memref<10240x128xf32, #tpu.memory_space<vmem_shared>>) offsets(%arg7 : memref<80xi32, #tpu.memory_space<vmem>>) semaphore(%arg15 : memref<!tpu.dma_semaphore, #tpu.memory_space<semaphore_mem>>) {add = true}
    %dma_wait3A_72 = arith.constant 0 : i32
    %dma_wait3A_73 = arith.constant 0 : i32
    %dma_wait3A_74 = tpu.memref_slice %arg10[%dma_wait3A_72, %dma_wait3A_73] : memref<10240x128xf32, #tpu.memory_space<vmem_shared>> -> memref<10240x128xf32, #tpu.memory_space<vmem_shared>>
    tpu.wait_indirect_dma semaphore(%arg14 : memref<!tpu.dma_semaphore, #tpu.memory_space<semaphore_mem>>) src(%arg9 : memref<80x128xf32, #tpu.memory_space<vmem>>) dst(%dma_wait3A_74 : memref<10240x128xf32, #tpu.memory_space<vmem_shared>>)
    %dma_wait3A_75 = arith.constant 0 : i32
    %dma_wait3A_76 = arith.constant 0 : i32
    %dma_wait3A_77 = tpu.memref_slice %arg10[%dma_wait3A_75, %dma_wait3A_76] : memref<10240x128xf32, #tpu.memory_space<vmem_shared>> -> memref<10240x128xf32, #tpu.memory_space<vmem_shared>>
    tpu.wait_indirect_dma semaphore(%arg15 : memref<!tpu.dma_semaphore, #tpu.memory_space<semaphore_mem>>) src(%arg9 : memref<80x128xf32, #tpu.memory_space<vmem>>) dst(%dma_wait3A_77 : memref<10240x128xf32, #tpu.memory_space<vmem_shared>>)
    %barrier3A_78 = arith.constant 0 : index
    tpu.barrier barrier_id(%barrier3A_78)
    %mul3A_79 = arith.constant 640 : i32
    %mul3A_80 = arith.muli %arg1, %mul3A_79 : i32
    %mul3A_81 = arith.constant 640 : i32
    %mul3A_82 = arith.muli %arg1, %mul3A_81 : i32
    "tpu.region"() ({
      %run_scoped3A = tpu.sem_alloc : memref<!tpu.dma_semaphore, #tpu.memory_space<semaphore_mem>>
      %dma_start3A_83 = arith.constant 0 : i32
      %dma_start3A_84 = tpu.memref_slice %arg5[%arg0, %mul3A_82, %dma_start3A_83] : memref<2x10240x128xf32, #tpu.memory_space<hbm>> -> memref<1x640x128xf32, #tpu.memory_space<hbm>>
      %dma_start3A_85 = tpu.memref_squeeze %dma_start3A_84 : memref<1x640x128xf32, #tpu.memory_space<hbm>> -> memref<640x128xf32, #tpu.memory_space<hbm>>
      %dma_start3A_86 = arith.constant 0 : i32
      %dma_start3A_87 = tpu.memref_slice %arg10[%mul3A_80, %dma_start3A_86] : memref<10240x128xf32, #tpu.memory_space<vmem_shared>> -> memref<640x128xf32, #tpu.memory_space<vmem_shared>>
      tpu.enqueue_dma source(%dma_start3A_87 : memref<640x128xf32, #tpu.memory_space<vmem_shared>>) target(%dma_start3A_85 : memref<640x128xf32, #tpu.memory_space<hbm>>) target_semaphore(%run_scoped3A : memref<!tpu.dma_semaphore, #tpu.memory_space<semaphore_mem>>)
      %dma_wait3A_88 = arith.constant 0 : i32
      %dma_wait3A_89 = tpu.memref_slice %arg5[%arg0, %mul3A_82, %dma_wait3A_88] : memref<2x10240x128xf32, #tpu.memory_space<hbm>> -> memref<1x640x128xf32, #tpu.memory_space<hbm>>
      %dma_wait3A_90 = tpu.memref_squeeze %dma_wait3A_89 : memref<1x640x128xf32, #tpu.memory_space<hbm>> -> memref<640x128xf32, #tpu.memory_space<hbm>>
      %dma_wait3A_91 = arith.constant 0 : i32
      %dma_wait3A_92 = tpu.memref_slice %arg10[%mul3A_80, %dma_wait3A_91] : memref<10240x128xf32, #tpu.memory_space<vmem_shared>> -> memref<640x128xf32, #tpu.memory_space<vmem_shared>>
      tpu.wait_dma2 semaphore(%run_scoped3A : memref<!tpu.dma_semaphore, #tpu.memory_space<semaphore_mem>>) src(%dma_wait3A_92 : memref<640x128xf32, #tpu.memory_space<vmem_shared>>) dst(%dma_wait3A_90 : memref<640x128xf32, #tpu.memory_space<hbm>>)
      tpu.yield
    }) : () -> ()
    return
  }
}

#map = affine_map<(d0, d1) -> (0)>
#map1 = affine_map<(d0, d1) -> (0, 0)>
#map2 = affine_map<(d0, d1) -> (0, 0, 0)>
module attributes {stable_mosaic.version = 14 : i64} {
  func.func @_prop_body(%arg0: i32, %arg1: i32, %arg2: memref<320000xi32, #tpu.memory_space<hbm>>, %arg3: memref<320000xi32, #tpu.memory_space<hbm>>, %arg4: memref<10240x128xf32, #tpu.memory_space<hbm>>, %arg5: memref<640x128xf32, #tpu.memory_space<hbm>>, %arg6: memref<2x10240x128xf32, #tpu.memory_space<hbm>>, %arg7: memref<80xi32, #tpu.memory_space<vmem>>, %arg8: memref<80xi32, #tpu.memory_space<vmem>>, %arg9: memref<80x128xf32, #tpu.memory_space<vmem>>, %arg10: memref<80xi32, #tpu.memory_space<vmem>>, %arg11: memref<80xi32, #tpu.memory_space<vmem>>, %arg12: memref<80x128xf32, #tpu.memory_space<vmem>>, %arg13: memref<80xi32, #tpu.memory_space<vmem>>, %arg14: memref<80xi32, #tpu.memory_space<vmem>>, %arg15: memref<80x128xf32, #tpu.memory_space<vmem>>, %arg16: memref<80xi32, #tpu.memory_space<vmem>>, %arg17: memref<80xi32, #tpu.memory_space<vmem>>, %arg18: memref<80x128xf32, #tpu.memory_space<vmem>>, %arg19: memref<10240x128xf32, #tpu.memory_space<vmem_shared>>, %arg20: memref<!tpu.dma_semaphore, #tpu.memory_space<semaphore_mem>>, %arg21: memref<!tpu.dma_semaphore, #tpu.memory_space<semaphore_mem>>, %arg22: memref<!tpu.dma_semaphore, #tpu.memory_space<semaphore_mem>>, %arg23: memref<!tpu.dma_semaphore, #tpu.memory_space<semaphore_mem>>, %arg24: memref<!tpu.dma_semaphore, #tpu.memory_space<semaphore_mem>>, %arg25: memref<!tpu.dma_semaphore, #tpu.memory_space<semaphore_mem>>, %arg26: memref<!tpu.dma_semaphore, #tpu.memory_space<semaphore_mem>>, %arg27: memref<!tpu.dma_semaphore, #tpu.memory_space<semaphore_mem>>, %arg28: memref<!tpu.dma_semaphore, #tpu.memory_space<semaphore_mem>>, %arg29: memref<!tpu.dma_semaphore, #tpu.memory_space<semaphore_mem>>, %arg30: memref<!tpu.dma_semaphore, #tpu.memory_space<semaphore_mem>>, %arg31: memref<!tpu.dma_semaphore, #tpu.memory_space<semaphore_mem>>) attributes {dimension_semantics = [#tpu.dimension_semantics<core_parallel>, #tpu.dimension_semantics<subcore_parallel>], iteration_bounds = array<i64: 2, 16>, scalar_prefetch = 0 : i64, scratch_operands = 25 : i64, tpu.core_type = #tpu.core_type<sc_vector_subcore>, window_params = [{transform_indices = #map}, {transform_indices = #map}, {transform_indices = #map1}, {transform_indices = #map1}, {transform_indices = #map2}]} {
    %mul3A = arith.constant 2 : i32
    %mul3A_0 = arith.muli %arg1, %mul3A : i32
    %add3A = arith.addi %mul3A_0, %arg0 : i32
    %mul3A_1 = arith.constant 10000 : i32
    %mul3A_2 = arith.muli %add3A, %mul3A_1 : i32
    %mul3A_3 = arith.constant 640 : i32
    %mul3A_4 = arith.muli %arg1, %mul3A_3 : i32
    "tpu.region"() ({
      %run_scoped3A = tpu.sem_alloc : memref<!tpu.dma_semaphore, #tpu.memory_space<semaphore_mem>>
      %dma_start3A_143 = arith.constant 0 : i32
      %dma_start3A_144 = tpu.memref_slice %arg19[%mul3A_4, %dma_start3A_143] : memref<10240x128xf32, #tpu.memory_space<vmem_shared>> -> memref<640x128xf32, #tpu.memory_space<vmem_shared>>
      tpu.enqueue_dma source(%arg5 : memref<640x128xf32, #tpu.memory_space<hbm>>) target(%dma_start3A_144 : memref<640x128xf32, #tpu.memory_space<vmem_shared>>) target_semaphore(%run_scoped3A : memref<!tpu.dma_semaphore, #tpu.memory_space<semaphore_mem>>)
      %dma_wait3A_145 = arith.constant 0 : i32
      %dma_wait3A_146 = tpu.memref_slice %arg19[%mul3A_4, %dma_wait3A_145] : memref<10240x128xf32, #tpu.memory_space<vmem_shared>> -> memref<640x128xf32, #tpu.memory_space<vmem_shared>>
      tpu.wait_dma2 semaphore(%run_scoped3A : memref<!tpu.dma_semaphore, #tpu.memory_space<semaphore_mem>>) src(%arg5 : memref<640x128xf32, #tpu.memory_space<hbm>>) dst(%dma_wait3A_146 : memref<640x128xf32, #tpu.memory_space<vmem_shared>>)
      tpu.yield
    }) : () -> ()
    %barrier3A = arith.constant 0 : index
    tpu.barrier barrier_id(%barrier3A)
    %add3A_5 = arith.constant 0 : i32
    %add3A_6 = arith.addi %mul3A_2, %add3A_5 : i32
    %dma_start3A = tpu.memref_slice %arg2[%add3A_6] : memref<320000xi32, #tpu.memory_space<hbm>> -> memref<80xi32, #tpu.memory_space<hbm>>
    %dma_start3A_7 = tpu.memref_slice %arg2[%add3A_6] : memref<320000xi32, #tpu.memory_space<hbm>> -> memref<80xi32, #tpu.memory_space<hbm>>
    tpu.enqueue_dma source(%dma_start3A_7 : memref<80xi32, #tpu.memory_space<hbm>>) target(%arg7 : memref<80xi32, #tpu.memory_space<vmem>>) target_semaphore(%arg24 : memref<!tpu.dma_semaphore, #tpu.memory_space<semaphore_mem>>)
    %dma_start3A_8 = tpu.memref_slice %arg3[%add3A_6] : memref<320000xi32, #tpu.memory_space<hbm>> -> memref<80xi32, #tpu.memory_space<hbm>>
    %dma_start3A_9 = tpu.memref_slice %arg3[%add3A_6] : memref<320000xi32, #tpu.memory_space<hbm>> -> memref<80xi32, #tpu.memory_space<hbm>>
    tpu.enqueue_dma source(%dma_start3A_9 : memref<80xi32, #tpu.memory_space<hbm>>) target(%arg8 : memref<80xi32, #tpu.memory_space<vmem>>) target_semaphore(%arg24 : memref<!tpu.dma_semaphore, #tpu.memory_space<semaphore_mem>>)
    %add3A_10 = arith.constant 80 : i32
    %add3A_11 = arith.addi %mul3A_2, %add3A_10 : i32
    %dma_start3A_12 = tpu.memref_slice %arg2[%add3A_11] : memref<320000xi32, #tpu.memory_space<hbm>> -> memref<80xi32, #tpu.memory_space<hbm>>
    %dma_start3A_13 = tpu.memref_slice %arg2[%add3A_11] : memref<320000xi32, #tpu.memory_space<hbm>> -> memref<80xi32, #tpu.memory_space<hbm>>
    tpu.enqueue_dma source(%dma_start3A_13 : memref<80xi32, #tpu.memory_space<hbm>>) target(%arg10 : memref<80xi32, #tpu.memory_space<vmem>>) target_semaphore(%arg25 : memref<!tpu.dma_semaphore, #tpu.memory_space<semaphore_mem>>)
    %dma_start3A_14 = tpu.memref_slice %arg3[%add3A_11] : memref<320000xi32, #tpu.memory_space<hbm>> -> memref<80xi32, #tpu.memory_space<hbm>>
    %dma_start3A_15 = tpu.memref_slice %arg3[%add3A_11] : memref<320000xi32, #tpu.memory_space<hbm>> -> memref<80xi32, #tpu.memory_space<hbm>>
    tpu.enqueue_dma source(%dma_start3A_15 : memref<80xi32, #tpu.memory_space<hbm>>) target(%arg11 : memref<80xi32, #tpu.memory_space<vmem>>) target_semaphore(%arg25 : memref<!tpu.dma_semaphore, #tpu.memory_space<semaphore_mem>>)
    %add3A_16 = arith.constant 160 : i32
    %add3A_17 = arith.addi %mul3A_2, %add3A_16 : i32
    %dma_start3A_18 = tpu.memref_slice %arg2[%add3A_17] : memref<320000xi32, #tpu.memory_space<hbm>> -> memref<80xi32, #tpu.memory_space<hbm>>
    %dma_start3A_19 = tpu.memref_slice %arg2[%add3A_17] : memref<320000xi32, #tpu.memory_space<hbm>> -> memref<80xi32, #tpu.memory_space<hbm>>
    tpu.enqueue_dma source(%dma_start3A_19 : memref<80xi32, #tpu.memory_space<hbm>>) target(%arg13 : memref<80xi32, #tpu.memory_space<vmem>>) target_semaphore(%arg26 : memref<!tpu.dma_semaphore, #tpu.memory_space<semaphore_mem>>)
    %dma_start3A_20 = tpu.memref_slice %arg3[%add3A_17] : memref<320000xi32, #tpu.memory_space<hbm>> -> memref<80xi32, #tpu.memory_space<hbm>>
    %dma_start3A_21 = tpu.memref_slice %arg3[%add3A_17] : memref<320000xi32, #tpu.memory_space<hbm>> -> memref<80xi32, #tpu.memory_space<hbm>>
    tpu.enqueue_dma source(%dma_start3A_21 : memref<80xi32, #tpu.memory_space<hbm>>) target(%arg14 : memref<80xi32, #tpu.memory_space<vmem>>) target_semaphore(%arg26 : memref<!tpu.dma_semaphore, #tpu.memory_space<semaphore_mem>>)
    %dma_wait3A = arith.constant 0 : i32
    %dma_wait3A_22 = tpu.memref_slice %arg2[%dma_wait3A] : memref<320000xi32, #tpu.memory_space<hbm>> -> memref<80xi32, #tpu.memory_space<hbm>>
    %dma_wait3A_23 = arith.constant 0 : i32
    %dma_wait3A_24 = tpu.memref_slice %arg2[%dma_wait3A_23] : memref<320000xi32, #tpu.memory_space<hbm>> -> memref<80xi32, #tpu.memory_space<hbm>>
    tpu.wait_dma2 semaphore(%arg24 : memref<!tpu.dma_semaphore, #tpu.memory_space<semaphore_mem>>) src(%dma_wait3A_24 : memref<80xi32, #tpu.memory_space<hbm>>) dst(%arg7 : memref<80xi32, #tpu.memory_space<vmem>>)
    %dma_wait3A_25 = arith.constant 0 : i32
    %dma_wait3A_26 = tpu.memref_slice %arg3[%dma_wait3A_25] : memref<320000xi32, #tpu.memory_space<hbm>> -> memref<80xi32, #tpu.memory_space<hbm>>
    %dma_wait3A_27 = arith.constant 0 : i32
    %dma_wait3A_28 = tpu.memref_slice %arg3[%dma_wait3A_27] : memref<320000xi32, #tpu.memory_space<hbm>> -> memref<80xi32, #tpu.memory_space<hbm>>
    tpu.wait_dma2 semaphore(%arg24 : memref<!tpu.dma_semaphore, #tpu.memory_space<semaphore_mem>>) src(%dma_wait3A_28 : memref<80xi32, #tpu.memory_space<hbm>>) dst(%arg8 : memref<80xi32, #tpu.memory_space<vmem>>)
    %dma_start3A_29 = arith.constant 0 : i32
    %dma_start3A_30 = arith.constant 0 : i32
    %dma_start3A_31 = tpu.memref_slice %arg4[%dma_start3A_29, %dma_start3A_30] : memref<10240x128xf32, #tpu.memory_space<hbm>> -> memref<10240x128xf32, #tpu.memory_space<hbm>>
    tpu.enqueue_indirect_dma source(%dma_start3A_31 : memref<10240x128xf32, #tpu.memory_space<hbm>>) target(%arg9 : memref<80x128xf32, #tpu.memory_space<vmem>>) offsets(%arg7 : memref<80xi32, #tpu.memory_space<vmem>>) semaphore(%arg20 : memref<!tpu.dma_semaphore, #tpu.memory_space<semaphore_mem>>)
    %dma_wait3A_32 = arith.constant 0 : i32
    %dma_wait3A_33 = tpu.memref_slice %arg2[%dma_wait3A_32] : memref<320000xi32, #tpu.memory_space<hbm>> -> memref<80xi32, #tpu.memory_space<hbm>>
    %dma_wait3A_34 = arith.constant 0 : i32
    %dma_wait3A_35 = tpu.memref_slice %arg2[%dma_wait3A_34] : memref<320000xi32, #tpu.memory_space<hbm>> -> memref<80xi32, #tpu.memory_space<hbm>>
    tpu.wait_dma2 semaphore(%arg25 : memref<!tpu.dma_semaphore, #tpu.memory_space<semaphore_mem>>) src(%dma_wait3A_35 : memref<80xi32, #tpu.memory_space<hbm>>) dst(%arg10 : memref<80xi32, #tpu.memory_space<vmem>>)
    %dma_wait3A_36 = arith.constant 0 : i32
    %dma_wait3A_37 = tpu.memref_slice %arg3[%dma_wait3A_36] : memref<320000xi32, #tpu.memory_space<hbm>> -> memref<80xi32, #tpu.memory_space<hbm>>
    %dma_wait3A_38 = arith.constant 0 : i32
    %dma_wait3A_39 = tpu.memref_slice %arg3[%dma_wait3A_38] : memref<320000xi32, #tpu.memory_space<hbm>> -> memref<80xi32, #tpu.memory_space<hbm>>
    tpu.wait_dma2 semaphore(%arg25 : memref<!tpu.dma_semaphore, #tpu.memory_space<semaphore_mem>>) src(%dma_wait3A_39 : memref<80xi32, #tpu.memory_space<hbm>>) dst(%arg11 : memref<80xi32, #tpu.memory_space<vmem>>)
    %dma_start3A_40 = arith.constant 0 : i32
    %dma_start3A_41 = arith.constant 0 : i32
    %dma_start3A_42 = tpu.memref_slice %arg4[%dma_start3A_40, %dma_start3A_41] : memref<10240x128xf32, #tpu.memory_space<hbm>> -> memref<10240x128xf32, #tpu.memory_space<hbm>>
    tpu.enqueue_indirect_dma source(%dma_start3A_42 : memref<10240x128xf32, #tpu.memory_space<hbm>>) target(%arg12 : memref<80x128xf32, #tpu.memory_space<vmem>>) offsets(%arg10 : memref<80xi32, #tpu.memory_space<vmem>>) semaphore(%arg21 : memref<!tpu.dma_semaphore, #tpu.memory_space<semaphore_mem>>)
    %dma_wait3A_43 = arith.constant 0 : i32
    %dma_wait3A_44 = arith.constant 0 : i32
    %dma_wait3A_45 = tpu.memref_slice %arg4[%dma_wait3A_43, %dma_wait3A_44] : memref<10240x128xf32, #tpu.memory_space<hbm>> -> memref<10240x128xf32, #tpu.memory_space<hbm>>
    tpu.wait_indirect_dma semaphore(%arg20 : memref<!tpu.dma_semaphore, #tpu.memory_space<semaphore_mem>>) src(%dma_wait3A_45 : memref<10240x128xf32, #tpu.memory_space<hbm>>) dst(%arg9 : memref<80x128xf32, #tpu.memory_space<vmem>>)
    %dma_start3A_46 = arith.constant 0 : i32
    %dma_start3A_47 = arith.constant 0 : i32
    %dma_start3A_48 = tpu.memref_slice %arg19[%dma_start3A_46, %dma_start3A_47] : memref<10240x128xf32, #tpu.memory_space<vmem_shared>> -> memref<10240x128xf32, #tpu.memory_space<vmem_shared>>
    tpu.enqueue_indirect_dma source(%arg9 : memref<80x128xf32, #tpu.memory_space<vmem>>) target(%dma_start3A_48 : memref<10240x128xf32, #tpu.memory_space<vmem_shared>>) offsets(%arg8 : memref<80xi32, #tpu.memory_space<vmem>>) semaphore(%arg28 : memref<!tpu.dma_semaphore, #tpu.memory_space<semaphore_mem>>) {add = true}
    %dma_wait3A_49 = arith.constant 0 : i32
    %dma_wait3A_50 = tpu.memref_slice %arg2[%dma_wait3A_49] : memref<320000xi32, #tpu.memory_space<hbm>> -> memref<80xi32, #tpu.memory_space<hbm>>
    %dma_wait3A_51 = arith.constant 0 : i32
    %dma_wait3A_52 = tpu.memref_slice %arg2[%dma_wait3A_51] : memref<320000xi32, #tpu.memory_space<hbm>> -> memref<80xi32, #tpu.memory_space<hbm>>
    tpu.wait_dma2 semaphore(%arg26 : memref<!tpu.dma_semaphore, #tpu.memory_space<semaphore_mem>>) src(%dma_wait3A_52 : memref<80xi32, #tpu.memory_space<hbm>>) dst(%arg13 : memref<80xi32, #tpu.memory_space<vmem>>)
    %dma_wait3A_53 = arith.constant 0 : i32
    %dma_wait3A_54 = tpu.memref_slice %arg3[%dma_wait3A_53] : memref<320000xi32, #tpu.memory_space<hbm>> -> memref<80xi32, #tpu.memory_space<hbm>>
    %dma_wait3A_55 = arith.constant 0 : i32
    %dma_wait3A_56 = tpu.memref_slice %arg3[%dma_wait3A_55] : memref<320000xi32, #tpu.memory_space<hbm>> -> memref<80xi32, #tpu.memory_space<hbm>>
    tpu.wait_dma2 semaphore(%arg26 : memref<!tpu.dma_semaphore, #tpu.memory_space<semaphore_mem>>) src(%dma_wait3A_56 : memref<80xi32, #tpu.memory_space<hbm>>) dst(%arg14 : memref<80xi32, #tpu.memory_space<vmem>>)
    %dma_start3A_57 = arith.constant 0 : i32
    %dma_start3A_58 = arith.constant 0 : i32
    %dma_start3A_59 = tpu.memref_slice %arg4[%dma_start3A_57, %dma_start3A_58] : memref<10240x128xf32, #tpu.memory_space<hbm>> -> memref<10240x128xf32, #tpu.memory_space<hbm>>
    tpu.enqueue_indirect_dma source(%dma_start3A_59 : memref<10240x128xf32, #tpu.memory_space<hbm>>) target(%arg15 : memref<80x128xf32, #tpu.memory_space<vmem>>) offsets(%arg13 : memref<80xi32, #tpu.memory_space<vmem>>) semaphore(%arg22 : memref<!tpu.dma_semaphore, #tpu.memory_space<semaphore_mem>>)
    %add3A_60 = arith.constant 240 : i32
    %add3A_61 = arith.addi %mul3A_2, %add3A_60 : i32
    %dma_start3A_62 = tpu.memref_slice %arg2[%add3A_61] : memref<320000xi32, #tpu.memory_space<hbm>> -> memref<80xi32, #tpu.memory_space<hbm>>
    %dma_start3A_63 = tpu.memref_slice %arg2[%add3A_61] : memref<320000xi32, #tpu.memory_space<hbm>> -> memref<80xi32, #tpu.memory_space<hbm>>
    tpu.enqueue_dma source(%dma_start3A_63 : memref<80xi32, #tpu.memory_space<hbm>>) target(%arg16 : memref<80xi32, #tpu.memory_space<vmem>>) target_semaphore(%arg27 : memref<!tpu.dma_semaphore, #tpu.memory_space<semaphore_mem>>)
    %dma_start3A_64 = tpu.memref_slice %arg3[%add3A_61] : memref<320000xi32, #tpu.memory_space<hbm>> -> memref<80xi32, #tpu.memory_space<hbm>>
    %dma_start3A_65 = tpu.memref_slice %arg3[%add3A_61] : memref<320000xi32, #tpu.memory_space<hbm>> -> memref<80xi32, #tpu.memory_space<hbm>>
    tpu.enqueue_dma source(%dma_start3A_65 : memref<80xi32, #tpu.memory_space<hbm>>) target(%arg17 : memref<80xi32, #tpu.memory_space<vmem>>) target_semaphore(%arg27 : memref<!tpu.dma_semaphore, #tpu.memory_space<semaphore_mem>>)
    %dma_wait3A_66 = arith.constant 0 : i32
    %dma_wait3A_67 = arith.constant 0 : i32
    %dma_wait3A_68 = tpu.memref_slice %arg4[%dma_wait3A_66, %dma_wait3A_67] : memref<10240x128xf32, #tpu.memory_space<hbm>> -> memref<10240x128xf32, #tpu.memory_space<hbm>>
    tpu.wait_indirect_dma semaphore(%arg21 : memref<!tpu.dma_semaphore, #tpu.memory_space<semaphore_mem>>) src(%dma_wait3A_68 : memref<10240x128xf32, #tpu.memory_space<hbm>>) dst(%arg12 : memref<80x128xf32, #tpu.memory_space<vmem>>)
    %dma_start3A_69 = arith.constant 0 : i32
    %dma_start3A_70 = arith.constant 0 : i32
    %dma_start3A_71 = tpu.memref_slice %arg19[%dma_start3A_69, %dma_start3A_70] : memref<10240x128xf32, #tpu.memory_space<vmem_shared>> -> memref<10240x128xf32, #tpu.memory_space<vmem_shared>>
    tpu.enqueue_indirect_dma source(%arg12 : memref<80x128xf32, #tpu.memory_space<vmem>>) target(%dma_start3A_71 : memref<10240x128xf32, #tpu.memory_space<vmem_shared>>) offsets(%arg11 : memref<80xi32, #tpu.memory_space<vmem>>) semaphore(%arg29 : memref<!tpu.dma_semaphore, #tpu.memory_space<semaphore_mem>>) {add = true}
    %dma_wait3A_72 = arith.constant 0 : i32
    %dma_wait3A_73 = arith.constant 0 : i32
    %dma_wait3A_74 = tpu.memref_slice %arg19[%dma_wait3A_72, %dma_wait3A_73] : memref<10240x128xf32, #tpu.memory_space<vmem_shared>> -> memref<10240x128xf32, #tpu.memory_space<vmem_shared>>
    tpu.wait_indirect_dma semaphore(%arg28 : memref<!tpu.dma_semaphore, #tpu.memory_space<semaphore_mem>>) src(%arg9 : memref<80x128xf32, #tpu.memory_space<vmem>>) dst(%dma_wait3A_74 : memref<10240x128xf32, #tpu.memory_space<vmem_shared>>)
    %dma_wait3A_75 = arith.constant 0 : i32
    %dma_wait3A_76 = tpu.memref_slice %arg2[%dma_wait3A_75] : memref<320000xi32, #tpu.memory_space<hbm>> -> memref<80xi32, #tpu.memory_space<hbm>>
    %dma_wait3A_77 = arith.constant 0 : i32
    %dma_wait3A_78 = tpu.memref_slice %arg2[%dma_wait3A_77] : memref<320000xi32, #tpu.memory_space<hbm>> -> memref<80xi32, #tpu.memory_space<hbm>>
    tpu.wait_dma2 semaphore(%arg27 : memref<!tpu.dma_semaphore, #tpu.memory_space<semaphore_mem>>) src(%dma_wait3A_78 : memref<80xi32, #tpu.memory_space<hbm>>) dst(%arg16 : memref<80xi32, #tpu.memory_space<vmem>>)
    %dma_wait3A_79 = arith.constant 0 : i32
    %dma_wait3A_80 = tpu.memref_slice %arg3[%dma_wait3A_79] : memref<320000xi32, #tpu.memory_space<hbm>> -> memref<80xi32, #tpu.memory_space<hbm>>
    %dma_wait3A_81 = arith.constant 0 : i32
    %dma_wait3A_82 = tpu.memref_slice %arg3[%dma_wait3A_81] : memref<320000xi32, #tpu.memory_space<hbm>> -> memref<80xi32, #tpu.memory_space<hbm>>
    tpu.wait_dma2 semaphore(%arg27 : memref<!tpu.dma_semaphore, #tpu.memory_space<semaphore_mem>>) src(%dma_wait3A_82 : memref<80xi32, #tpu.memory_space<hbm>>) dst(%arg17 : memref<80xi32, #tpu.memory_space<vmem>>)
    %dma_start3A_83 = arith.constant 0 : i32
    %dma_start3A_84 = arith.constant 0 : i32
    %dma_start3A_85 = tpu.memref_slice %arg4[%dma_start3A_83, %dma_start3A_84] : memref<10240x128xf32, #tpu.memory_space<hbm>> -> memref<10240x128xf32, #tpu.memory_space<hbm>>
    tpu.enqueue_indirect_dma source(%dma_start3A_85 : memref<10240x128xf32, #tpu.memory_space<hbm>>) target(%arg18 : memref<80x128xf32, #tpu.memory_space<vmem>>) offsets(%arg16 : memref<80xi32, #tpu.memory_space<vmem>>) semaphore(%arg23 : memref<!tpu.dma_semaphore, #tpu.memory_space<semaphore_mem>>)
    %add3A_86 = arith.constant 320 : i32
    %add3A_87 = arith.addi %mul3A_2, %add3A_86 : i32
    %dma_start3A_88 = tpu.memref_slice %arg2[%add3A_87] : memref<320000xi32, #tpu.memory_space<hbm>> -> memref<80xi32, #tpu.memory_space<hbm>>
    %dma_start3A_89 = tpu.memref_slice %arg2[%add3A_87] : memref<320000xi32, #tpu.memory_space<hbm>> -> memref<80xi32, #tpu.memory_space<hbm>>
    tpu.enqueue_dma source(%dma_start3A_89 : memref<80xi32, #tpu.memory_space<hbm>>) target(%arg7 : memref<80xi32, #tpu.memory_space<vmem>>) target_semaphore(%arg24 : memref<!tpu.dma_semaphore, #tpu.memory_space<semaphore_mem>>)
    %dma_start3A_90 = tpu.memref_slice %arg3[%add3A_87] : memref<320000xi32, #tpu.memory_space<hbm>> -> memref<80xi32, #tpu.memory_space<hbm>>
    %dma_start3A_91 = tpu.memref_slice %arg3[%add3A_87] : memref<320000xi32, #tpu.memory_space<hbm>> -> memref<80xi32, #tpu.memory_space<hbm>>
    tpu.enqueue_dma source(%dma_start3A_91 : memref<80xi32, #tpu.memory_space<hbm>>) target(%arg8 : memref<80xi32, #tpu.memory_space<vmem>>) target_semaphore(%arg24 : memref<!tpu.dma_semaphore, #tpu.memory_space<semaphore_mem>>)
    %scan3A = arith.constant 0 : i32
    %scan3A_92 = arith.constant 0 : i32
    %scan3A_93 = arith.constant 30 : i32
    %scan3A_94 = arith.addi %scan3A_92, %scan3A_93 : i32
    %scan3A_95 = arith.constant 1 : i32
    scf.for %scan3A_143 = %scan3A_92 to %scan3A_94 step %scan3A_95  : i32 {
      %mul3A_144 = arith.constant 4 : i32
      %mul3A_145 = arith.muli %mul3A_144, %scan3A_143 : i32
      %add3A_146 = arith.constant 2 : i32
      %add3A_147 = arith.addi %mul3A_145, %add3A_146 : i32
      %dma_wait3A_148 = arith.constant 0 : i32
      %dma_wait3A_149 = arith.constant 0 : i32
      %dma_wait3A_150 = tpu.memref_slice %arg4[%dma_wait3A_148, %dma_wait3A_149] : memref<10240x128xf32, #tpu.memory_space<hbm>> -> memref<10240x128xf32, #tpu.memory_space<hbm>>
      tpu.wait_indirect_dma semaphore(%arg22 : memref<!tpu.dma_semaphore, #tpu.memory_space<semaphore_mem>>) src(%dma_wait3A_150 : memref<10240x128xf32, #tpu.memory_space<hbm>>) dst(%arg15 : memref<80x128xf32, #tpu.memory_space<vmem>>)
      %dma_start3A_151 = arith.constant 0 : i32
      %dma_start3A_152 = arith.constant 0 : i32
      %dma_start3A_153 = tpu.memref_slice %arg19[%dma_start3A_151, %dma_start3A_152] : memref<10240x128xf32, #tpu.memory_space<vmem_shared>> -> memref<10240x128xf32, #tpu.memory_space<vmem_shared>>
      tpu.enqueue_indirect_dma source(%arg15 : memref<80x128xf32, #tpu.memory_space<vmem>>) target(%dma_start3A_153 : memref<10240x128xf32, #tpu.memory_space<vmem_shared>>) offsets(%arg14 : memref<80xi32, #tpu.memory_space<vmem>>) semaphore(%arg30 : memref<!tpu.dma_semaphore, #tpu.memory_space<semaphore_mem>>) {add = true}
      %dma_wait3A_154 = arith.constant 0 : i32
      %dma_wait3A_155 = arith.constant 0 : i32
      %dma_wait3A_156 = tpu.memref_slice %arg19[%dma_wait3A_154, %dma_wait3A_155] : memref<10240x128xf32, #tpu.memory_space<vmem_shared>> -> memref<10240x128xf32, #tpu.memory_space<vmem_shared>>
      tpu.wait_indirect_dma semaphore(%arg29 : memref<!tpu.dma_semaphore, #tpu.memory_space<semaphore_mem>>) src(%arg12 : memref<80x128xf32, #tpu.memory_space<vmem>>) dst(%dma_wait3A_156 : memref<10240x128xf32, #tpu.memory_space<vmem_shared>>)
      %dma_wait3A_157 = arith.constant 0 : i32
      %dma_wait3A_158 = tpu.memref_slice %arg2[%dma_wait3A_157] : memref<320000xi32, #tpu.memory_space<hbm>> -> memref<80xi32, #tpu.memory_space<hbm>>
      %dma_wait3A_159 = arith.constant 0 : i32
      %dma_wait3A_160 = tpu.memref_slice %arg2[%dma_wait3A_159] : memref<320000xi32, #tpu.memory_space<hbm>> -> memref<80xi32, #tpu.memory_space<hbm>>
      tpu.wait_dma2 semaphore(%arg24 : memref<!tpu.dma_semaphore, #tpu.memory_space<semaphore_mem>>) src(%dma_wait3A_160 : memref<80xi32, #tpu.memory_space<hbm>>) dst(%arg7 : memref<80xi32, #tpu.memory_space<vmem>>)
      %dma_wait3A_161 = arith.constant 0 : i32
      %dma_wait3A_162 = tpu.memref_slice %arg3[%dma_wait3A_161] : memref<320000xi32, #tpu.memory_space<hbm>> -> memref<80xi32, #tpu.memory_space<hbm>>
      %dma_wait3A_163 = arith.constant 0 : i32
      %dma_wait3A_164 = tpu.memref_slice %arg3[%dma_wait3A_163] : memref<320000xi32, #tpu.memory_space<hbm>> -> memref<80xi32, #tpu.memory_space<hbm>>
      tpu.wait_dma2 semaphore(%arg24 : memref<!tpu.dma_semaphore, #tpu.memory_space<semaphore_mem>>) src(%dma_wait3A_164 : memref<80xi32, #tpu.memory_space<hbm>>) dst(%arg8 : memref<80xi32, #tpu.memory_space<vmem>>)
      %dma_start3A_165 = arith.constant 0 : i32
      %dma_start3A_166 = arith.constant 0 : i32
      %dma_start3A_167 = tpu.memref_slice %arg4[%dma_start3A_165, %dma_start3A_166] : memref<10240x128xf32, #tpu.memory_space<hbm>> -> memref<10240x128xf32, #tpu.memory_space<hbm>>
      tpu.enqueue_indirect_dma source(%dma_start3A_167 : memref<10240x128xf32, #tpu.memory_space<hbm>>) target(%arg9 : memref<80x128xf32, #tpu.memory_space<vmem>>) offsets(%arg7 : memref<80xi32, #tpu.memory_space<vmem>>) semaphore(%arg20 : memref<!tpu.dma_semaphore, #tpu.memory_space<semaphore_mem>>)
      %add3A_168 = arith.constant 0 : i32
      %add3A_169 = arith.addi %add3A_147, %add3A_168 : i32
      %add3A_170 = arith.constant 3 : i32
      %add3A_171 = arith.addi %add3A_169, %add3A_170 : i32
      %mul3A_172 = arith.constant 80 : i32
      %mul3A_173 = arith.muli %add3A_171, %mul3A_172 : i32
      %add3A_174 = arith.addi %mul3A_2, %mul3A_173 : i32
      %dma_start3A_175 = tpu.memref_slice %arg2[%add3A_174] : memref<320000xi32, #tpu.memory_space<hbm>> -> memref<80xi32, #tpu.memory_space<hbm>>
      %dma_start3A_176 = tpu.memref_slice %arg2[%add3A_174] : memref<320000xi32, #tpu.memory_space<hbm>> -> memref<80xi32, #tpu.memory_space<hbm>>
      tpu.enqueue_dma source(%dma_start3A_176 : memref<80xi32, #tpu.memory_space<hbm>>) target(%arg10 : memref<80xi32, #tpu.memory_space<vmem>>) target_semaphore(%arg25 : memref<!tpu.dma_semaphore, #tpu.memory_space<semaphore_mem>>)
      %dma_start3A_177 = tpu.memref_slice %arg3[%add3A_174] : memref<320000xi32, #tpu.memory_space<hbm>> -> memref<80xi32, #tpu.memory_space<hbm>>
      %dma_start3A_178 = tpu.memref_slice %arg3[%add3A_174] : memref<320000xi32, #tpu.memory_space<hbm>> -> memref<80xi32, #tpu.memory_space<hbm>>
      tpu.enqueue_dma source(%dma_start3A_178 : memref<80xi32, #tpu.memory_space<hbm>>) target(%arg11 : memref<80xi32, #tpu.memory_space<vmem>>) target_semaphore(%arg25 : memref<!tpu.dma_semaphore, #tpu.memory_space<semaphore_mem>>)
      %dma_wait3A_179 = arith.constant 0 : i32
      %dma_wait3A_180 = arith.constant 0 : i32
      %dma_wait3A_181 = tpu.memref_slice %arg4[%dma_wait3A_179, %dma_wait3A_180] : memref<10240x128xf32, #tpu.memory_space<hbm>> -> memref<10240x128xf32, #tpu.memory_space<hbm>>
      tpu.wait_indirect_dma semaphore(%arg23 : memref<!tpu.dma_semaphore, #tpu.memory_space<semaphore_mem>>) src(%dma_wait3A_181 : memref<10240x128xf32, #tpu.memory_space<hbm>>) dst(%arg18 : memref<80x128xf32, #tpu.memory_space<vmem>>)
      %dma_start3A_182 = arith.constant 0 : i32
      %dma_start3A_183 = arith.constant 0 : i32
      %dma_start3A_184 = tpu.memref_slice %arg19[%dma_start3A_182, %dma_start3A_183] : memref<10240x128xf32, #tpu.memory_space<vmem_shared>> -> memref<10240x128xf32, #tpu.memory_space<vmem_shared>>
      tpu.enqueue_indirect_dma source(%arg18 : memref<80x128xf32, #tpu.memory_space<vmem>>) target(%dma_start3A_184 : memref<10240x128xf32, #tpu.memory_space<vmem_shared>>) offsets(%arg17 : memref<80xi32, #tpu.memory_space<vmem>>) semaphore(%arg31 : memref<!tpu.dma_semaphore, #tpu.memory_space<semaphore_mem>>) {add = true}
      %dma_wait3A_185 = arith.constant 0 : i32
      %dma_wait3A_186 = arith.constant 0 : i32
      %dma_wait3A_187 = tpu.memref_slice %arg19[%dma_wait3A_185, %dma_wait3A_186] : memref<10240x128xf32, #tpu.memory_space<vmem_shared>> -> memref<10240x128xf32, #tpu.memory_space<vmem_shared>>
      tpu.wait_indirect_dma semaphore(%arg30 : memref<!tpu.dma_semaphore, #tpu.memory_space<semaphore_mem>>) src(%arg15 : memref<80x128xf32, #tpu.memory_space<vmem>>) dst(%dma_wait3A_187 : memref<10240x128xf32, #tpu.memory_space<vmem_shared>>)
      %dma_wait3A_188 = arith.constant 0 : i32
      %dma_wait3A_189 = tpu.memref_slice %arg2[%dma_wait3A_188] : memref<320000xi32, #tpu.memory_space<hbm>> -> memref<80xi32, #tpu.memory_space<hbm>>
      %dma_wait3A_190 = arith.constant 0 : i32
      %dma_wait3A_191 = tpu.memref_slice %arg2[%dma_wait3A_190] : memref<320000xi32, #tpu.memory_space<hbm>> -> memref<80xi32, #tpu.memory_space<hbm>>
      tpu.wait_dma2 semaphore(%arg25 : memref<!tpu.dma_semaphore, #tpu.memory_space<semaphore_mem>>) src(%dma_wait3A_191 : memref<80xi32, #tpu.memory_space<hbm>>) dst(%arg10 : memref<80xi32, #tpu.memory_space<vmem>>)
      %dma_wait3A_192 = arith.constant 0 : i32
      %dma_wait3A_193 = tpu.memref_slice %arg3[%dma_wait3A_192] : memref<320000xi32, #tpu.memory_space<hbm>> -> memref<80xi32, #tpu.memory_space<hbm>>
      %dma_wait3A_194 = arith.constant 0 : i32
      %dma_wait3A_195 = tpu.memref_slice %arg3[%dma_wait3A_194] : memref<320000xi32, #tpu.memory_space<hbm>> -> memref<80xi32, #tpu.memory_space<hbm>>
      tpu.wait_dma2 semaphore(%arg25 : memref<!tpu.dma_semaphore, #tpu.memory_space<semaphore_mem>>) src(%dma_wait3A_195 : memref<80xi32, #tpu.memory_space<hbm>>) dst(%arg11 : memref<80xi32, #tpu.memory_space<vmem>>)
      %dma_start3A_196 = arith.constant 0 : i32
      %dma_start3A_197 = arith.constant 0 : i32
      %dma_start3A_198 = tpu.memref_slice %arg4[%dma_start3A_196, %dma_start3A_197] : memref<10240x128xf32, #tpu.memory_space<hbm>> -> memref<10240x128xf32, #tpu.memory_space<hbm>>
      tpu.enqueue_indirect_dma source(%dma_start3A_198 : memref<10240x128xf32, #tpu.memory_space<hbm>>) target(%arg12 : memref<80x128xf32, #tpu.memory_space<vmem>>) offsets(%arg10 : memref<80xi32, #tpu.memory_space<vmem>>) semaphore(%arg21 : memref<!tpu.dma_semaphore, #tpu.memory_space<semaphore_mem>>)
      %add3A_199 = arith.constant 1 : i32
      %add3A_200 = arith.addi %add3A_147, %add3A_199 : i32
      %add3A_201 = arith.constant 3 : i32
      %add3A_202 = arith.addi %add3A_200, %add3A_201 : i32
      %mul3A_203 = arith.constant 80 : i32
      %mul3A_204 = arith.muli %add3A_202, %mul3A_203 : i32
      %add3A_205 = arith.addi %mul3A_2, %mul3A_204 : i32
      %dma_start3A_206 = tpu.memref_slice %arg2[%add3A_205] : memref<320000xi32, #tpu.memory_space<hbm>> -> memref<80xi32, #tpu.memory_space<hbm>>
      %dma_start3A_207 = tpu.memref_slice %arg2[%add3A_205] : memref<320000xi32, #tpu.memory_space<hbm>> -> memref<80xi32, #tpu.memory_space<hbm>>
      tpu.enqueue_dma source(%dma_start3A_207 : memref<80xi32, #tpu.memory_space<hbm>>) target(%arg13 : memref<80xi32, #tpu.memory_space<vmem>>) target_semaphore(%arg26 : memref<!tpu.dma_semaphore, #tpu.memory_space<semaphore_mem>>)
      %dma_start3A_208 = tpu.memref_slice %arg3[%add3A_205] : memref<320000xi32, #tpu.memory_space<hbm>> -> memref<80xi32, #tpu.memory_space<hbm>>
      %dma_start3A_209 = tpu.memref_slice %arg3[%add3A_205] : memref<320000xi32, #tpu.memory_space<hbm>> -> memref<80xi32, #tpu.memory_space<hbm>>
      tpu.enqueue_dma source(%dma_start3A_209 : memref<80xi32, #tpu.memory_space<hbm>>) target(%arg14 : memref<80xi32, #tpu.memory_space<vmem>>) target_semaphore(%arg26 : memref<!tpu.dma_semaphore, #tpu.memory_space<semaphore_mem>>)
      %dma_wait3A_210 = arith.constant 0 : i32
      %dma_wait3A_211 = arith.constant 0 : i32
      %dma_wait3A_212 = tpu.memref_slice %arg4[%dma_wait3A_210, %dma_wait3A_211] : memref<10240x128xf32, #tpu.memory_space<hbm>> -> memref<10240x128xf32, #tpu.memory_space<hbm>>
      tpu.wait_indirect_dma semaphore(%arg20 : memref<!tpu.dma_semaphore, #tpu.memory_space<semaphore_mem>>) src(%dma_wait3A_212 : memref<10240x128xf32, #tpu.memory_space<hbm>>) dst(%arg9 : memref<80x128xf32, #tpu.memory_space<vmem>>)
      %dma_start3A_213 = arith.constant 0 : i32
      %dma_start3A_214 = arith.constant 0 : i32
      %dma_start3A_215 = tpu.memref_slice %arg19[%dma_start3A_213, %dma_start3A_214] : memref<10240x128xf32, #tpu.memory_space<vmem_shared>> -> memref<10240x128xf32, #tpu.memory_space<vmem_shared>>
      tpu.enqueue_indirect_dma source(%arg9 : memref<80x128xf32, #tpu.memory_space<vmem>>) target(%dma_start3A_215 : memref<10240x128xf32, #tpu.memory_space<vmem_shared>>) offsets(%arg8 : memref<80xi32, #tpu.memory_space<vmem>>) semaphore(%arg28 : memref<!tpu.dma_semaphore, #tpu.memory_space<semaphore_mem>>) {add = true}
      %dma_wait3A_216 = arith.constant 0 : i32
      %dma_wait3A_217 = arith.constant 0 : i32
      %dma_wait3A_218 = tpu.memref_slice %arg19[%dma_wait3A_216, %dma_wait3A_217] : memref<10240x128xf32, #tpu.memory_space<vmem_shared>> -> memref<10240x128xf32, #tpu.memory_space<vmem_shared>>
      tpu.wait_indirect_dma semaphore(%arg31 : memref<!tpu.dma_semaphore, #tpu.memory_space<semaphore_mem>>) src(%arg18 : memref<80x128xf32, #tpu.memory_space<vmem>>) dst(%dma_wait3A_218 : memref<10240x128xf32, #tpu.memory_space<vmem_shared>>)
      %dma_wait3A_219 = arith.constant 0 : i32
      %dma_wait3A_220 = tpu.memref_slice %arg2[%dma_wait3A_219] : memref<320000xi32, #tpu.memory_space<hbm>> -> memref<80xi32, #tpu.memory_space<hbm>>
      %dma_wait3A_221 = arith.constant 0 : i32
      %dma_wait3A_222 = tpu.memref_slice %arg2[%dma_wait3A_221] : memref<320000xi32, #tpu.memory_space<hbm>> -> memref<80xi32, #tpu.memory_space<hbm>>
      tpu.wait_dma2 semaphore(%arg26 : memref<!tpu.dma_semaphore, #tpu.memory_space<semaphore_mem>>) src(%dma_wait3A_222 : memref<80xi32, #tpu.memory_space<hbm>>) dst(%arg13 : memref<80xi32, #tpu.memory_space<vmem>>)
      %dma_wait3A_223 = arith.constant 0 : i32
      %dma_wait3A_224 = tpu.memref_slice %arg3[%dma_wait3A_223] : memref<320000xi32, #tpu.memory_space<hbm>> -> memref<80xi32, #tpu.memory_space<hbm>>
      %dma_wait3A_225 = arith.constant 0 : i32
      %dma_wait3A_226 = tpu.memref_slice %arg3[%dma_wait3A_225] : memref<320000xi32, #tpu.memory_space<hbm>> -> memref<80xi32, #tpu.memory_space<hbm>>
      tpu.wait_dma2 semaphore(%arg26 : memref<!tpu.dma_semaphore, #tpu.memory_space<semaphore_mem>>) src(%dma_wait3A_226 : memref<80xi32, #tpu.memory_space<hbm>>) dst(%arg14 : memref<80xi32, #tpu.memory_space<vmem>>)
      %dma_start3A_227 = arith.constant 0 : i32
      %dma_start3A_228 = arith.constant 0 : i32
      %dma_start3A_229 = tpu.memref_slice %arg4[%dma_start3A_227, %dma_start3A_228] : memref<10240x128xf32, #tpu.memory_space<hbm>> -> memref<10240x128xf32, #tpu.memory_space<hbm>>
      tpu.enqueue_indirect_dma source(%dma_start3A_229 : memref<10240x128xf32, #tpu.memory_space<hbm>>) target(%arg15 : memref<80x128xf32, #tpu.memory_space<vmem>>) offsets(%arg13 : memref<80xi32, #tpu.memory_space<vmem>>) semaphore(%arg22 : memref<!tpu.dma_semaphore, #tpu.memory_space<semaphore_mem>>)
      %add3A_230 = arith.constant 2 : i32
      %add3A_231 = arith.addi %add3A_147, %add3A_230 : i32
      %add3A_232 = arith.constant 3 : i32
      %add3A_233 = arith.addi %add3A_231, %add3A_232 : i32
      %mul3A_234 = arith.constant 80 : i32
      %mul3A_235 = arith.muli %add3A_233, %mul3A_234 : i32
      %add3A_236 = arith.addi %mul3A_2, %mul3A_235 : i32
      %dma_start3A_237 = tpu.memref_slice %arg2[%add3A_236] : memref<320000xi32, #tpu.memory_space<hbm>> -> memref<80xi32, #tpu.memory_space<hbm>>
      %dma_start3A_238 = tpu.memref_slice %arg2[%add3A_236] : memref<320000xi32, #tpu.memory_space<hbm>> -> memref<80xi32, #tpu.memory_space<hbm>>
      tpu.enqueue_dma source(%dma_start3A_238 : memref<80xi32, #tpu.memory_space<hbm>>) target(%arg16 : memref<80xi32, #tpu.memory_space<vmem>>) target_semaphore(%arg27 : memref<!tpu.dma_semaphore, #tpu.memory_space<semaphore_mem>>)
      %dma_start3A_239 = tpu.memref_slice %arg3[%add3A_236] : memref<320000xi32, #tpu.memory_space<hbm>> -> memref<80xi32, #tpu.memory_space<hbm>>
      %dma_start3A_240 = tpu.memref_slice %arg3[%add3A_236] : memref<320000xi32, #tpu.memory_space<hbm>> -> memref<80xi32, #tpu.memory_space<hbm>>
      tpu.enqueue_dma source(%dma_start3A_240 : memref<80xi32, #tpu.memory_space<hbm>>) target(%arg17 : memref<80xi32, #tpu.memory_space<vmem>>) target_semaphore(%arg27 : memref<!tpu.dma_semaphore, #tpu.memory_space<semaphore_mem>>)
      %dma_wait3A_241 = arith.constant 0 : i32
      %dma_wait3A_242 = arith.constant 0 : i32
      %dma_wait3A_243 = tpu.memref_slice %arg4[%dma_wait3A_241, %dma_wait3A_242] : memref<10240x128xf32, #tpu.memory_space<hbm>> -> memref<10240x128xf32, #tpu.memory_space<hbm>>
      tpu.wait_indirect_dma semaphore(%arg21 : memref<!tpu.dma_semaphore, #tpu.memory_space<semaphore_mem>>) src(%dma_wait3A_243 : memref<10240x128xf32, #tpu.memory_space<hbm>>) dst(%arg12 : memref<80x128xf32, #tpu.memory_space<vmem>>)
      %dma_start3A_244 = arith.constant 0 : i32
      %dma_start3A_245 = arith.constant 0 : i32
      %dma_start3A_246 = tpu.memref_slice %arg19[%dma_start3A_244, %dma_start3A_245] : memref<10240x128xf32, #tpu.memory_space<vmem_shared>> -> memref<10240x128xf32, #tpu.memory_space<vmem_shared>>
      tpu.enqueue_indirect_dma source(%arg12 : memref<80x128xf32, #tpu.memory_space<vmem>>) target(%dma_start3A_246 : memref<10240x128xf32, #tpu.memory_space<vmem_shared>>) offsets(%arg11 : memref<80xi32, #tpu.memory_space<vmem>>) semaphore(%arg29 : memref<!tpu.dma_semaphore, #tpu.memory_space<semaphore_mem>>) {add = true}
      %dma_wait3A_247 = arith.constant 0 : i32
      %dma_wait3A_248 = arith.constant 0 : i32
      %dma_wait3A_249 = tpu.memref_slice %arg19[%dma_wait3A_247, %dma_wait3A_248] : memref<10240x128xf32, #tpu.memory_space<vmem_shared>> -> memref<10240x128xf32, #tpu.memory_space<vmem_shared>>
      tpu.wait_indirect_dma semaphore(%arg28 : memref<!tpu.dma_semaphore, #tpu.memory_space<semaphore_mem>>) src(%arg9 : memref<80x128xf32, #tpu.memory_space<vmem>>) dst(%dma_wait3A_249 : memref<10240x128xf32, #tpu.memory_space<vmem_shared>>)
      %dma_wait3A_250 = arith.constant 0 : i32
      %dma_wait3A_251 = tpu.memref_slice %arg2[%dma_wait3A_250] : memref<320000xi32, #tpu.memory_space<hbm>> -> memref<80xi32, #tpu.memory_space<hbm>>
      %dma_wait3A_252 = arith.constant 0 : i32
      %dma_wait3A_253 = tpu.memref_slice %arg2[%dma_wait3A_252] : memref<320000xi32, #tpu.memory_space<hbm>> -> memref<80xi32, #tpu.memory_space<hbm>>
      tpu.wait_dma2 semaphore(%arg27 : memref<!tpu.dma_semaphore, #tpu.memory_space<semaphore_mem>>) src(%dma_wait3A_253 : memref<80xi32, #tpu.memory_space<hbm>>) dst(%arg16 : memref<80xi32, #tpu.memory_space<vmem>>)
      %dma_wait3A_254 = arith.constant 0 : i32
      %dma_wait3A_255 = tpu.memref_slice %arg3[%dma_wait3A_254] : memref<320000xi32, #tpu.memory_space<hbm>> -> memref<80xi32, #tpu.memory_space<hbm>>
      %dma_wait3A_256 = arith.constant 0 : i32
      %dma_wait3A_257 = tpu.memref_slice %arg3[%dma_wait3A_256] : memref<320000xi32, #tpu.memory_space<hbm>> -> memref<80xi32, #tpu.memory_space<hbm>>
      tpu.wait_dma2 semaphore(%arg27 : memref<!tpu.dma_semaphore, #tpu.memory_space<semaphore_mem>>) src(%dma_wait3A_257 : memref<80xi32, #tpu.memory_space<hbm>>) dst(%arg17 : memref<80xi32, #tpu.memory_space<vmem>>)
      %dma_start3A_258 = arith.constant 0 : i32
      %dma_start3A_259 = arith.constant 0 : i32
      %dma_start3A_260 = tpu.memref_slice %arg4[%dma_start3A_258, %dma_start3A_259] : memref<10240x128xf32, #tpu.memory_space<hbm>> -> memref<10240x128xf32, #tpu.memory_space<hbm>>
      tpu.enqueue_indirect_dma source(%dma_start3A_260 : memref<10240x128xf32, #tpu.memory_space<hbm>>) target(%arg18 : memref<80x128xf32, #tpu.memory_space<vmem>>) offsets(%arg16 : memref<80xi32, #tpu.memory_space<vmem>>) semaphore(%arg23 : memref<!tpu.dma_semaphore, #tpu.memory_space<semaphore_mem>>)
      %add3A_261 = arith.constant 3 : i32
      %add3A_262 = arith.addi %add3A_147, %add3A_261 : i32
      %add3A_263 = arith.constant 3 : i32
      %add3A_264 = arith.addi %add3A_262, %add3A_263 : i32
      %mul3A_265 = arith.constant 80 : i32
      %mul3A_266 = arith.muli %add3A_264, %mul3A_265 : i32
      %add3A_267 = arith.addi %mul3A_2, %mul3A_266 : i32
      %dma_start3A_268 = tpu.memref_slice %arg2[%add3A_267] : memref<320000xi32, #tpu.memory_space<hbm>> -> memref<80xi32, #tpu.memory_space<hbm>>
      %dma_start3A_269 = tpu.memref_slice %arg2[%add3A_267] : memref<320000xi32, #tpu.memory_space<hbm>> -> memref<80xi32, #tpu.memory_space<hbm>>
      tpu.enqueue_dma source(%dma_start3A_269 : memref<80xi32, #tpu.memory_space<hbm>>) target(%arg7 : memref<80xi32, #tpu.memory_space<vmem>>) target_semaphore(%arg24 : memref<!tpu.dma_semaphore, #tpu.memory_space<semaphore_mem>>)
      %dma_start3A_270 = tpu.memref_slice %arg3[%add3A_267] : memref<320000xi32, #tpu.memory_space<hbm>> -> memref<80xi32, #tpu.memory_space<hbm>>
      %dma_start3A_271 = tpu.memref_slice %arg3[%add3A_267] : memref<320000xi32, #tpu.memory_space<hbm>> -> memref<80xi32, #tpu.memory_space<hbm>>
      tpu.enqueue_dma source(%dma_start3A_271 : memref<80xi32, #tpu.memory_space<hbm>>) target(%arg8 : memref<80xi32, #tpu.memory_space<vmem>>) target_semaphore(%arg24 : memref<!tpu.dma_semaphore, #tpu.memory_space<semaphore_mem>>)
    }
    %scan3A_96 = arith.constant 30 : i32
    %dma_wait3A_97 = arith.constant 0 : i32
    %dma_wait3A_98 = arith.constant 0 : i32
    %dma_wait3A_99 = tpu.memref_slice %arg4[%dma_wait3A_97, %dma_wait3A_98] : memref<10240x128xf32, #tpu.memory_space<hbm>> -> memref<10240x128xf32, #tpu.memory_space<hbm>>
    tpu.wait_indirect_dma semaphore(%arg22 : memref<!tpu.dma_semaphore, #tpu.memory_space<semaphore_mem>>) src(%dma_wait3A_99 : memref<10240x128xf32, #tpu.memory_space<hbm>>) dst(%arg15 : memref<80x128xf32, #tpu.memory_space<vmem>>)
    %dma_start3A_100 = arith.constant 0 : i32
    %dma_start3A_101 = arith.constant 0 : i32
    %dma_start3A_102 = tpu.memref_slice %arg19[%dma_start3A_100, %dma_start3A_101] : memref<10240x128xf32, #tpu.memory_space<vmem_shared>> -> memref<10240x128xf32, #tpu.memory_space<vmem_shared>>
    tpu.enqueue_indirect_dma source(%arg15 : memref<80x128xf32, #tpu.memory_space<vmem>>) target(%dma_start3A_102 : memref<10240x128xf32, #tpu.memory_space<vmem_shared>>) offsets(%arg14 : memref<80xi32, #tpu.memory_space<vmem>>) semaphore(%arg30 : memref<!tpu.dma_semaphore, #tpu.memory_space<semaphore_mem>>) {add = true}
    %dma_wait3A_103 = arith.constant 0 : i32
    %dma_wait3A_104 = arith.constant 0 : i32
    %dma_wait3A_105 = tpu.memref_slice %arg19[%dma_wait3A_103, %dma_wait3A_104] : memref<10240x128xf32, #tpu.memory_space<vmem_shared>> -> memref<10240x128xf32, #tpu.memory_space<vmem_shared>>
    tpu.wait_indirect_dma semaphore(%arg29 : memref<!tpu.dma_semaphore, #tpu.memory_space<semaphore_mem>>) src(%arg12 : memref<80x128xf32, #tpu.memory_space<vmem>>) dst(%dma_wait3A_105 : memref<10240x128xf32, #tpu.memory_space<vmem_shared>>)
    %dma_wait3A_106 = arith.constant 0 : i32
    %dma_wait3A_107 = tpu.memref_slice %arg2[%dma_wait3A_106] : memref<320000xi32, #tpu.memory_space<hbm>> -> memref<80xi32, #tpu.memory_space<hbm>>
    %dma_wait3A_108 = arith.constant 0 : i32
    %dma_wait3A_109 = tpu.memref_slice %arg2[%dma_wait3A_108] : memref<320000xi32, #tpu.memory_space<hbm>> -> memref<80xi32, #tpu.memory_space<hbm>>
    tpu.wait_dma2 semaphore(%arg24 : memref<!tpu.dma_semaphore, #tpu.memory_space<semaphore_mem>>) src(%dma_wait3A_109 : memref<80xi32, #tpu.memory_space<hbm>>) dst(%arg7 : memref<80xi32, #tpu.memory_space<vmem>>)
    %dma_wait3A_110 = arith.constant 0 : i32
    %dma_wait3A_111 = tpu.memref_slice %arg3[%dma_wait3A_110] : memref<320000xi32, #tpu.memory_space<hbm>> -> memref<80xi32, #tpu.memory_space<hbm>>
    %dma_wait3A_112 = arith.constant 0 : i32
    %dma_wait3A_113 = tpu.memref_slice %arg3[%dma_wait3A_112] : memref<320000xi32, #tpu.memory_space<hbm>> -> memref<80xi32, #tpu.memory_space<hbm>>
    tpu.wait_dma2 semaphore(%arg24 : memref<!tpu.dma_semaphore, #tpu.memory_space<semaphore_mem>>) src(%dma_wait3A_113 : memref<80xi32, #tpu.memory_space<hbm>>) dst(%arg8 : memref<80xi32, #tpu.memory_space<vmem>>)
    %dma_start3A_114 = arith.constant 0 : i32
    %dma_start3A_115 = arith.constant 0 : i32
    %dma_start3A_116 = tpu.memref_slice %arg4[%dma_start3A_114, %dma_start3A_115] : memref<10240x128xf32, #tpu.memory_space<hbm>> -> memref<10240x128xf32, #tpu.memory_space<hbm>>
    tpu.enqueue_indirect_dma source(%dma_start3A_116 : memref<10240x128xf32, #tpu.memory_space<hbm>>) target(%arg9 : memref<80x128xf32, #tpu.memory_space<vmem>>) offsets(%arg7 : memref<80xi32, #tpu.memory_space<vmem>>) semaphore(%arg20 : memref<!tpu.dma_semaphore, #tpu.memory_space<semaphore_mem>>)
    %dma_wait3A_117 = arith.constant 0 : i32
    %dma_wait3A_118 = arith.constant 0 : i32
    %dma_wait3A_119 = tpu.memref_slice %arg4[%dma_wait3A_117, %dma_wait3A_118] : memref<10240x128xf32, #tpu.memory_space<hbm>> -> memref<10240x128xf32, #tpu.memory_space<hbm>>
    tpu.wait_indirect_dma semaphore(%arg23 : memref<!tpu.dma_semaphore, #tpu.memory_space<semaphore_mem>>) src(%dma_wait3A_119 : memref<10240x128xf32, #tpu.memory_space<hbm>>) dst(%arg18 : memref<80x128xf32, #tpu.memory_space<vmem>>)
    %dma_start3A_120 = arith.constant 0 : i32
    %dma_start3A_121 = arith.constant 0 : i32
    %dma_start3A_122 = tpu.memref_slice %arg19[%dma_start3A_120, %dma_start3A_121] : memref<10240x128xf32, #tpu.memory_space<vmem_shared>> -> memref<10240x128xf32, #tpu.memory_space<vmem_shared>>
    tpu.enqueue_indirect_dma source(%arg18 : memref<80x128xf32, #tpu.memory_space<vmem>>) target(%dma_start3A_122 : memref<10240x128xf32, #tpu.memory_space<vmem_shared>>) offsets(%arg17 : memref<80xi32, #tpu.memory_space<vmem>>) semaphore(%arg31 : memref<!tpu.dma_semaphore, #tpu.memory_space<semaphore_mem>>) {add = true}
    %dma_wait3A_123 = arith.constant 0 : i32
    %dma_wait3A_124 = arith.constant 0 : i32
    %dma_wait3A_125 = tpu.memref_slice %arg19[%dma_wait3A_123, %dma_wait3A_124] : memref<10240x128xf32, #tpu.memory_space<vmem_shared>> -> memref<10240x128xf32, #tpu.memory_space<vmem_shared>>
    tpu.wait_indirect_dma semaphore(%arg30 : memref<!tpu.dma_semaphore, #tpu.memory_space<semaphore_mem>>) src(%arg15 : memref<80x128xf32, #tpu.memory_space<vmem>>) dst(%dma_wait3A_125 : memref<10240x128xf32, #tpu.memory_space<vmem_shared>>)
    %dma_wait3A_126 = arith.constant 0 : i32
    %dma_wait3A_127 = arith.constant 0 : i32
    %dma_wait3A_128 = tpu.memref_slice %arg4[%dma_wait3A_126, %dma_wait3A_127] : memref<10240x128xf32, #tpu.memory_space<hbm>> -> memref<10240x128xf32, #tpu.memory_space<hbm>>
    tpu.wait_indirect_dma semaphore(%arg20 : memref<!tpu.dma_semaphore, #tpu.memory_space<semaphore_mem>>) src(%dma_wait3A_128 : memref<10240x128xf32, #tpu.memory_space<hbm>>) dst(%arg9 : memref<80x128xf32, #tpu.memory_space<vmem>>)
    %dma_start3A_129 = arith.constant 0 : i32
    %dma_start3A_130 = arith.constant 0 : i32
    %dma_start3A_131 = tpu.memref_slice %arg19[%dma_start3A_129, %dma_start3A_130] : memref<10240x128xf32, #tpu.memory_space<vmem_shared>> -> memref<10240x128xf32, #tpu.memory_space<vmem_shared>>
    tpu.enqueue_indirect_dma source(%arg9 : memref<80x128xf32, #tpu.memory_space<vmem>>) target(%dma_start3A_131 : memref<10240x128xf32, #tpu.memory_space<vmem_shared>>) offsets(%arg8 : memref<80xi32, #tpu.memory_space<vmem>>) semaphore(%arg28 : memref<!tpu.dma_semaphore, #tpu.memory_space<semaphore_mem>>) {add = true}
    %dma_wait3A_132 = arith.constant 0 : i32
    %dma_wait3A_133 = arith.constant 0 : i32
    %dma_wait3A_134 = tpu.memref_slice %arg19[%dma_wait3A_132, %dma_wait3A_133] : memref<10240x128xf32, #tpu.memory_space<vmem_shared>> -> memref<10240x128xf32, #tpu.memory_space<vmem_shared>>
    tpu.wait_indirect_dma semaphore(%arg31 : memref<!tpu.dma_semaphore, #tpu.memory_space<semaphore_mem>>) src(%arg18 : memref<80x128xf32, #tpu.memory_space<vmem>>) dst(%dma_wait3A_134 : memref<10240x128xf32, #tpu.memory_space<vmem_shared>>)
    %dma_wait3A_135 = arith.constant 0 : i32
    %dma_wait3A_136 = arith.constant 0 : i32
    %dma_wait3A_137 = tpu.memref_slice %arg19[%dma_wait3A_135, %dma_wait3A_136] : memref<10240x128xf32, #tpu.memory_space<vmem_shared>> -> memref<10240x128xf32, #tpu.memory_space<vmem_shared>>
    tpu.wait_indirect_dma semaphore(%arg28 : memref<!tpu.dma_semaphore, #tpu.memory_space<semaphore_mem>>) src(%arg9 : memref<80x128xf32, #tpu.memory_space<vmem>>) dst(%dma_wait3A_137 : memref<10240x128xf32, #tpu.memory_space<vmem_shared>>)
    %barrier3A_138 = arith.constant 0 : index
    tpu.barrier barrier_id(%barrier3A_138)
    %mul3A_139 = arith.constant 640 : i32
    %mul3A_140 = arith.muli %arg1, %mul3A_139 : i32
    %mul3A_141 = arith.constant 640 : i32
    %mul3A_142 = arith.muli %arg1, %mul3A_141 : i32
    "tpu.region"() ({
      %run_scoped3A = tpu.sem_alloc : memref<!tpu.dma_semaphore, #tpu.memory_space<semaphore_mem>>
      %dma_start3A_143 = arith.constant 0 : i32
      %dma_start3A_144 = tpu.memref_slice %arg6[%arg0, %mul3A_142, %dma_start3A_143] : memref<2x10240x128xf32, #tpu.memory_space<hbm>> -> memref<1x640x128xf32, #tpu.memory_space<hbm>>
      %dma_start3A_145 = tpu.memref_squeeze %dma_start3A_144 : memref<1x640x128xf32, #tpu.memory_space<hbm>> -> memref<640x128xf32, #tpu.memory_space<hbm>>
      %dma_start3A_146 = arith.constant 0 : i32
      %dma_start3A_147 = tpu.memref_slice %arg19[%mul3A_140, %dma_start3A_146] : memref<10240x128xf32, #tpu.memory_space<vmem_shared>> -> memref<640x128xf32, #tpu.memory_space<vmem_shared>>
      tpu.enqueue_dma source(%dma_start3A_147 : memref<640x128xf32, #tpu.memory_space<vmem_shared>>) target(%dma_start3A_145 : memref<640x128xf32, #tpu.memory_space<hbm>>) target_semaphore(%run_scoped3A : memref<!tpu.dma_semaphore, #tpu.memory_space<semaphore_mem>>)
      %dma_wait3A_148 = arith.constant 0 : i32
      %dma_wait3A_149 = tpu.memref_slice %arg6[%arg0, %mul3A_142, %dma_wait3A_148] : memref<2x10240x128xf32, #tpu.memory_space<hbm>> -> memref<1x640x128xf32, #tpu.memory_space<hbm>>
      %dma_wait3A_150 = tpu.memref_squeeze %dma_wait3A_149 : memref<1x640x128xf32, #tpu.memory_space<hbm>> -> memref<640x128xf32, #tpu.memory_space<hbm>>
      %dma_wait3A_151 = arith.constant 0 : i32
      %dma_wait3A_152 = tpu.memref_slice %arg19[%mul3A_140, %dma_wait3A_151] : memref<10240x128xf32, #tpu.memory_space<vmem_shared>> -> memref<640x128xf32, #tpu.memory_space<vmem_shared>>
      tpu.wait_dma2 semaphore(%run_scoped3A : memref<!tpu.dma_semaphore, #tpu.memory_space<semaphore_mem>>) src(%dma_wait3A_152 : memref<640x128xf32, #tpu.memory_space<vmem_shared>>) dst(%dma_wait3A_150 : memref<640x128xf32, #tpu.memory_space<hbm>>)
      tpu.yield
    }) : () -> ()
    return
  }
}

#map = affine_map<(d0, d1) -> (0)>
#map1 = affine_map<(d0, d1) -> (0, 0)>
#map2 = affine_map<(d0, d1) -> (0, 0, 0)>
module attributes {stable_mosaic.version = 14 : i64} {
  func.func @_prop_body(%arg0: i32, %arg1: i32, %arg2: memref<320000xi32, #tpu.memory_space<hbm>>, %arg3: memref<320000xi32, #tpu.memory_space<hbm>>, %arg4: memref<10240x128xf32, #tpu.memory_space<hbm>>, %arg5: memref<640x128xf32, #tpu.memory_space<hbm>>, %arg6: memref<2x10240x128xf32, #tpu.memory_space<hbm>>, %arg7: memref<80xi32, #tpu.memory_space<vmem>>, %arg8: memref<80xi32, #tpu.memory_space<vmem>>, %arg9: memref<80x128xf32, #tpu.memory_space<vmem>>, %arg10: memref<80xi32, #tpu.memory_space<vmem>>, %arg11: memref<80xi32, #tpu.memory_space<vmem>>, %arg12: memref<80x128xf32, #tpu.memory_space<vmem>>, %arg13: memref<80xi32, #tpu.memory_space<vmem>>, %arg14: memref<80xi32, #tpu.memory_space<vmem>>, %arg15: memref<80x128xf32, #tpu.memory_space<vmem>>, %arg16: memref<80xi32, #tpu.memory_space<vmem>>, %arg17: memref<80xi32, #tpu.memory_space<vmem>>, %arg18: memref<80x128xf32, #tpu.memory_space<vmem>>, %arg19: memref<10240x128xf32, #tpu.memory_space<vmem_shared>>, %arg20: memref<!tpu.dma_semaphore, #tpu.memory_space<semaphore_mem>>, %arg21: memref<!tpu.dma_semaphore, #tpu.memory_space<semaphore_mem>>, %arg22: memref<!tpu.dma_semaphore, #tpu.memory_space<semaphore_mem>>, %arg23: memref<!tpu.dma_semaphore, #tpu.memory_space<semaphore_mem>>, %arg24: memref<!tpu.dma_semaphore, #tpu.memory_space<semaphore_mem>>, %arg25: memref<!tpu.dma_semaphore, #tpu.memory_space<semaphore_mem>>, %arg26: memref<!tpu.dma_semaphore, #tpu.memory_space<semaphore_mem>>, %arg27: memref<!tpu.dma_semaphore, #tpu.memory_space<semaphore_mem>>, %arg28: memref<!tpu.dma_semaphore, #tpu.memory_space<semaphore_mem>>, %arg29: memref<!tpu.dma_semaphore, #tpu.memory_space<semaphore_mem>>, %arg30: memref<!tpu.dma_semaphore, #tpu.memory_space<semaphore_mem>>, %arg31: memref<!tpu.dma_semaphore, #tpu.memory_space<semaphore_mem>>) attributes {dimension_semantics = [#tpu.dimension_semantics<core_parallel>, #tpu.dimension_semantics<subcore_parallel>], iteration_bounds = array<i64: 2, 16>, scalar_prefetch = 0 : i64, scratch_operands = 25 : i64, tpu.core_type = #tpu.core_type<sc_vector_subcore>, window_params = [{transform_indices = #map}, {transform_indices = #map}, {transform_indices = #map1}, {transform_indices = #map1}, {transform_indices = #map2}]} {
    %mul3A = arith.constant 2 : i32
    %mul3A_0 = arith.muli %arg1, %mul3A : i32
    %add3A = arith.addi %mul3A_0, %arg0 : i32
    %mul3A_1 = arith.constant 10000 : i32
    %mul3A_2 = arith.muli %add3A, %mul3A_1 : i32
    %mul3A_3 = arith.constant 640 : i32
    %mul3A_4 = arith.muli %arg1, %mul3A_3 : i32
    "tpu.region"() ({
      %run_scoped3A = tpu.sem_alloc : memref<!tpu.dma_semaphore, #tpu.memory_space<semaphore_mem>>
      %dma_start3A_143 = arith.constant 0 : i32
      %dma_start3A_144 = tpu.memref_slice %arg19[%mul3A_4, %dma_start3A_143] : memref<10240x128xf32, #tpu.memory_space<vmem_shared>> -> memref<640x128xf32, #tpu.memory_space<vmem_shared>>
      tpu.enqueue_dma source(%arg5 : memref<640x128xf32, #tpu.memory_space<hbm>>) target(%dma_start3A_144 : memref<640x128xf32, #tpu.memory_space<vmem_shared>>) target_semaphore(%run_scoped3A : memref<!tpu.dma_semaphore, #tpu.memory_space<semaphore_mem>>)
      %dma_wait3A_145 = arith.constant 0 : i32
      %dma_wait3A_146 = tpu.memref_slice %arg19[%mul3A_4, %dma_wait3A_145] : memref<10240x128xf32, #tpu.memory_space<vmem_shared>> -> memref<640x128xf32, #tpu.memory_space<vmem_shared>>
      tpu.wait_dma2 semaphore(%run_scoped3A : memref<!tpu.dma_semaphore, #tpu.memory_space<semaphore_mem>>) src(%arg5 : memref<640x128xf32, #tpu.memory_space<hbm>>) dst(%dma_wait3A_146 : memref<640x128xf32, #tpu.memory_space<vmem_shared>>)
      tpu.yield
    }) : () -> ()
    %barrier3A = arith.constant 0 : index
    tpu.barrier barrier_id(%barrier3A)
    %add3A_5 = arith.constant 0 : i32
    %add3A_6 = arith.addi %mul3A_2, %add3A_5 : i32
    %dma_start3A = tpu.memref_slice %arg2[%add3A_6] : memref<320000xi32, #tpu.memory_space<hbm>> -> memref<80xi32, #tpu.memory_space<hbm>>
    %dma_start3A_7 = tpu.memref_slice %arg2[%add3A_6] : memref<320000xi32, #tpu.memory_space<hbm>> -> memref<80xi32, #tpu.memory_space<hbm>>
    tpu.enqueue_dma source(%dma_start3A_7 : memref<80xi32, #tpu.memory_space<hbm>>) target(%arg7 : memref<80xi32, #tpu.memory_space<vmem>>) target_semaphore(%arg24 : memref<!tpu.dma_semaphore, #tpu.memory_space<semaphore_mem>>)
    %dma_start3A_8 = tpu.memref_slice %arg3[%add3A_6] : memref<320000xi32, #tpu.memory_space<hbm>> -> memref<80xi32, #tpu.memory_space<hbm>>
    %dma_start3A_9 = tpu.memref_slice %arg3[%add3A_6] : memref<320000xi32, #tpu.memory_space<hbm>> -> memref<80xi32, #tpu.memory_space<hbm>>
    tpu.enqueue_dma source(%dma_start3A_9 : memref<80xi32, #tpu.memory_space<hbm>>) target(%arg8 : memref<80xi32, #tpu.memory_space<vmem>>) target_semaphore(%arg24 : memref<!tpu.dma_semaphore, #tpu.memory_space<semaphore_mem>>)
    %add3A_10 = arith.constant 80 : i32
    %add3A_11 = arith.addi %mul3A_2, %add3A_10 : i32
    %dma_start3A_12 = tpu.memref_slice %arg2[%add3A_11] : memref<320000xi32, #tpu.memory_space<hbm>> -> memref<80xi32, #tpu.memory_space<hbm>>
    %dma_start3A_13 = tpu.memref_slice %arg2[%add3A_11] : memref<320000xi32, #tpu.memory_space<hbm>> -> memref<80xi32, #tpu.memory_space<hbm>>
    tpu.enqueue_dma source(%dma_start3A_13 : memref<80xi32, #tpu.memory_space<hbm>>) target(%arg10 : memref<80xi32, #tpu.memory_space<vmem>>) target_semaphore(%arg25 : memref<!tpu.dma_semaphore, #tpu.memory_space<semaphore_mem>>)
    %dma_start3A_14 = tpu.memref_slice %arg3[%add3A_11] : memref<320000xi32, #tpu.memory_space<hbm>> -> memref<80xi32, #tpu.memory_space<hbm>>
    %dma_start3A_15 = tpu.memref_slice %arg3[%add3A_11] : memref<320000xi32, #tpu.memory_space<hbm>> -> memref<80xi32, #tpu.memory_space<hbm>>
    tpu.enqueue_dma source(%dma_start3A_15 : memref<80xi32, #tpu.memory_space<hbm>>) target(%arg11 : memref<80xi32, #tpu.memory_space<vmem>>) target_semaphore(%arg25 : memref<!tpu.dma_semaphore, #tpu.memory_space<semaphore_mem>>)
    %add3A_16 = arith.constant 160 : i32
    %add3A_17 = arith.addi %mul3A_2, %add3A_16 : i32
    %dma_start3A_18 = tpu.memref_slice %arg2[%add3A_17] : memref<320000xi32, #tpu.memory_space<hbm>> -> memref<80xi32, #tpu.memory_space<hbm>>
    %dma_start3A_19 = tpu.memref_slice %arg2[%add3A_17] : memref<320000xi32, #tpu.memory_space<hbm>> -> memref<80xi32, #tpu.memory_space<hbm>>
    tpu.enqueue_dma source(%dma_start3A_19 : memref<80xi32, #tpu.memory_space<hbm>>) target(%arg13 : memref<80xi32, #tpu.memory_space<vmem>>) target_semaphore(%arg26 : memref<!tpu.dma_semaphore, #tpu.memory_space<semaphore_mem>>)
    %dma_start3A_20 = tpu.memref_slice %arg3[%add3A_17] : memref<320000xi32, #tpu.memory_space<hbm>> -> memref<80xi32, #tpu.memory_space<hbm>>
    %dma_start3A_21 = tpu.memref_slice %arg3[%add3A_17] : memref<320000xi32, #tpu.memory_space<hbm>> -> memref<80xi32, #tpu.memory_space<hbm>>
    tpu.enqueue_dma source(%dma_start3A_21 : memref<80xi32, #tpu.memory_space<hbm>>) target(%arg14 : memref<80xi32, #tpu.memory_space<vmem>>) target_semaphore(%arg26 : memref<!tpu.dma_semaphore, #tpu.memory_space<semaphore_mem>>)
    %dma_wait3A = arith.constant 0 : i32
    %dma_wait3A_22 = tpu.memref_slice %arg2[%dma_wait3A] : memref<320000xi32, #tpu.memory_space<hbm>> -> memref<80xi32, #tpu.memory_space<hbm>>
    %dma_wait3A_23 = arith.constant 0 : i32
    %dma_wait3A_24 = tpu.memref_slice %arg2[%dma_wait3A_23] : memref<320000xi32, #tpu.memory_space<hbm>> -> memref<80xi32, #tpu.memory_space<hbm>>
    tpu.wait_dma2 semaphore(%arg24 : memref<!tpu.dma_semaphore, #tpu.memory_space<semaphore_mem>>) src(%dma_wait3A_24 : memref<80xi32, #tpu.memory_space<hbm>>) dst(%arg7 : memref<80xi32, #tpu.memory_space<vmem>>)
    %dma_wait3A_25 = arith.constant 0 : i32
    %dma_wait3A_26 = tpu.memref_slice %arg3[%dma_wait3A_25] : memref<320000xi32, #tpu.memory_space<hbm>> -> memref<80xi32, #tpu.memory_space<hbm>>
    %dma_wait3A_27 = arith.constant 0 : i32
    %dma_wait3A_28 = tpu.memref_slice %arg3[%dma_wait3A_27] : memref<320000xi32, #tpu.memory_space<hbm>> -> memref<80xi32, #tpu.memory_space<hbm>>
    tpu.wait_dma2 semaphore(%arg24 : memref<!tpu.dma_semaphore, #tpu.memory_space<semaphore_mem>>) src(%dma_wait3A_28 : memref<80xi32, #tpu.memory_space<hbm>>) dst(%arg8 : memref<80xi32, #tpu.memory_space<vmem>>)
    %dma_start3A_29 = arith.constant 0 : i32
    %dma_start3A_30 = arith.constant 0 : i32
    %dma_start3A_31 = tpu.memref_slice %arg4[%dma_start3A_29, %dma_start3A_30] : memref<10240x128xf32, #tpu.memory_space<hbm>> -> memref<10240x128xf32, #tpu.memory_space<hbm>>
    tpu.enqueue_indirect_dma source(%dma_start3A_31 : memref<10240x128xf32, #tpu.memory_space<hbm>>) target(%arg9 : memref<80x128xf32, #tpu.memory_space<vmem>>) offsets(%arg7 : memref<80xi32, #tpu.memory_space<vmem>>) semaphore(%arg20 : memref<!tpu.dma_semaphore, #tpu.memory_space<semaphore_mem>>)
    %dma_wait3A_32 = arith.constant 0 : i32
    %dma_wait3A_33 = tpu.memref_slice %arg2[%dma_wait3A_32] : memref<320000xi32, #tpu.memory_space<hbm>> -> memref<80xi32, #tpu.memory_space<hbm>>
    %dma_wait3A_34 = arith.constant 0 : i32
    %dma_wait3A_35 = tpu.memref_slice %arg2[%dma_wait3A_34] : memref<320000xi32, #tpu.memory_space<hbm>> -> memref<80xi32, #tpu.memory_space<hbm>>
    tpu.wait_dma2 semaphore(%arg25 : memref<!tpu.dma_semaphore, #tpu.memory_space<semaphore_mem>>) src(%dma_wait3A_35 : memref<80xi32, #tpu.memory_space<hbm>>) dst(%arg10 : memref<80xi32, #tpu.memory_space<vmem>>)
    %dma_wait3A_36 = arith.constant 0 : i32
    %dma_wait3A_37 = tpu.memref_slice %arg3[%dma_wait3A_36] : memref<320000xi32, #tpu.memory_space<hbm>> -> memref<80xi32, #tpu.memory_space<hbm>>
    %dma_wait3A_38 = arith.constant 0 : i32
    %dma_wait3A_39 = tpu.memref_slice %arg3[%dma_wait3A_38] : memref<320000xi32, #tpu.memory_space<hbm>> -> memref<80xi32, #tpu.memory_space<hbm>>
    tpu.wait_dma2 semaphore(%arg25 : memref<!tpu.dma_semaphore, #tpu.memory_space<semaphore_mem>>) src(%dma_wait3A_39 : memref<80xi32, #tpu.memory_space<hbm>>) dst(%arg11 : memref<80xi32, #tpu.memory_space<vmem>>)
    %dma_start3A_40 = arith.constant 0 : i32
    %dma_start3A_41 = arith.constant 0 : i32
    %dma_start3A_42 = tpu.memref_slice %arg4[%dma_start3A_40, %dma_start3A_41] : memref<10240x128xf32, #tpu.memory_space<hbm>> -> memref<10240x128xf32, #tpu.memory_space<hbm>>
    tpu.enqueue_indirect_dma source(%dma_start3A_42 : memref<10240x128xf32, #tpu.memory_space<hbm>>) target(%arg12 : memref<80x128xf32, #tpu.memory_space<vmem>>) offsets(%arg10 : memref<80xi32, #tpu.memory_space<vmem>>) semaphore(%arg21 : memref<!tpu.dma_semaphore, #tpu.memory_space<semaphore_mem>>)
    %dma_wait3A_43 = arith.constant 0 : i32
    %dma_wait3A_44 = arith.constant 0 : i32
    %dma_wait3A_45 = tpu.memref_slice %arg4[%dma_wait3A_43, %dma_wait3A_44] : memref<10240x128xf32, #tpu.memory_space<hbm>> -> memref<10240x128xf32, #tpu.memory_space<hbm>>
    tpu.wait_indirect_dma semaphore(%arg20 : memref<!tpu.dma_semaphore, #tpu.memory_space<semaphore_mem>>) src(%dma_wait3A_45 : memref<10240x128xf32, #tpu.memory_space<hbm>>) dst(%arg9 : memref<80x128xf32, #tpu.memory_space<vmem>>)
    %dma_start3A_46 = arith.constant 0 : i32
    %dma_start3A_47 = arith.constant 0 : i32
    %dma_start3A_48 = tpu.memref_slice %arg19[%dma_start3A_46, %dma_start3A_47] : memref<10240x128xf32, #tpu.memory_space<vmem_shared>> -> memref<10240x128xf32, #tpu.memory_space<vmem_shared>>
    tpu.enqueue_indirect_dma source(%arg9 : memref<80x128xf32, #tpu.memory_space<vmem>>) target(%dma_start3A_48 : memref<10240x128xf32, #tpu.memory_space<vmem_shared>>) offsets(%arg8 : memref<80xi32, #tpu.memory_space<vmem>>) semaphore(%arg28 : memref<!tpu.dma_semaphore, #tpu.memory_space<semaphore_mem>>) {add = true}
    %dma_wait3A_49 = arith.constant 0 : i32
    %dma_wait3A_50 = tpu.memref_slice %arg2[%dma_wait3A_49] : memref<320000xi32, #tpu.memory_space<hbm>> -> memref<80xi32, #tpu.memory_space<hbm>>
    %dma_wait3A_51 = arith.constant 0 : i32
    %dma_wait3A_52 = tpu.memref_slice %arg2[%dma_wait3A_51] : memref<320000xi32, #tpu.memory_space<hbm>> -> memref<80xi32, #tpu.memory_space<hbm>>
    tpu.wait_dma2 semaphore(%arg26 : memref<!tpu.dma_semaphore, #tpu.memory_space<semaphore_mem>>) src(%dma_wait3A_52 : memref<80xi32, #tpu.memory_space<hbm>>) dst(%arg13 : memref<80xi32, #tpu.memory_space<vmem>>)
    %dma_wait3A_53 = arith.constant 0 : i32
    %dma_wait3A_54 = tpu.memref_slice %arg3[%dma_wait3A_53] : memref<320000xi32, #tpu.memory_space<hbm>> -> memref<80xi32, #tpu.memory_space<hbm>>
    %dma_wait3A_55 = arith.constant 0 : i32
    %dma_wait3A_56 = tpu.memref_slice %arg3[%dma_wait3A_55] : memref<320000xi32, #tpu.memory_space<hbm>> -> memref<80xi32, #tpu.memory_space<hbm>>
    tpu.wait_dma2 semaphore(%arg26 : memref<!tpu.dma_semaphore, #tpu.memory_space<semaphore_mem>>) src(%dma_wait3A_56 : memref<80xi32, #tpu.memory_space<hbm>>) dst(%arg14 : memref<80xi32, #tpu.memory_space<vmem>>)
    %dma_start3A_57 = arith.constant 0 : i32
    %dma_start3A_58 = arith.constant 0 : i32
    %dma_start3A_59 = tpu.memref_slice %arg4[%dma_start3A_57, %dma_start3A_58] : memref<10240x128xf32, #tpu.memory_space<hbm>> -> memref<10240x128xf32, #tpu.memory_space<hbm>>
    tpu.enqueue_indirect_dma source(%dma_start3A_59 : memref<10240x128xf32, #tpu.memory_space<hbm>>) target(%arg15 : memref<80x128xf32, #tpu.memory_space<vmem>>) offsets(%arg13 : memref<80xi32, #tpu.memory_space<vmem>>) semaphore(%arg22 : memref<!tpu.dma_semaphore, #tpu.memory_space<semaphore_mem>>)
    %add3A_60 = arith.constant 240 : i32
    %add3A_61 = arith.addi %mul3A_2, %add3A_60 : i32
    %dma_start3A_62 = tpu.memref_slice %arg2[%add3A_61] : memref<320000xi32, #tpu.memory_space<hbm>> -> memref<80xi32, #tpu.memory_space<hbm>>
    %dma_start3A_63 = tpu.memref_slice %arg2[%add3A_61] : memref<320000xi32, #tpu.memory_space<hbm>> -> memref<80xi32, #tpu.memory_space<hbm>>
    tpu.enqueue_dma source(%dma_start3A_63 : memref<80xi32, #tpu.memory_space<hbm>>) target(%arg16 : memref<80xi32, #tpu.memory_space<vmem>>) target_semaphore(%arg27 : memref<!tpu.dma_semaphore, #tpu.memory_space<semaphore_mem>>)
    %dma_start3A_64 = tpu.memref_slice %arg3[%add3A_61] : memref<320000xi32, #tpu.memory_space<hbm>> -> memref<80xi32, #tpu.memory_space<hbm>>
    %dma_start3A_65 = tpu.memref_slice %arg3[%add3A_61] : memref<320000xi32, #tpu.memory_space<hbm>> -> memref<80xi32, #tpu.memory_space<hbm>>
    tpu.enqueue_dma source(%dma_start3A_65 : memref<80xi32, #tpu.memory_space<hbm>>) target(%arg17 : memref<80xi32, #tpu.memory_space<vmem>>) target_semaphore(%arg27 : memref<!tpu.dma_semaphore, #tpu.memory_space<semaphore_mem>>)
    %dma_wait3A_66 = arith.constant 0 : i32
    %dma_wait3A_67 = arith.constant 0 : i32
    %dma_wait3A_68 = tpu.memref_slice %arg4[%dma_wait3A_66, %dma_wait3A_67] : memref<10240x128xf32, #tpu.memory_space<hbm>> -> memref<10240x128xf32, #tpu.memory_space<hbm>>
    tpu.wait_indirect_dma semaphore(%arg21 : memref<!tpu.dma_semaphore, #tpu.memory_space<semaphore_mem>>) src(%dma_wait3A_68 : memref<10240x128xf32, #tpu.memory_space<hbm>>) dst(%arg12 : memref<80x128xf32, #tpu.memory_space<vmem>>)
    %dma_start3A_69 = arith.constant 0 : i32
    %dma_start3A_70 = arith.constant 0 : i32
    %dma_start3A_71 = tpu.memref_slice %arg19[%dma_start3A_69, %dma_start3A_70] : memref<10240x128xf32, #tpu.memory_space<vmem_shared>> -> memref<10240x128xf32, #tpu.memory_space<vmem_shared>>
    tpu.enqueue_indirect_dma source(%arg12 : memref<80x128xf32, #tpu.memory_space<vmem>>) target(%dma_start3A_71 : memref<10240x128xf32, #tpu.memory_space<vmem_shared>>) offsets(%arg11 : memref<80xi32, #tpu.memory_space<vmem>>) semaphore(%arg29 : memref<!tpu.dma_semaphore, #tpu.memory_space<semaphore_mem>>) {add = true}
    %dma_wait3A_72 = arith.constant 0 : i32
    %dma_wait3A_73 = arith.constant 0 : i32
    %dma_wait3A_74 = tpu.memref_slice %arg19[%dma_wait3A_72, %dma_wait3A_73] : memref<10240x128xf32, #tpu.memory_space<vmem_shared>> -> memref<10240x128xf32, #tpu.memory_space<vmem_shared>>
    tpu.wait_indirect_dma semaphore(%arg28 : memref<!tpu.dma_semaphore, #tpu.memory_space<semaphore_mem>>) src(%arg9 : memref<80x128xf32, #tpu.memory_space<vmem>>) dst(%dma_wait3A_74 : memref<10240x128xf32, #tpu.memory_space<vmem_shared>>)
    %dma_wait3A_75 = arith.constant 0 : i32
    %dma_wait3A_76 = tpu.memref_slice %arg2[%dma_wait3A_75] : memref<320000xi32, #tpu.memory_space<hbm>> -> memref<80xi32, #tpu.memory_space<hbm>>
    %dma_wait3A_77 = arith.constant 0 : i32
    %dma_wait3A_78 = tpu.memref_slice %arg2[%dma_wait3A_77] : memref<320000xi32, #tpu.memory_space<hbm>> -> memref<80xi32, #tpu.memory_space<hbm>>
    tpu.wait_dma2 semaphore(%arg27 : memref<!tpu.dma_semaphore, #tpu.memory_space<semaphore_mem>>) src(%dma_wait3A_78 : memref<80xi32, #tpu.memory_space<hbm>>) dst(%arg16 : memref<80xi32, #tpu.memory_space<vmem>>)
    %dma_wait3A_79 = arith.constant 0 : i32
    %dma_wait3A_80 = tpu.memref_slice %arg3[%dma_wait3A_79] : memref<320000xi32, #tpu.memory_space<hbm>> -> memref<80xi32, #tpu.memory_space<hbm>>
    %dma_wait3A_81 = arith.constant 0 : i32
    %dma_wait3A_82 = tpu.memref_slice %arg3[%dma_wait3A_81] : memref<320000xi32, #tpu.memory_space<hbm>> -> memref<80xi32, #tpu.memory_space<hbm>>
    tpu.wait_dma2 semaphore(%arg27 : memref<!tpu.dma_semaphore, #tpu.memory_space<semaphore_mem>>) src(%dma_wait3A_82 : memref<80xi32, #tpu.memory_space<hbm>>) dst(%arg17 : memref<80xi32, #tpu.memory_space<vmem>>)
    %dma_start3A_83 = arith.constant 0 : i32
    %dma_start3A_84 = arith.constant 0 : i32
    %dma_start3A_85 = tpu.memref_slice %arg4[%dma_start3A_83, %dma_start3A_84] : memref<10240x128xf32, #tpu.memory_space<hbm>> -> memref<10240x128xf32, #tpu.memory_space<hbm>>
    tpu.enqueue_indirect_dma source(%dma_start3A_85 : memref<10240x128xf32, #tpu.memory_space<hbm>>) target(%arg18 : memref<80x128xf32, #tpu.memory_space<vmem>>) offsets(%arg16 : memref<80xi32, #tpu.memory_space<vmem>>) semaphore(%arg23 : memref<!tpu.dma_semaphore, #tpu.memory_space<semaphore_mem>>)
    %add3A_86 = arith.constant 320 : i32
    %add3A_87 = arith.addi %mul3A_2, %add3A_86 : i32
    %dma_start3A_88 = tpu.memref_slice %arg2[%add3A_87] : memref<320000xi32, #tpu.memory_space<hbm>> -> memref<80xi32, #tpu.memory_space<hbm>>
    %dma_start3A_89 = tpu.memref_slice %arg2[%add3A_87] : memref<320000xi32, #tpu.memory_space<hbm>> -> memref<80xi32, #tpu.memory_space<hbm>>
    tpu.enqueue_dma source(%dma_start3A_89 : memref<80xi32, #tpu.memory_space<hbm>>) target(%arg7 : memref<80xi32, #tpu.memory_space<vmem>>) target_semaphore(%arg24 : memref<!tpu.dma_semaphore, #tpu.memory_space<semaphore_mem>>)
    %dma_start3A_90 = tpu.memref_slice %arg3[%add3A_87] : memref<320000xi32, #tpu.memory_space<hbm>> -> memref<80xi32, #tpu.memory_space<hbm>>
    %dma_start3A_91 = tpu.memref_slice %arg3[%add3A_87] : memref<320000xi32, #tpu.memory_space<hbm>> -> memref<80xi32, #tpu.memory_space<hbm>>
    tpu.enqueue_dma source(%dma_start3A_91 : memref<80xi32, #tpu.memory_space<hbm>>) target(%arg8 : memref<80xi32, #tpu.memory_space<vmem>>) target_semaphore(%arg24 : memref<!tpu.dma_semaphore, #tpu.memory_space<semaphore_mem>>)
    %scan3A = arith.constant 0 : i32
    %scan3A_92 = arith.constant 0 : i32
    %scan3A_93 = arith.constant 30 : i32
    %scan3A_94 = arith.addi %scan3A_92, %scan3A_93 : i32
    %scan3A_95 = arith.constant 1 : i32
    scf.for %scan3A_143 = %scan3A_92 to %scan3A_94 step %scan3A_95  : i32 {
      %mul3A_144 = arith.constant 4 : i32
      %mul3A_145 = arith.muli %mul3A_144, %scan3A_143 : i32
      %add3A_146 = arith.constant 2 : i32
      %add3A_147 = arith.addi %mul3A_145, %add3A_146 : i32
      %dma_wait3A_148 = arith.constant 0 : i32
      %dma_wait3A_149 = arith.constant 0 : i32
      %dma_wait3A_150 = tpu.memref_slice %arg4[%dma_wait3A_148, %dma_wait3A_149] : memref<10240x128xf32, #tpu.memory_space<hbm>> -> memref<10240x128xf32, #tpu.memory_space<hbm>>
      tpu.wait_indirect_dma semaphore(%arg22 : memref<!tpu.dma_semaphore, #tpu.memory_space<semaphore_mem>>) src(%dma_wait3A_150 : memref<10240x128xf32, #tpu.memory_space<hbm>>) dst(%arg15 : memref<80x128xf32, #tpu.memory_space<vmem>>)
      %dma_start3A_151 = arith.constant 0 : i32
      %dma_start3A_152 = arith.constant 0 : i32
      %dma_start3A_153 = tpu.memref_slice %arg19[%dma_start3A_151, %dma_start3A_152] : memref<10240x128xf32, #tpu.memory_space<vmem_shared>> -> memref<10240x128xf32, #tpu.memory_space<vmem_shared>>
      tpu.enqueue_indirect_dma source(%arg15 : memref<80x128xf32, #tpu.memory_space<vmem>>) target(%dma_start3A_153 : memref<10240x128xf32, #tpu.memory_space<vmem_shared>>) offsets(%arg14 : memref<80xi32, #tpu.memory_space<vmem>>) semaphore(%arg30 : memref<!tpu.dma_semaphore, #tpu.memory_space<semaphore_mem>>) {add = true}
      %dma_wait3A_154 = arith.constant 0 : i32
      %dma_wait3A_155 = arith.constant 0 : i32
      %dma_wait3A_156 = tpu.memref_slice %arg19[%dma_wait3A_154, %dma_wait3A_155] : memref<10240x128xf32, #tpu.memory_space<vmem_shared>> -> memref<10240x128xf32, #tpu.memory_space<vmem_shared>>
      tpu.wait_indirect_dma semaphore(%arg29 : memref<!tpu.dma_semaphore, #tpu.memory_space<semaphore_mem>>) src(%arg12 : memref<80x128xf32, #tpu.memory_space<vmem>>) dst(%dma_wait3A_156 : memref<10240x128xf32, #tpu.memory_space<vmem_shared>>)
      %dma_wait3A_157 = arith.constant 0 : i32
      %dma_wait3A_158 = tpu.memref_slice %arg2[%dma_wait3A_157] : memref<320000xi32, #tpu.memory_space<hbm>> -> memref<80xi32, #tpu.memory_space<hbm>>
      %dma_wait3A_159 = arith.constant 0 : i32
      %dma_wait3A_160 = tpu.memref_slice %arg2[%dma_wait3A_159] : memref<320000xi32, #tpu.memory_space<hbm>> -> memref<80xi32, #tpu.memory_space<hbm>>
      tpu.wait_dma2 semaphore(%arg24 : memref<!tpu.dma_semaphore, #tpu.memory_space<semaphore_mem>>) src(%dma_wait3A_160 : memref<80xi32, #tpu.memory_space<hbm>>) dst(%arg7 : memref<80xi32, #tpu.memory_space<vmem>>)
      %dma_wait3A_161 = arith.constant 0 : i32
      %dma_wait3A_162 = tpu.memref_slice %arg3[%dma_wait3A_161] : memref<320000xi32, #tpu.memory_space<hbm>> -> memref<80xi32, #tpu.memory_space<hbm>>
      %dma_wait3A_163 = arith.constant 0 : i32
      %dma_wait3A_164 = tpu.memref_slice %arg3[%dma_wait3A_163] : memref<320000xi32, #tpu.memory_space<hbm>> -> memref<80xi32, #tpu.memory_space<hbm>>
      tpu.wait_dma2 semaphore(%arg24 : memref<!tpu.dma_semaphore, #tpu.memory_space<semaphore_mem>>) src(%dma_wait3A_164 : memref<80xi32, #tpu.memory_space<hbm>>) dst(%arg8 : memref<80xi32, #tpu.memory_space<vmem>>)
      %dma_start3A_165 = arith.constant 0 : i32
      %dma_start3A_166 = arith.constant 0 : i32
      %dma_start3A_167 = tpu.memref_slice %arg4[%dma_start3A_165, %dma_start3A_166] : memref<10240x128xf32, #tpu.memory_space<hbm>> -> memref<10240x128xf32, #tpu.memory_space<hbm>>
      tpu.enqueue_indirect_dma source(%dma_start3A_167 : memref<10240x128xf32, #tpu.memory_space<hbm>>) target(%arg9 : memref<80x128xf32, #tpu.memory_space<vmem>>) offsets(%arg7 : memref<80xi32, #tpu.memory_space<vmem>>) semaphore(%arg20 : memref<!tpu.dma_semaphore, #tpu.memory_space<semaphore_mem>>)
      %add3A_168 = arith.constant 0 : i32
      %add3A_169 = arith.addi %add3A_147, %add3A_168 : i32
      %add3A_170 = arith.constant 3 : i32
      %add3A_171 = arith.addi %add3A_169, %add3A_170 : i32
      %mul3A_172 = arith.constant 80 : i32
      %mul3A_173 = arith.muli %add3A_171, %mul3A_172 : i32
      %add3A_174 = arith.addi %mul3A_2, %mul3A_173 : i32
      %dma_start3A_175 = tpu.memref_slice %arg2[%add3A_174] : memref<320000xi32, #tpu.memory_space<hbm>> -> memref<80xi32, #tpu.memory_space<hbm>>
      %dma_start3A_176 = tpu.memref_slice %arg2[%add3A_174] : memref<320000xi32, #tpu.memory_space<hbm>> -> memref<80xi32, #tpu.memory_space<hbm>>
      tpu.enqueue_dma source(%dma_start3A_176 : memref<80xi32, #tpu.memory_space<hbm>>) target(%arg10 : memref<80xi32, #tpu.memory_space<vmem>>) target_semaphore(%arg25 : memref<!tpu.dma_semaphore, #tpu.memory_space<semaphore_mem>>)
      %dma_start3A_177 = tpu.memref_slice %arg3[%add3A_174] : memref<320000xi32, #tpu.memory_space<hbm>> -> memref<80xi32, #tpu.memory_space<hbm>>
      %dma_start3A_178 = tpu.memref_slice %arg3[%add3A_174] : memref<320000xi32, #tpu.memory_space<hbm>> -> memref<80xi32, #tpu.memory_space<hbm>>
      tpu.enqueue_dma source(%dma_start3A_178 : memref<80xi32, #tpu.memory_space<hbm>>) target(%arg11 : memref<80xi32, #tpu.memory_space<vmem>>) target_semaphore(%arg25 : memref<!tpu.dma_semaphore, #tpu.memory_space<semaphore_mem>>)
      %dma_wait3A_179 = arith.constant 0 : i32
      %dma_wait3A_180 = arith.constant 0 : i32
      %dma_wait3A_181 = tpu.memref_slice %arg4[%dma_wait3A_179, %dma_wait3A_180] : memref<10240x128xf32, #tpu.memory_space<hbm>> -> memref<10240x128xf32, #tpu.memory_space<hbm>>
      tpu.wait_indirect_dma semaphore(%arg23 : memref<!tpu.dma_semaphore, #tpu.memory_space<semaphore_mem>>) src(%dma_wait3A_181 : memref<10240x128xf32, #tpu.memory_space<hbm>>) dst(%arg18 : memref<80x128xf32, #tpu.memory_space<vmem>>)
      %dma_start3A_182 = arith.constant 0 : i32
      %dma_start3A_183 = arith.constant 0 : i32
      %dma_start3A_184 = tpu.memref_slice %arg19[%dma_start3A_182, %dma_start3A_183] : memref<10240x128xf32, #tpu.memory_space<vmem_shared>> -> memref<10240x128xf32, #tpu.memory_space<vmem_shared>>
      tpu.enqueue_indirect_dma source(%arg18 : memref<80x128xf32, #tpu.memory_space<vmem>>) target(%dma_start3A_184 : memref<10240x128xf32, #tpu.memory_space<vmem_shared>>) offsets(%arg17 : memref<80xi32, #tpu.memory_space<vmem>>) semaphore(%arg31 : memref<!tpu.dma_semaphore, #tpu.memory_space<semaphore_mem>>) {add = true}
      %dma_wait3A_185 = arith.constant 0 : i32
      %dma_wait3A_186 = arith.constant 0 : i32
      %dma_wait3A_187 = tpu.memref_slice %arg19[%dma_wait3A_185, %dma_wait3A_186] : memref<10240x128xf32, #tpu.memory_space<vmem_shared>> -> memref<10240x128xf32, #tpu.memory_space<vmem_shared>>
      tpu.wait_indirect_dma semaphore(%arg30 : memref<!tpu.dma_semaphore, #tpu.memory_space<semaphore_mem>>) src(%arg15 : memref<80x128xf32, #tpu.memory_space<vmem>>) dst(%dma_wait3A_187 : memref<10240x128xf32, #tpu.memory_space<vmem_shared>>)
      %dma_wait3A_188 = arith.constant 0 : i32
      %dma_wait3A_189 = tpu.memref_slice %arg2[%dma_wait3A_188] : memref<320000xi32, #tpu.memory_space<hbm>> -> memref<80xi32, #tpu.memory_space<hbm>>
      %dma_wait3A_190 = arith.constant 0 : i32
      %dma_wait3A_191 = tpu.memref_slice %arg2[%dma_wait3A_190] : memref<320000xi32, #tpu.memory_space<hbm>> -> memref<80xi32, #tpu.memory_space<hbm>>
      tpu.wait_dma2 semaphore(%arg25 : memref<!tpu.dma_semaphore, #tpu.memory_space<semaphore_mem>>) src(%dma_wait3A_191 : memref<80xi32, #tpu.memory_space<hbm>>) dst(%arg10 : memref<80xi32, #tpu.memory_space<vmem>>)
      %dma_wait3A_192 = arith.constant 0 : i32
      %dma_wait3A_193 = tpu.memref_slice %arg3[%dma_wait3A_192] : memref<320000xi32, #tpu.memory_space<hbm>> -> memref<80xi32, #tpu.memory_space<hbm>>
      %dma_wait3A_194 = arith.constant 0 : i32
      %dma_wait3A_195 = tpu.memref_slice %arg3[%dma_wait3A_194] : memref<320000xi32, #tpu.memory_space<hbm>> -> memref<80xi32, #tpu.memory_space<hbm>>
      tpu.wait_dma2 semaphore(%arg25 : memref<!tpu.dma_semaphore, #tpu.memory_space<semaphore_mem>>) src(%dma_wait3A_195 : memref<80xi32, #tpu.memory_space<hbm>>) dst(%arg11 : memref<80xi32, #tpu.memory_space<vmem>>)
      %dma_start3A_196 = arith.constant 0 : i32
      %dma_start3A_197 = arith.constant 0 : i32
      %dma_start3A_198 = tpu.memref_slice %arg4[%dma_start3A_196, %dma_start3A_197] : memref<10240x128xf32, #tpu.memory_space<hbm>> -> memref<10240x128xf32, #tpu.memory_space<hbm>>
      tpu.enqueue_indirect_dma source(%dma_start3A_198 : memref<10240x128xf32, #tpu.memory_space<hbm>>) target(%arg12 : memref<80x128xf32, #tpu.memory_space<vmem>>) offsets(%arg10 : memref<80xi32, #tpu.memory_space<vmem>>) semaphore(%arg21 : memref<!tpu.dma_semaphore, #tpu.memory_space<semaphore_mem>>)
      %add3A_199 = arith.constant 1 : i32
      %add3A_200 = arith.addi %add3A_147, %add3A_199 : i32
      %add3A_201 = arith.constant 3 : i32
      %add3A_202 = arith.addi %add3A_200, %add3A_201 : i32
      %mul3A_203 = arith.constant 80 : i32
      %mul3A_204 = arith.muli %add3A_202, %mul3A_203 : i32
      %add3A_205 = arith.addi %mul3A_2, %mul3A_204 : i32
      %dma_start3A_206 = tpu.memref_slice %arg2[%add3A_205] : memref<320000xi32, #tpu.memory_space<hbm>> -> memref<80xi32, #tpu.memory_space<hbm>>
      %dma_start3A_207 = tpu.memref_slice %arg2[%add3A_205] : memref<320000xi32, #tpu.memory_space<hbm>> -> memref<80xi32, #tpu.memory_space<hbm>>
      tpu.enqueue_dma source(%dma_start3A_207 : memref<80xi32, #tpu.memory_space<hbm>>) target(%arg13 : memref<80xi32, #tpu.memory_space<vmem>>) target_semaphore(%arg26 : memref<!tpu.dma_semaphore, #tpu.memory_space<semaphore_mem>>)
      %dma_start3A_208 = tpu.memref_slice %arg3[%add3A_205] : memref<320000xi32, #tpu.memory_space<hbm>> -> memref<80xi32, #tpu.memory_space<hbm>>
      %dma_start3A_209 = tpu.memref_slice %arg3[%add3A_205] : memref<320000xi32, #tpu.memory_space<hbm>> -> memref<80xi32, #tpu.memory_space<hbm>>
      tpu.enqueue_dma source(%dma_start3A_209 : memref<80xi32, #tpu.memory_space<hbm>>) target(%arg14 : memref<80xi32, #tpu.memory_space<vmem>>) target_semaphore(%arg26 : memref<!tpu.dma_semaphore, #tpu.memory_space<semaphore_mem>>)
      %dma_wait3A_210 = arith.constant 0 : i32
      %dma_wait3A_211 = arith.constant 0 : i32
      %dma_wait3A_212 = tpu.memref_slice %arg4[%dma_wait3A_210, %dma_wait3A_211] : memref<10240x128xf32, #tpu.memory_space<hbm>> -> memref<10240x128xf32, #tpu.memory_space<hbm>>
      tpu.wait_indirect_dma semaphore(%arg20 : memref<!tpu.dma_semaphore, #tpu.memory_space<semaphore_mem>>) src(%dma_wait3A_212 : memref<10240x128xf32, #tpu.memory_space<hbm>>) dst(%arg9 : memref<80x128xf32, #tpu.memory_space<vmem>>)
      %dma_start3A_213 = arith.constant 0 : i32
      %dma_start3A_214 = arith.constant 0 : i32
      %dma_start3A_215 = tpu.memref_slice %arg19[%dma_start3A_213, %dma_start3A_214] : memref<10240x128xf32, #tpu.memory_space<vmem_shared>> -> memref<10240x128xf32, #tpu.memory_space<vmem_shared>>
      tpu.enqueue_indirect_dma source(%arg9 : memref<80x128xf32, #tpu.memory_space<vmem>>) target(%dma_start3A_215 : memref<10240x128xf32, #tpu.memory_space<vmem_shared>>) offsets(%arg8 : memref<80xi32, #tpu.memory_space<vmem>>) semaphore(%arg28 : memref<!tpu.dma_semaphore, #tpu.memory_space<semaphore_mem>>) {add = true}
      %dma_wait3A_216 = arith.constant 0 : i32
      %dma_wait3A_217 = arith.constant 0 : i32
      %dma_wait3A_218 = tpu.memref_slice %arg19[%dma_wait3A_216, %dma_wait3A_217] : memref<10240x128xf32, #tpu.memory_space<vmem_shared>> -> memref<10240x128xf32, #tpu.memory_space<vmem_shared>>
      tpu.wait_indirect_dma semaphore(%arg31 : memref<!tpu.dma_semaphore, #tpu.memory_space<semaphore_mem>>) src(%arg18 : memref<80x128xf32, #tpu.memory_space<vmem>>) dst(%dma_wait3A_218 : memref<10240x128xf32, #tpu.memory_space<vmem_shared>>)
      %dma_wait3A_219 = arith.constant 0 : i32
      %dma_wait3A_220 = tpu.memref_slice %arg2[%dma_wait3A_219] : memref<320000xi32, #tpu.memory_space<hbm>> -> memref<80xi32, #tpu.memory_space<hbm>>
      %dma_wait3A_221 = arith.constant 0 : i32
      %dma_wait3A_222 = tpu.memref_slice %arg2[%dma_wait3A_221] : memref<320000xi32, #tpu.memory_space<hbm>> -> memref<80xi32, #tpu.memory_space<hbm>>
      tpu.wait_dma2 semaphore(%arg26 : memref<!tpu.dma_semaphore, #tpu.memory_space<semaphore_mem>>) src(%dma_wait3A_222 : memref<80xi32, #tpu.memory_space<hbm>>) dst(%arg13 : memref<80xi32, #tpu.memory_space<vmem>>)
      %dma_wait3A_223 = arith.constant 0 : i32
      %dma_wait3A_224 = tpu.memref_slice %arg3[%dma_wait3A_223] : memref<320000xi32, #tpu.memory_space<hbm>> -> memref<80xi32, #tpu.memory_space<hbm>>
      %dma_wait3A_225 = arith.constant 0 : i32
      %dma_wait3A_226 = tpu.memref_slice %arg3[%dma_wait3A_225] : memref<320000xi32, #tpu.memory_space<hbm>> -> memref<80xi32, #tpu.memory_space<hbm>>
      tpu.wait_dma2 semaphore(%arg26 : memref<!tpu.dma_semaphore, #tpu.memory_space<semaphore_mem>>) src(%dma_wait3A_226 : memref<80xi32, #tpu.memory_space<hbm>>) dst(%arg14 : memref<80xi32, #tpu.memory_space<vmem>>)
      %dma_start3A_227 = arith.constant 0 : i32
      %dma_start3A_228 = arith.constant 0 : i32
      %dma_start3A_229 = tpu.memref_slice %arg4[%dma_start3A_227, %dma_start3A_228] : memref<10240x128xf32, #tpu.memory_space<hbm>> -> memref<10240x128xf32, #tpu.memory_space<hbm>>
      tpu.enqueue_indirect_dma source(%dma_start3A_229 : memref<10240x128xf32, #tpu.memory_space<hbm>>) target(%arg15 : memref<80x128xf32, #tpu.memory_space<vmem>>) offsets(%arg13 : memref<80xi32, #tpu.memory_space<vmem>>) semaphore(%arg22 : memref<!tpu.dma_semaphore, #tpu.memory_space<semaphore_mem>>)
      %add3A_230 = arith.constant 2 : i32
      %add3A_231 = arith.addi %add3A_147, %add3A_230 : i32
      %add3A_232 = arith.constant 3 : i32
      %add3A_233 = arith.addi %add3A_231, %add3A_232 : i32
      %mul3A_234 = arith.constant 80 : i32
      %mul3A_235 = arith.muli %add3A_233, %mul3A_234 : i32
      %add3A_236 = arith.addi %mul3A_2, %mul3A_235 : i32
      %dma_start3A_237 = tpu.memref_slice %arg2[%add3A_236] : memref<320000xi32, #tpu.memory_space<hbm>> -> memref<80xi32, #tpu.memory_space<hbm>>
      %dma_start3A_238 = tpu.memref_slice %arg2[%add3A_236] : memref<320000xi32, #tpu.memory_space<hbm>> -> memref<80xi32, #tpu.memory_space<hbm>>
      tpu.enqueue_dma source(%dma_start3A_238 : memref<80xi32, #tpu.memory_space<hbm>>) target(%arg16 : memref<80xi32, #tpu.memory_space<vmem>>) target_semaphore(%arg27 : memref<!tpu.dma_semaphore, #tpu.memory_space<semaphore_mem>>)
      %dma_start3A_239 = tpu.memref_slice %arg3[%add3A_236] : memref<320000xi32, #tpu.memory_space<hbm>> -> memref<80xi32, #tpu.memory_space<hbm>>
      %dma_start3A_240 = tpu.memref_slice %arg3[%add3A_236] : memref<320000xi32, #tpu.memory_space<hbm>> -> memref<80xi32, #tpu.memory_space<hbm>>
      tpu.enqueue_dma source(%dma_start3A_240 : memref<80xi32, #tpu.memory_space<hbm>>) target(%arg17 : memref<80xi32, #tpu.memory_space<vmem>>) target_semaphore(%arg27 : memref<!tpu.dma_semaphore, #tpu.memory_space<semaphore_mem>>)
      %dma_wait3A_241 = arith.constant 0 : i32
      %dma_wait3A_242 = arith.constant 0 : i32
      %dma_wait3A_243 = tpu.memref_slice %arg4[%dma_wait3A_241, %dma_wait3A_242] : memref<10240x128xf32, #tpu.memory_space<hbm>> -> memref<10240x128xf32, #tpu.memory_space<hbm>>
      tpu.wait_indirect_dma semaphore(%arg21 : memref<!tpu.dma_semaphore, #tpu.memory_space<semaphore_mem>>) src(%dma_wait3A_243 : memref<10240x128xf32, #tpu.memory_space<hbm>>) dst(%arg12 : memref<80x128xf32, #tpu.memory_space<vmem>>)
      %dma_start3A_244 = arith.constant 0 : i32
      %dma_start3A_245 = arith.constant 0 : i32
      %dma_start3A_246 = tpu.memref_slice %arg19[%dma_start3A_244, %dma_start3A_245] : memref<10240x128xf32, #tpu.memory_space<vmem_shared>> -> memref<10240x128xf32, #tpu.memory_space<vmem_shared>>
      tpu.enqueue_indirect_dma source(%arg12 : memref<80x128xf32, #tpu.memory_space<vmem>>) target(%dma_start3A_246 : memref<10240x128xf32, #tpu.memory_space<vmem_shared>>) offsets(%arg11 : memref<80xi32, #tpu.memory_space<vmem>>) semaphore(%arg29 : memref<!tpu.dma_semaphore, #tpu.memory_space<semaphore_mem>>) {add = true}
      %dma_wait3A_247 = arith.constant 0 : i32
      %dma_wait3A_248 = arith.constant 0 : i32
      %dma_wait3A_249 = tpu.memref_slice %arg19[%dma_wait3A_247, %dma_wait3A_248] : memref<10240x128xf32, #tpu.memory_space<vmem_shared>> -> memref<10240x128xf32, #tpu.memory_space<vmem_shared>>
      tpu.wait_indirect_dma semaphore(%arg28 : memref<!tpu.dma_semaphore, #tpu.memory_space<semaphore_mem>>) src(%arg9 : memref<80x128xf32, #tpu.memory_space<vmem>>) dst(%dma_wait3A_249 : memref<10240x128xf32, #tpu.memory_space<vmem_shared>>)
      %dma_wait3A_250 = arith.constant 0 : i32
      %dma_wait3A_251 = tpu.memref_slice %arg2[%dma_wait3A_250] : memref<320000xi32, #tpu.memory_space<hbm>> -> memref<80xi32, #tpu.memory_space<hbm>>
      %dma_wait3A_252 = arith.constant 0 : i32
      %dma_wait3A_253 = tpu.memref_slice %arg2[%dma_wait3A_252] : memref<320000xi32, #tpu.memory_space<hbm>> -> memref<80xi32, #tpu.memory_space<hbm>>
      tpu.wait_dma2 semaphore(%arg27 : memref<!tpu.dma_semaphore, #tpu.memory_space<semaphore_mem>>) src(%dma_wait3A_253 : memref<80xi32, #tpu.memory_space<hbm>>) dst(%arg16 : memref<80xi32, #tpu.memory_space<vmem>>)
      %dma_wait3A_254 = arith.constant 0 : i32
      %dma_wait3A_255 = tpu.memref_slice %arg3[%dma_wait3A_254] : memref<320000xi32, #tpu.memory_space<hbm>> -> memref<80xi32, #tpu.memory_space<hbm>>
      %dma_wait3A_256 = arith.constant 0 : i32
      %dma_wait3A_257 = tpu.memref_slice %arg3[%dma_wait3A_256] : memref<320000xi32, #tpu.memory_space<hbm>> -> memref<80xi32, #tpu.memory_space<hbm>>
      tpu.wait_dma2 semaphore(%arg27 : memref<!tpu.dma_semaphore, #tpu.memory_space<semaphore_mem>>) src(%dma_wait3A_257 : memref<80xi32, #tpu.memory_space<hbm>>) dst(%arg17 : memref<80xi32, #tpu.memory_space<vmem>>)
      %dma_start3A_258 = arith.constant 0 : i32
      %dma_start3A_259 = arith.constant 0 : i32
      %dma_start3A_260 = tpu.memref_slice %arg4[%dma_start3A_258, %dma_start3A_259] : memref<10240x128xf32, #tpu.memory_space<hbm>> -> memref<10240x128xf32, #tpu.memory_space<hbm>>
      tpu.enqueue_indirect_dma source(%dma_start3A_260 : memref<10240x128xf32, #tpu.memory_space<hbm>>) target(%arg18 : memref<80x128xf32, #tpu.memory_space<vmem>>) offsets(%arg16 : memref<80xi32, #tpu.memory_space<vmem>>) semaphore(%arg23 : memref<!tpu.dma_semaphore, #tpu.memory_space<semaphore_mem>>)
      %add3A_261 = arith.constant 3 : i32
      %add3A_262 = arith.addi %add3A_147, %add3A_261 : i32
      %add3A_263 = arith.constant 3 : i32
      %add3A_264 = arith.addi %add3A_262, %add3A_263 : i32
      %mul3A_265 = arith.constant 80 : i32
      %mul3A_266 = arith.muli %add3A_264, %mul3A_265 : i32
      %add3A_267 = arith.addi %mul3A_2, %mul3A_266 : i32
      %dma_start3A_268 = tpu.memref_slice %arg2[%add3A_267] : memref<320000xi32, #tpu.memory_space<hbm>> -> memref<80xi32, #tpu.memory_space<hbm>>
      %dma_start3A_269 = tpu.memref_slice %arg2[%add3A_267] : memref<320000xi32, #tpu.memory_space<hbm>> -> memref<80xi32, #tpu.memory_space<hbm>>
      tpu.enqueue_dma source(%dma_start3A_269 : memref<80xi32, #tpu.memory_space<hbm>>) target(%arg7 : memref<80xi32, #tpu.memory_space<vmem>>) target_semaphore(%arg24 : memref<!tpu.dma_semaphore, #tpu.memory_space<semaphore_mem>>)
      %dma_start3A_270 = tpu.memref_slice %arg3[%add3A_267] : memref<320000xi32, #tpu.memory_space<hbm>> -> memref<80xi32, #tpu.memory_space<hbm>>
      %dma_start3A_271 = tpu.memref_slice %arg3[%add3A_267] : memref<320000xi32, #tpu.memory_space<hbm>> -> memref<80xi32, #tpu.memory_space<hbm>>
      tpu.enqueue_dma source(%dma_start3A_271 : memref<80xi32, #tpu.memory_space<hbm>>) target(%arg8 : memref<80xi32, #tpu.memory_space<vmem>>) target_semaphore(%arg24 : memref<!tpu.dma_semaphore, #tpu.memory_space<semaphore_mem>>)
    }
    %scan3A_96 = arith.constant 30 : i32
    %dma_wait3A_97 = arith.constant 0 : i32
    %dma_wait3A_98 = arith.constant 0 : i32
    %dma_wait3A_99 = tpu.memref_slice %arg4[%dma_wait3A_97, %dma_wait3A_98] : memref<10240x128xf32, #tpu.memory_space<hbm>> -> memref<10240x128xf32, #tpu.memory_space<hbm>>
    tpu.wait_indirect_dma semaphore(%arg22 : memref<!tpu.dma_semaphore, #tpu.memory_space<semaphore_mem>>) src(%dma_wait3A_99 : memref<10240x128xf32, #tpu.memory_space<hbm>>) dst(%arg15 : memref<80x128xf32, #tpu.memory_space<vmem>>)
    %dma_start3A_100 = arith.constant 0 : i32
    %dma_start3A_101 = arith.constant 0 : i32
    %dma_start3A_102 = tpu.memref_slice %arg19[%dma_start3A_100, %dma_start3A_101] : memref<10240x128xf32, #tpu.memory_space<vmem_shared>> -> memref<10240x128xf32, #tpu.memory_space<vmem_shared>>
    tpu.enqueue_indirect_dma source(%arg15 : memref<80x128xf32, #tpu.memory_space<vmem>>) target(%dma_start3A_102 : memref<10240x128xf32, #tpu.memory_space<vmem_shared>>) offsets(%arg14 : memref<80xi32, #tpu.memory_space<vmem>>) semaphore(%arg30 : memref<!tpu.dma_semaphore, #tpu.memory_space<semaphore_mem>>) {add = true}
    %dma_wait3A_103 = arith.constant 0 : i32
    %dma_wait3A_104 = arith.constant 0 : i32
    %dma_wait3A_105 = tpu.memref_slice %arg19[%dma_wait3A_103, %dma_wait3A_104] : memref<10240x128xf32, #tpu.memory_space<vmem_shared>> -> memref<10240x128xf32, #tpu.memory_space<vmem_shared>>
    tpu.wait_indirect_dma semaphore(%arg29 : memref<!tpu.dma_semaphore, #tpu.memory_space<semaphore_mem>>) src(%arg12 : memref<80x128xf32, #tpu.memory_space<vmem>>) dst(%dma_wait3A_105 : memref<10240x128xf32, #tpu.memory_space<vmem_shared>>)
    %dma_wait3A_106 = arith.constant 0 : i32
    %dma_wait3A_107 = tpu.memref_slice %arg2[%dma_wait3A_106] : memref<320000xi32, #tpu.memory_space<hbm>> -> memref<80xi32, #tpu.memory_space<hbm>>
    %dma_wait3A_108 = arith.constant 0 : i32
    %dma_wait3A_109 = tpu.memref_slice %arg2[%dma_wait3A_108] : memref<320000xi32, #tpu.memory_space<hbm>> -> memref<80xi32, #tpu.memory_space<hbm>>
    tpu.wait_dma2 semaphore(%arg24 : memref<!tpu.dma_semaphore, #tpu.memory_space<semaphore_mem>>) src(%dma_wait3A_109 : memref<80xi32, #tpu.memory_space<hbm>>) dst(%arg7 : memref<80xi32, #tpu.memory_space<vmem>>)
    %dma_wait3A_110 = arith.constant 0 : i32
    %dma_wait3A_111 = tpu.memref_slice %arg3[%dma_wait3A_110] : memref<320000xi32, #tpu.memory_space<hbm>> -> memref<80xi32, #tpu.memory_space<hbm>>
    %dma_wait3A_112 = arith.constant 0 : i32
    %dma_wait3A_113 = tpu.memref_slice %arg3[%dma_wait3A_112] : memref<320000xi32, #tpu.memory_space<hbm>> -> memref<80xi32, #tpu.memory_space<hbm>>
    tpu.wait_dma2 semaphore(%arg24 : memref<!tpu.dma_semaphore, #tpu.memory_space<semaphore_mem>>) src(%dma_wait3A_113 : memref<80xi32, #tpu.memory_space<hbm>>) dst(%arg8 : memref<80xi32, #tpu.memory_space<vmem>>)
    %dma_start3A_114 = arith.constant 0 : i32
    %dma_start3A_115 = arith.constant 0 : i32
    %dma_start3A_116 = tpu.memref_slice %arg4[%dma_start3A_114, %dma_start3A_115] : memref<10240x128xf32, #tpu.memory_space<hbm>> -> memref<10240x128xf32, #tpu.memory_space<hbm>>
    tpu.enqueue_indirect_dma source(%dma_start3A_116 : memref<10240x128xf32, #tpu.memory_space<hbm>>) target(%arg9 : memref<80x128xf32, #tpu.memory_space<vmem>>) offsets(%arg7 : memref<80xi32, #tpu.memory_space<vmem>>) semaphore(%arg20 : memref<!tpu.dma_semaphore, #tpu.memory_space<semaphore_mem>>)
    %dma_wait3A_117 = arith.constant 0 : i32
    %dma_wait3A_118 = arith.constant 0 : i32
    %dma_wait3A_119 = tpu.memref_slice %arg4[%dma_wait3A_117, %dma_wait3A_118] : memref<10240x128xf32, #tpu.memory_space<hbm>> -> memref<10240x128xf32, #tpu.memory_space<hbm>>
    tpu.wait_indirect_dma semaphore(%arg23 : memref<!tpu.dma_semaphore, #tpu.memory_space<semaphore_mem>>) src(%dma_wait3A_119 : memref<10240x128xf32, #tpu.memory_space<hbm>>) dst(%arg18 : memref<80x128xf32, #tpu.memory_space<vmem>>)
    %dma_start3A_120 = arith.constant 0 : i32
    %dma_start3A_121 = arith.constant 0 : i32
    %dma_start3A_122 = tpu.memref_slice %arg19[%dma_start3A_120, %dma_start3A_121] : memref<10240x128xf32, #tpu.memory_space<vmem_shared>> -> memref<10240x128xf32, #tpu.memory_space<vmem_shared>>
    tpu.enqueue_indirect_dma source(%arg18 : memref<80x128xf32, #tpu.memory_space<vmem>>) target(%dma_start3A_122 : memref<10240x128xf32, #tpu.memory_space<vmem_shared>>) offsets(%arg17 : memref<80xi32, #tpu.memory_space<vmem>>) semaphore(%arg31 : memref<!tpu.dma_semaphore, #tpu.memory_space<semaphore_mem>>) {add = true}
    %dma_wait3A_123 = arith.constant 0 : i32
    %dma_wait3A_124 = arith.constant 0 : i32
    %dma_wait3A_125 = tpu.memref_slice %arg19[%dma_wait3A_123, %dma_wait3A_124] : memref<10240x128xf32, #tpu.memory_space<vmem_shared>> -> memref<10240x128xf32, #tpu.memory_space<vmem_shared>>
    tpu.wait_indirect_dma semaphore(%arg30 : memref<!tpu.dma_semaphore, #tpu.memory_space<semaphore_mem>>) src(%arg15 : memref<80x128xf32, #tpu.memory_space<vmem>>) dst(%dma_wait3A_125 : memref<10240x128xf32, #tpu.memory_space<vmem_shared>>)
    %dma_wait3A_126 = arith.constant 0 : i32
    %dma_wait3A_127 = arith.constant 0 : i32
    %dma_wait3A_128 = tpu.memref_slice %arg4[%dma_wait3A_126, %dma_wait3A_127] : memref<10240x128xf32, #tpu.memory_space<hbm>> -> memref<10240x128xf32, #tpu.memory_space<hbm>>
    tpu.wait_indirect_dma semaphore(%arg20 : memref<!tpu.dma_semaphore, #tpu.memory_space<semaphore_mem>>) src(%dma_wait3A_128 : memref<10240x128xf32, #tpu.memory_space<hbm>>) dst(%arg9 : memref<80x128xf32, #tpu.memory_space<vmem>>)
    %dma_start3A_129 = arith.constant 0 : i32
    %dma_start3A_130 = arith.constant 0 : i32
    %dma_start3A_131 = tpu.memref_slice %arg19[%dma_start3A_129, %dma_start3A_130] : memref<10240x128xf32, #tpu.memory_space<vmem_shared>> -> memref<10240x128xf32, #tpu.memory_space<vmem_shared>>
    tpu.enqueue_indirect_dma source(%arg9 : memref<80x128xf32, #tpu.memory_space<vmem>>) target(%dma_start3A_131 : memref<10240x128xf32, #tpu.memory_space<vmem_shared>>) offsets(%arg8 : memref<80xi32, #tpu.memory_space<vmem>>) semaphore(%arg28 : memref<!tpu.dma_semaphore, #tpu.memory_space<semaphore_mem>>) {add = true}
    %dma_wait3A_132 = arith.constant 0 : i32
    %dma_wait3A_133 = arith.constant 0 : i32
    %dma_wait3A_134 = tpu.memref_slice %arg19[%dma_wait3A_132, %dma_wait3A_133] : memref<10240x128xf32, #tpu.memory_space<vmem_shared>> -> memref<10240x128xf32, #tpu.memory_space<vmem_shared>>
    tpu.wait_indirect_dma semaphore(%arg31 : memref<!tpu.dma_semaphore, #tpu.memory_space<semaphore_mem>>) src(%arg18 : memref<80x128xf32, #tpu.memory_space<vmem>>) dst(%dma_wait3A_134 : memref<10240x128xf32, #tpu.memory_space<vmem_shared>>)
    %dma_wait3A_135 = arith.constant 0 : i32
    %dma_wait3A_136 = arith.constant 0 : i32
    %dma_wait3A_137 = tpu.memref_slice %arg19[%dma_wait3A_135, %dma_wait3A_136] : memref<10240x128xf32, #tpu.memory_space<vmem_shared>> -> memref<10240x128xf32, #tpu.memory_space<vmem_shared>>
    tpu.wait_indirect_dma semaphore(%arg28 : memref<!tpu.dma_semaphore, #tpu.memory_space<semaphore_mem>>) src(%arg9 : memref<80x128xf32, #tpu.memory_space<vmem>>) dst(%dma_wait3A_137 : memref<10240x128xf32, #tpu.memory_space<vmem_shared>>)
    %barrier3A_138 = arith.constant 0 : index
    tpu.barrier barrier_id(%barrier3A_138)
    %mul3A_139 = arith.constant 640 : i32
    %mul3A_140 = arith.muli %arg1, %mul3A_139 : i32
    %mul3A_141 = arith.constant 640 : i32
    %mul3A_142 = arith.muli %arg1, %mul3A_141 : i32
    "tpu.region"() ({
      %run_scoped3A = tpu.sem_alloc : memref<!tpu.dma_semaphore, #tpu.memory_space<semaphore_mem>>
      %dma_start3A_143 = arith.constant 0 : i32
      %dma_start3A_144 = tpu.memref_slice %arg6[%arg0, %mul3A_142, %dma_start3A_143] : memref<2x10240x128xf32, #tpu.memory_space<hbm>> -> memref<1x640x128xf32, #tpu.memory_space<hbm>>
      %dma_start3A_145 = tpu.memref_squeeze %dma_start3A_144 : memref<1x640x128xf32, #tpu.memory_space<hbm>> -> memref<640x128xf32, #tpu.memory_space<hbm>>
      %dma_start3A_146 = arith.constant 0 : i32
      %dma_start3A_147 = tpu.memref_slice %arg19[%mul3A_140, %dma_start3A_146] : memref<10240x128xf32, #tpu.memory_space<vmem_shared>> -> memref<640x128xf32, #tpu.memory_space<vmem_shared>>
      tpu.enqueue_dma source(%dma_start3A_147 : memref<640x128xf32, #tpu.memory_space<vmem_shared>>) target(%dma_start3A_145 : memref<640x128xf32, #tpu.memory_space<hbm>>) target_semaphore(%run_scoped3A : memref<!tpu.dma_semaphore, #tpu.memory_space<semaphore_mem>>)
      %dma_wait3A_148 = arith.constant 0 : i32
      %dma_wait3A_149 = tpu.memref_slice %arg6[%arg0, %mul3A_142, %dma_wait3A_148] : memref<2x10240x128xf32, #tpu.memory_space<hbm>> -> memref<1x640x128xf32, #tpu.memory_space<hbm>>
      %dma_wait3A_150 = tpu.memref_squeeze %dma_wait3A_149 : memref<1x640x128xf32, #tpu.memory_space<hbm>> -> memref<640x128xf32, #tpu.memory_space<hbm>>
      %dma_wait3A_151 = arith.constant 0 : i32
      %dma_wait3A_152 = tpu.memref_slice %arg19[%mul3A_140, %dma_wait3A_151] : memref<10240x128xf32, #tpu.memory_space<vmem_shared>> -> memref<640x128xf32, #tpu.memory_space<vmem_shared>>
      tpu.wait_dma2 semaphore(%run_scoped3A : memref<!tpu.dma_semaphore, #tpu.memory_space<semaphore_mem>>) src(%dma_wait3A_152 : memref<640x128xf32, #tpu.memory_space<vmem_shared>>) dst(%dma_wait3A_150 : memref<640x128xf32, #tpu.memory_space<hbm>>)
      tpu.yield
    }) : () -> ()
    return
  }
}

module attributes {stable_mosaic.version = 14 : i64} {
  func.func @_u1_body(%arg0: i32, %arg1: memref<1024x128xf32, #tpu.memory_space<vmem>>, %arg2: memref<128x128xf32, #tpu.memory_space<vmem>>, %arg3: memref<2x1024x128xf32, #tpu.memory_space<vmem>>, %arg4: memref<1024x128xf32, #tpu.memory_space<vmem>>) attributes {dimension_semantics = [#tpu.dimension_semantics<arbitrary>], iteration_bounds = array<i64: 10>, scalar_prefetch = 0 : i64, scratch_operands = 0 : i64, tpu.core_type = #tpu.core_type<tc>, window_params = [{transform_indices = @transform_0, window_bounds = array<i64: 1024, 128>}, {pipeline_mode = #tpu.pipeline_mode<synchronous>, transform_indices = @transform_1, window_bounds = array<i64: 128, 128>}, {transform_indices = @transform_2, window_bounds = array<i64: 2, 1024, 128>}, {transform_indices = @transform_3, window_bounds = array<i64: 1024, 128>}]} {
    %get3A = arith.constant 0 : index
    %get3A_0 = arith.constant 0 : index
    %get3A_1 = vector.load %arg1[%get3A, %get3A_0] : memref<1024x128xf32, #tpu.memory_space<vmem>>, vector<1024x128xf32>
    %get3A_2 = arith.constant 0 : index
    %get3A_3 = arith.constant 0 : index
    %get3A_4 = vector.load %arg2[%get3A_2, %get3A_3] : memref<128x128xf32, #tpu.memory_space<vmem>>, vector<128x128xf32>
    %dot_general3A = arith.constant dense<0.000000e+00> : vector<1024x128xf32>
    %dot_general3A_5 = tpu.matmul %get3A_1, %get3A_4, %dot_general3A {dimension_numbers = #tpu.dot_dimension_numbers<[1], [0], [0], [1], [0, 0, 1, 1], [], []>, transpose_lhs_hint = false} : vector<1024x128xf32>, vector<128x128xf32>, vector<1024x128xf32> -> vector<1024x128xf32>
    %get3A_6 = arith.constant 0 : index
    %get3A_7 = arith.constant 0 : index
    %get3A_8 = arith.constant 0 : index
    %get3A_9 = vector.load %arg3[%get3A_6, %get3A_7, %get3A_8] : memref<2x1024x128xf32, #tpu.memory_space<vmem>>, vector<1x1024x1xf32>
    %get3A_10 = vector.shape_cast %get3A_9 : vector<1x1024x1xf32> to vector<1024x1xf32>
    %get3A_11 = arith.constant 1 : index
    %get3A_12 = arith.constant 0 : index
    %get3A_13 = arith.constant 0 : index
    %get3A_14 = vector.load %arg3[%get3A_11, %get3A_12, %get3A_13] : memref<2x1024x128xf32, #tpu.memory_space<vmem>>, vector<1x1024x1xf32>
    %get3A_15 = vector.shape_cast %get3A_14 : vector<1x1024x1xf32> to vector<1024x1xf32>
    %add3A = arith.addf %get3A_10, %get3A_15 : vector<1024x1xf32>
    %max3A = arith.constant 1.000000e+00 : f32
    %max3A_16 = vector.broadcast %max3A : f32 to vector<1024x1xf32>
    %max3A_17 = arith.maximumf %add3A, %max3A_16 : vector<1024x1xf32>
    %rsqrt3A = math.rsqrt %max3A_17 : vector<1024x1xf32>
    %mul3A = vector.broadcast %rsqrt3A : vector<1024x1xf32> to vector<1024x128xf32>
    %mul3A_18 = arith.mulf %dot_general3A_5, %mul3A : vector<1024x128xf32>
    %swap3A = arith.constant 0 : index
    %swap3A_19 = arith.constant 0 : index
    %swap3A_20 = vector.load %arg4[%swap3A, %swap3A_19] : memref<1024x128xf32, #tpu.memory_space<vmem>>, vector<1024x128xf32>
    tpu.vector_store %arg4[%swap3A, %swap3A_19], %mul3A_18 {strides = array<i32>} : memref<1024x128xf32, #tpu.memory_space<vmem>>, vector<1024x128xf32>,
    return
  }
  func.func @transform_0(%arg0: i32) -> (i32, i32) {
    %c0_i32 = arith.constant 0 : i32
    %c0_i32_0 = arith.constant 0 : i32
    return %arg0, %c0_i32 : i32, i32
  }
  func.func @transform_1(%arg0: i32) -> (i32, i32) {
    %c0_i32 = arith.constant 0 : i32
    %c0_i32_0 = arith.constant 0 : i32
    %c0_i32_1 = arith.constant 0 : i32
    return %c0_i32, %c0_i32_0 : i32, i32
  }
  func.func @transform_2(%arg0: i32) -> (i32, i32, i32) {
    %c0_i32 = arith.constant 0 : i32
    %c0_i32_0 = arith.constant 0 : i32
    %c0_i32_1 = arith.constant 0 : i32
    return %c0_i32, %arg0, %c0_i32_0 : i32, i32, i32
  }
  func.func @transform_3(%arg0: i32) -> (i32, i32) {
    %c0_i32 = arith.constant 0 : i32
    %c0_i32_0 = arith.constant 0 : i32
    return %arg0, %c0_i32 : i32, i32
  }
}

module attributes {stable_mosaic.version = 14 : i64} {
  func.func @_u2_body(%arg0: i32, %arg1: memref<2x1024x128xf32, #tpu.memory_space<vmem>>, %arg2: memref<2x1024x128xf32, #tpu.memory_space<vmem>>, %arg3: memref<1x128xf32, #tpu.memory_space<vmem>>, %arg4: memref<128x128xf32, #tpu.memory_space<vmem>>, %arg5: memref<1024x128xf32, #tpu.memory_space<vmem>>) attributes {dimension_semantics = [#tpu.dimension_semantics<arbitrary>], iteration_bounds = array<i64: 10>, scalar_prefetch = 0 : i64, scratch_operands = 0 : i64, tpu.core_type = #tpu.core_type<tc>, window_params = [{transform_indices = @transform_0, window_bounds = array<i64: 2, 1024, 128>}, {transform_indices = @transform_1, window_bounds = array<i64: 2, 1024, 128>}, {pipeline_mode = #tpu.pipeline_mode<synchronous>, transform_indices = @transform_2, window_bounds = array<i64: 1, 128>}, {pipeline_mode = #tpu.pipeline_mode<synchronous>, transform_indices = @transform_3, window_bounds = array<i64: 128, 128>}, {transform_indices = @transform_4, window_bounds = array<i64: 1024, 128>}]} {
    %get3A = arith.constant 0 : index
    %get3A_0 = arith.constant 0 : index
    %get3A_1 = arith.constant 0 : index
    %get3A_2 = vector.load %arg2[%get3A, %get3A_0, %get3A_1] : memref<2x1024x128xf32, #tpu.memory_space<vmem>>, vector<1x1024x1xf32>
    %get3A_3 = vector.shape_cast %get3A_2 : vector<1x1024x1xf32> to vector<1024x1xf32>
    %get3A_4 = arith.constant 1 : index
    %get3A_5 = arith.constant 0 : index
    %get3A_6 = arith.constant 0 : index
    %get3A_7 = vector.load %arg2[%get3A_4, %get3A_5, %get3A_6] : memref<2x1024x128xf32, #tpu.memory_space<vmem>>, vector<1x1024x1xf32>
    %get3A_8 = vector.shape_cast %get3A_7 : vector<1x1024x1xf32> to vector<1024x1xf32>
    %add3A = arith.addf %get3A_3, %get3A_8 : vector<1024x1xf32>
    %max3A = arith.constant 1.000000e+00 : f32
    %max3A_9 = vector.broadcast %max3A : f32 to vector<1024x1xf32>
    %max3A_10 = arith.maximumf %add3A, %max3A_9 : vector<1024x1xf32>
    %rsqrt3A = math.rsqrt %max3A_10 : vector<1024x1xf32>
    %get3A_11 = arith.constant 0 : index
    %get3A_12 = arith.constant 0 : index
    %get3A_13 = arith.constant 0 : index
    %get3A_14 = vector.load %arg1[%get3A_11, %get3A_12, %get3A_13] : memref<2x1024x128xf32, #tpu.memory_space<vmem>>, vector<1x1024x128xf32>
    %get3A_15 = vector.shape_cast %get3A_14 : vector<1x1024x128xf32> to vector<1024x128xf32>
    %get3A_16 = arith.constant 1 : index
    %get3A_17 = arith.constant 0 : index
    %get3A_18 = arith.constant 0 : index
    %get3A_19 = vector.load %arg1[%get3A_16, %get3A_17, %get3A_18] : memref<2x1024x128xf32, #tpu.memory_space<vmem>>, vector<1x1024x128xf32>
    %get3A_20 = vector.shape_cast %get3A_19 : vector<1x1024x128xf32> to vector<1024x128xf32>
    %add3A_21 = arith.addf %get3A_15, %get3A_20 : vector<1024x128xf32>
    %mul3A = vector.broadcast %rsqrt3A : vector<1024x1xf32> to vector<1024x128xf32>
    %mul3A_22 = arith.mulf %add3A_21, %mul3A : vector<1024x128xf32>
    %get3A_23 = arith.constant 0 : index
    %get3A_24 = arith.constant 0 : index
    %get3A_25 = vector.load %arg3[%get3A_23, %get3A_24] : memref<1x128xf32, #tpu.memory_space<vmem>>, vector<1x128xf32>
    %add3A_26 = vector.broadcast %get3A_25 : vector<1x128xf32> to vector<1024x128xf32>
    %add3A_27 = arith.addf %mul3A_22, %add3A_26 : vector<1024x128xf32>
    %max3A_28 = arith.constant 0.000000e+00 : f32
    %max3A_29 = vector.broadcast %max3A_28 : f32 to vector<1024x128xf32>
    %max3A_30 = arith.maximumf %add3A_27, %max3A_29 : vector<1024x128xf32>
    %get3A_31 = arith.constant 0 : index
    %get3A_32 = arith.constant 0 : index
    %get3A_33 = vector.load %arg4[%get3A_31, %get3A_32] : memref<128x128xf32, #tpu.memory_space<vmem>>, vector<128x128xf32>
    %dot_general3A = arith.constant dense<0.000000e+00> : vector<1024x128xf32>
    %dot_general3A_34 = tpu.matmul %max3A_30, %get3A_33, %dot_general3A {dimension_numbers = #tpu.dot_dimension_numbers<[1], [0], [0], [1], [0, 0, 1, 1], [], []>, transpose_lhs_hint = false} : vector<1024x128xf32>, vector<128x128xf32>, vector<1024x128xf32> -> vector<1024x128xf32>
    %mul3A_35 = vector.broadcast %rsqrt3A : vector<1024x1xf32> to vector<1024x128xf32>
    %mul3A_36 = arith.mulf %dot_general3A_34, %mul3A_35 : vector<1024x128xf32>
    %swap3A = arith.constant 0 : index
    %swap3A_37 = arith.constant 0 : index
    %swap3A_38 = vector.load %arg5[%swap3A, %swap3A_37] : memref<1024x128xf32, #tpu.memory_space<vmem>>, vector<1024x128xf32>
    tpu.vector_store %arg5[%swap3A, %swap3A_37], %mul3A_36 {strides = array<i32>} : memref<1024x128xf32, #tpu.memory_space<vmem>>, vector<1024x128xf32>,
    return
  }
  func.func @transform_0(%arg0: i32) -> (i32, i32, i32) {
    %c0_i32 = arith.constant 0 : i32
    %c0_i32_0 = arith.constant 0 : i32
    %c0_i32_1 = arith.constant 0 : i32
    return %c0_i32, %arg0, %c0_i32_0 : i32, i32, i32
  }
  func.func @transform_1(%arg0: i32) -> (i32, i32, i32) {
    %c0_i32 = arith.constant 0 : i32
    %c0_i32_0 = arith.constant 0 : i32
    %c0_i32_1 = arith.constant 0 : i32
    return %c0_i32, %arg0, %c0_i32_0 : i32, i32, i32
  }
  func.func @transform_2(%arg0: i32) -> (i32, i32) {
    %c0_i32 = arith.constant 0 : i32
    %c0_i32_0 = arith.constant 0 : i32
    %c0_i32_1 = arith.constant 0 : i32
    return %c0_i32, %c0_i32_0 : i32, i32
  }
  func.func @transform_3(%arg0: i32) -> (i32, i32) {
    %c0_i32 = arith.constant 0 : i32
    %c0_i32_0 = arith.constant 0 : i32
    %c0_i32_1 = arith.constant 0 : i32
    return %c0_i32, %c0_i32_0 : i32, i32
  }
  func.func @transform_4(%arg0: i32) -> (i32, i32) {
    %c0_i32 = arith.constant 0 : i32
    %c0_i32_0 = arith.constant 0 : i32
    return %arg0, %c0_i32 : i32, i32
  }
}

module attributes {stable_mosaic.version = 14 : i64} {
  func.func @_head_body(%arg0: i32, %arg1: memref<2x1024x128xf32, #tpu.memory_space<vmem>>, %arg2: memref<2x1024x128xf32, #tpu.memory_space<vmem>>, %arg3: memref<1x128xf32, #tpu.memory_space<vmem>>, %arg4: memref<1x1x1024xf32, #tpu.memory_space<vmem>>, %arg5: memref<128x128xf32, #tpu.memory_space<vmem>>, %arg6: memref<1x128xf32, #tpu.memory_space<vmem>>, %arg7: memref<128x128xf32, #tpu.memory_space<vmem>>, %arg8: memref<1x128xf32, #tpu.memory_space<vmem>>, %arg9: memref<256x128xf32, #tpu.memory_space<vmem>>, %arg10: memref<256x128xf32, #tpu.memory_space<vmem>>, %arg11: memref<256x128xf32, #tpu.memory_space<vmem>>) attributes {dimension_semantics = [#tpu.dimension_semantics<arbitrary>], iteration_bounds = array<i64: 10>, scalar_prefetch = 0 : i64, scratch_operands = 2 : i64, tpu.core_type = #tpu.core_type<tc>, window_params = [{transform_indices = @transform_0, window_bounds = array<i64: 2, 1024, 128>}, {transform_indices = @transform_1, window_bounds = array<i64: 2, 1024, 128>}, {pipeline_mode = #tpu.pipeline_mode<synchronous>, transform_indices = @transform_2, window_bounds = array<i64: 1, 128>}, {transform_indices = @transform_3, window_bounds = array<i64: 1, 1, 1024>}, {pipeline_mode = #tpu.pipeline_mode<synchronous>, transform_indices = @transform_4, window_bounds = array<i64: 128, 128>}, {pipeline_mode = #tpu.pipeline_mode<synchronous>, transform_indices = @transform_5, window_bounds = array<i64: 1, 128>}, {pipeline_mode = #tpu.pipeline_mode<synchronous>, transform_indices = @transform_6, window_bounds = array<i64: 128, 128>}, {pipeline_mode = #tpu.pipeline_mode<synchronous>, transform_indices = @transform_7, window_bounds = array<i64: 1, 128>}, {pipeline_mode = #tpu.pipeline_mode<synchronous>, transform_indices = @transform_8, window_bounds = array<i64: 256, 128>}]} {
    %eq3A = arith.constant 0 : i32
    %eq3A_0 = arith.cmpi eq, %arg0, %eq3A : i32
    %convert_element_type3A = arith.extui %eq3A_0 : i1 to i32
    %cond3A = arith.constant 0 : i32
    %cond3A_1 = arith.cmpi ne, %convert_element_type3A, %cond3A : i32
    scf.if %cond3A_1 {
      %broadcast_in_dim3A_64 = arith.constant 0.000000e+00 : f32
      %broadcast_in_dim3A_65 = vector.broadcast %broadcast_in_dim3A_64 : f32 to vector<256x128xf32>
      %swap3A_66 = arith.constant 0 : index
      %swap3A_67 = arith.constant 0 : index
      %swap3A_68 = vector.load %arg10[%swap3A_66, %swap3A_67] : memref<256x128xf32, #tpu.memory_space<vmem>>, vector<256x128xf32>
      tpu.vector_store %arg10[%swap3A_66, %swap3A_67], %broadcast_in_dim3A_65 {strides = array<i32>} : memref<256x128xf32, #tpu.memory_space<vmem>>, vector<256x128xf32>,
      %broadcast_in_dim3A_69 = arith.constant 0.000000e+00 : f32
      %broadcast_in_dim3A_70 = vector.broadcast %broadcast_in_dim3A_69 : f32 to vector<256x128xf32>
      %swap3A_71 = arith.constant 0 : index
      %swap3A_72 = arith.constant 0 : index
      %swap3A_73 = vector.load %arg11[%swap3A_71, %swap3A_72] : memref<256x128xf32, #tpu.memory_space<vmem>>, vector<256x128xf32>
      tpu.vector_store %arg11[%swap3A_71, %swap3A_72], %broadcast_in_dim3A_70 {strides = array<i32>} : memref<256x128xf32, #tpu.memory_space<vmem>>, vector<256x128xf32>,
    } else {
    }
    %get3A = arith.constant 0 : index
    %get3A_2 = arith.constant 0 : index
    %get3A_3 = arith.constant 0 : index
    %get3A_4 = vector.load %arg2[%get3A, %get3A_2, %get3A_3] : memref<2x1024x128xf32, #tpu.memory_space<vmem>>, vector<1x1024x1xf32>
    %get3A_5 = vector.shape_cast %get3A_4 : vector<1x1024x1xf32> to vector<1024x1xf32>
    %get3A_6 = arith.constant 1 : index
    %get3A_7 = arith.constant 0 : index
    %get3A_8 = arith.constant 0 : index
    %get3A_9 = vector.load %arg2[%get3A_6, %get3A_7, %get3A_8] : memref<2x1024x128xf32, #tpu.memory_space<vmem>>, vector<1x1024x1xf32>
    %get3A_10 = vector.shape_cast %get3A_9 : vector<1x1024x1xf32> to vector<1024x1xf32>
    %add3A = arith.addf %get3A_5, %get3A_10 : vector<1024x1xf32>
    %max3A = arith.constant 1.000000e+00 : f32
    %max3A_11 = vector.broadcast %max3A : f32 to vector<1024x1xf32>
    %max3A_12 = arith.maximumf %add3A, %max3A_11 : vector<1024x1xf32>
    %rsqrt3A = math.rsqrt %max3A_12 : vector<1024x1xf32>
    %get3A_13 = arith.constant 0 : index
    %get3A_14 = arith.constant 0 : index
    %get3A_15 = arith.constant 0 : index
    %get3A_16 = vector.load %arg1[%get3A_13, %get3A_14, %get3A_15] : memref<2x1024x128xf32, #tpu.memory_space<vmem>>, vector<1x1024x128xf32>
    %get3A_17 = vector.shape_cast %get3A_16 : vector<1x1024x128xf32> to vector<1024x128xf32>
    %get3A_18 = arith.constant 1 : index
    %get3A_19 = arith.constant 0 : index
    %get3A_20 = arith.constant 0 : index
    %get3A_21 = vector.load %arg1[%get3A_18, %get3A_19, %get3A_20] : memref<2x1024x128xf32, #tpu.memory_space<vmem>>, vector<1x1024x128xf32>
    %get3A_22 = vector.shape_cast %get3A_21 : vector<1x1024x128xf32> to vector<1024x128xf32>
    %add3A_23 = arith.addf %get3A_17, %get3A_22 : vector<1024x128xf32>
    %mul3A = vector.broadcast %rsqrt3A : vector<1024x1xf32> to vector<1024x128xf32>
    %mul3A_24 = arith.mulf %add3A_23, %mul3A : vector<1024x128xf32>
    %get3A_25 = arith.constant 0 : index
    %get3A_26 = arith.constant 0 : index
    %get3A_27 = vector.load %arg3[%get3A_25, %get3A_26] : memref<1x128xf32, #tpu.memory_space<vmem>>, vector<1x128xf32>
    %add3A_28 = vector.broadcast %get3A_27 : vector<1x128xf32> to vector<1024x128xf32>
    %add3A_29 = arith.addf %mul3A_24, %add3A_28 : vector<1024x128xf32>
    %get3A_30 = arith.constant 0 : index
    %get3A_31 = arith.constant 0 : index
    %get3A_32 = arith.constant 0 : index
    %get3A_33 = vector.load %arg4[%get3A_30, %get3A_31, %get3A_32] : memref<1x1x1024xf32, #tpu.memory_space<vmem>>, vector<1x1x1024xf32>
    %get3A_34 = vector.shape_cast %get3A_33 : vector<1x1x1024xf32> to vector<1024xf32>
    %convert_element_type3A_35 = arith.fptosi %get3A_34 : vector<1024xf32> to vector<1024xi32>
    %iota3A = tpu.iota {dimensions = array<i32: 1>} : vector<1024x256xi32>
    %broadcast_in_dim3A = vector.shape_cast %convert_element_type3A_35 : vector<1024xi32> to vector<1024x1xi32>
    %eq3A_36 = vector.broadcast %broadcast_in_dim3A : vector<1024x1xi32> to vector<1024x256xi32>
    %eq3A_37 = arith.cmpi eq, %eq3A_36, %iota3A : vector<1024x256xi32>
    %jit3A = arith.constant 1.000000e+00 : f32
    %jit3A_38 = arith.constant 0.000000e+00 : f32
    %broadcast_in_dim3A_39 = vector.broadcast %jit3A : f32 to vector<1024x256xf32>
    %broadcast_in_dim3A_40 = vector.broadcast %jit3A_38 : f32 to vector<1024x256xf32>
    %select_n3A = arith.select %eq3A_37, %broadcast_in_dim3A_39, %broadcast_in_dim3A_40 : vector<1024x256xi1>, vector<1024x256xf32>
    %get3A_41 = arith.constant 0 : index
    %get3A_42 = arith.constant 0 : index
    %get3A_43 = vector.load %arg10[%get3A_41, %get3A_42] : memref<256x128xf32, #tpu.memory_space<vmem>>, vector<256x128xf32>
    %dot_general3A = arith.constant dense<0.000000e+00> : vector<256x128xf32>
    %dot_general3A_44 = tpu.matmul %select_n3A, %add3A_29, %dot_general3A {dimension_numbers = #tpu.dot_dimension_numbers<[0], [0], [1], [1], [0, 1, 1, 1], [], []>, transpose_lhs_hint = false} : vector<1024x256xf32>, vector<1024x128xf32>, vector<256x128xf32> -> vector<256x128xf32>
    %add3A_45 = arith.addf %get3A_43, %dot_general3A_44 : vector<256x128xf32>
    %swap3A = arith.constant 0 : index
    %swap3A_46 = arith.constant 0 : index
    %swap3A_47 = vector.load %arg10[%swap3A, %swap3A_46] : memref<256x128xf32, #tpu.memory_space<vmem>>, vector<256x128xf32>
    tpu.vector_store %arg10[%swap3A, %swap3A_46], %add3A_45 {strides = array<i32>} : memref<256x128xf32, #tpu.memory_space<vmem>>, vector<256x128xf32>,
    %get3A_48 = arith.constant 0 : index
    %get3A_49 = arith.constant 0 : index
    %get3A_50 = vector.load %arg11[%get3A_48, %get3A_49] : memref<256x128xf32, #tpu.memory_space<vmem>>, vector<256x128xf32>
    %broadcast_in_dim3A_51 = arith.constant 1.000000e+00 : f32
    %broadcast_in_dim3A_52 = vector.broadcast %broadcast_in_dim3A_51 : f32 to vector<1024x128xf32>
    %dot_general3A_53 = arith.constant dense<0.000000e+00> : vector<256x128xf32>
    %dot_general3A_54 = tpu.matmul %select_n3A, %broadcast_in_dim3A_52, %dot_general3A_53 {dimension_numbers = #tpu.dot_dimension_numbers<[0], [0], [1], [1], [0, 1, 1, 1], [], []>, transpose_lhs_hint = false} : vector<1024x256xf32>, vector<1024x128xf32>, vector<256x128xf32> -> vector<256x128xf32>
    %add3A_55 = arith.addf %get3A_50, %dot_general3A_54 : vector<256x128xf32>
    %swap3A_56 = arith.constant 0 : index
    %swap3A_57 = arith.constant 0 : index
    %swap3A_58 = vector.load %arg11[%swap3A_56, %swap3A_57] : memref<256x128xf32, #tpu.memory_space<vmem>>, vector<256x128xf32>
    tpu.vector_store %arg11[%swap3A_56, %swap3A_57], %add3A_55 {strides = array<i32>} : memref<256x128xf32, #tpu.memory_space<vmem>>, vector<256x128xf32>,
    %eq3A_59 = arith.constant 9 : i32
    %eq3A_60 = arith.cmpi eq, %arg0, %eq3A_59 : i32
    %convert_element_type3A_61 = arith.extui %eq3A_60 : i1 to i32
    %cond3A_62 = arith.constant 0 : i32
    %cond3A_63 = arith.cmpi ne, %convert_element_type3A_61, %cond3A_62 : i32
    scf.if %cond3A_63 {
      %get3A_64 = arith.constant 0 : index
      %get3A_65 = arith.constant 0 : index
      %get3A_66 = vector.load %arg10[%get3A_64, %get3A_65] : memref<256x128xf32, #tpu.memory_space<vmem>>, vector<256x128xf32>
      %get3A_67 = arith.constant 0 : index
      %get3A_68 = arith.constant 0 : index
      %get3A_69 = vector.load %arg11[%get3A_67, %get3A_68] : memref<256x128xf32, #tpu.memory_space<vmem>>, vector<256x128xf32>
      %max3A_70 = arith.constant 1.000000e+00 : f32
      %max3A_71 = vector.broadcast %max3A_70 : f32 to vector<256x128xf32>
      %max3A_72 = arith.maximumf %get3A_69, %max3A_71 : vector<256x128xf32>
      %div3A = arith.divf %get3A_66, %max3A_72 : vector<256x128xf32>
      %get3A_73 = arith.constant 0 : index
      %get3A_74 = arith.constant 0 : index
      %get3A_75 = vector.load %arg5[%get3A_73, %get3A_74] : memref<128x128xf32, #tpu.memory_space<vmem>>, vector<128x128xf32>
      %dot_general3A_76 = arith.constant dense<0.000000e+00> : vector<256x128xf32>
      %dot_general3A_77 = tpu.matmul %div3A, %get3A_75, %dot_general3A_76 {dimension_numbers = #tpu.dot_dimension_numbers<[1], [0], [0], [1], [0, 0, 1, 1], [], []>, transpose_lhs_hint = false} : vector<256x128xf32>, vector<128x128xf32>, vector<256x128xf32> -> vector<256x128xf32>
      %get3A_78 = arith.constant 0 : index
      %get3A_79 = arith.constant 0 : index
      %get3A_80 = vector.load %arg6[%get3A_78, %get3A_79] : memref<1x128xf32, #tpu.memory_space<vmem>>, vector<1x128xf32>
      %add3A_81 = vector.broadcast %get3A_80 : vector<1x128xf32> to vector<256x128xf32>
      %add3A_82 = arith.addf %dot_general3A_77, %add3A_81 : vector<256x128xf32>
      %max3A_83 = arith.constant 0.000000e+00 : f32
      %max3A_84 = vector.broadcast %max3A_83 : f32 to vector<256x128xf32>
      %max3A_85 = arith.maximumf %add3A_82, %max3A_84 : vector<256x128xf32>
      %get3A_86 = arith.constant 0 : index
      %get3A_87 = arith.constant 0 : index
      %get3A_88 = vector.load %arg7[%get3A_86, %get3A_87] : memref<128x128xf32, #tpu.memory_space<vmem>>, vector<128x128xf32>
      %dot_general3A_89 = arith.constant dense<0.000000e+00> : vector<256x128xf32>
      %dot_general3A_90 = tpu.matmul %max3A_85, %get3A_88, %dot_general3A_89 {dimension_numbers = #tpu.dot_dimension_numbers<[1], [0], [0], [1], [0, 0, 1, 1], [], []>, transpose_lhs_hint = false} : vector<256x128xf32>, vector<128x128xf32>, vector<256x128xf32> -> vector<256x128xf32>
      %get3A_91 = arith.constant 0 : index
      %get3A_92 = arith.constant 0 : index
      %get3A_93 = vector.load %arg8[%get3A_91, %get3A_92] : memref<1x128xf32, #tpu.memory_space<vmem>>, vector<1x128xf32>
      %add3A_94 = vector.broadcast %get3A_93 : vector<1x128xf32> to vector<256x128xf32>
      %add3A_95 = arith.addf %dot_general3A_90, %add3A_94 : vector<256x128xf32>
      %swap3A_96 = arith.constant 0 : index
      %swap3A_97 = arith.constant 0 : index
      %swap3A_98 = vector.load %arg9[%swap3A_96, %swap3A_97] : memref<256x128xf32, #tpu.memory_space<vmem>>, vector<256x128xf32>
      tpu.vector_store %arg9[%swap3A_96, %swap3A_97], %add3A_95 {strides = array<i32>} : memref<256x128xf32, #tpu.memory_space<vmem>>, vector<256x128xf32>,
    } else {
    }
    return
  }
  func.func @transform_0(%arg0: i32) -> (i32, i32, i32) {
    %c0_i32 = arith.constant 0 : i32
    %c0_i32_0 = arith.constant 0 : i32
    %c0_i32_1 = arith.constant 0 : i32
    return %c0_i32, %arg0, %c0_i32_0 : i32, i32, i32
  }
  func.func @transform_1(%arg0: i32) -> (i32, i32, i32) {
    %c0_i32 = arith.constant 0 : i32
    %c0_i32_0 = arith.constant 0 : i32
    %c0_i32_1 = arith.constant 0 : i32
    return %c0_i32, %arg0, %c0_i32_0 : i32, i32, i32
  }
  func.func @transform_2(%arg0: i32) -> (i32, i32) {
    %c0_i32 = arith.constant 0 : i32
    %c0_i32_0 = arith.constant 0 : i32
    %c0_i32_1 = arith.constant 0 : i32
    return %c0_i32, %c0_i32_0 : i32, i32
  }
  func.func @transform_3(%arg0: i32) -> (i32, i32, i32) {
    %c0_i32 = arith.constant 0 : i32
    %c0_i32_0 = arith.constant 0 : i32
    %c0_i32_1 = arith.constant 0 : i32
    return %arg0, %c0_i32, %c0_i32_0 : i32, i32, i32
  }
  func.func @transform_4(%arg0: i32) -> (i32, i32) {
    %c0_i32 = arith.constant 0 : i32
    %c0_i32_0 = arith.constant 0 : i32
    %c0_i32_1 = arith.constant 0 : i32
    return %c0_i32, %c0_i32_0 : i32, i32
  }
  func.func @transform_5(%arg0: i32) -> (i32, i32) {
    %c0_i32 = arith.constant 0 : i32
    %c0_i32_0 = arith.constant 0 : i32
    %c0_i32_1 = arith.constant 0 : i32
    return %c0_i32, %c0_i32_0 : i32, i32
  }
  func.func @transform_6(%arg0: i32) -> (i32, i32) {
    %c0_i32 = arith.constant 0 : i32
    %c0_i32_0 = arith.constant 0 : i32
    %c0_i32_1 = arith.constant 0 : i32
    return %c0_i32, %c0_i32_0 : i32, i32
  }
  func.func @transform_7(%arg0: i32) -> (i32, i32) {
    %c0_i32 = arith.constant 0 : i32
    %c0_i32_0 = arith.constant 0 : i32
    %c0_i32_1 = arith.constant 0 : i32
    return %c0_i32, %c0_i32_0 : i32, i32
  }
  func.func @transform_8(%arg0: i32) -> (i32, i32) {
    %c0_i32 = arith.constant 0 : i32
    %c0_i32_0 = arith.constant 0 : i32
    %c0_i32_1 = arith.constant 0 : i32
    return %c0_i32, %c0_i32_0 : i32, i32
  }
}

</mosaic_0001>

<sc_bundles>
// kernel: kernel.11.cloned.1.call-start
scs
__scs_entry_jumppad:
0x0: {  	(pc) =	sbr.rel $0x88, $3  }
0x1: {  	(tag) =	ssettag $0x0;
	lr =	simm.s32 $0x1  }
0x2: {  	[smem:$0x3F96] =	sst lr;
	_ =	strace $0xD0000000  }
0x3: {  	_ = 	snop  }
0x4: {  	_ = 	snop  }
0x5: {  	_ = 	snop  }
0x6: {  	_ = 	snop  }
0x7: {  	_ = 	snop  }
__scs_overlays_trampoline_lowered:
0x8: {  	[smem:$0x3FA5] =	sst s0  }
0x9: {  	[smem:$0x3FA6] =	sst s1  }
0xa: {  	[smem:$0x3FA7] =	sst s2  }
0xb: {  	[smem:$0x3FA8] =	sst s3  }
0xc: {  	[smem:$0x3FA9] =	sst s4  }
0xd: {  	[smem:$0x3FAA] =	sst s5  }
0xe: {  	[smem:$0x3FAB] =	sst s6  }
0xf: {  	[smem:$0x3FAC] =	sst s7  }
0x10: {  	[smem:$0x3FAD] =	sst s8  }
0x11: {  	[smem:$0x3FAE] =	sst s9;
	s0 =	simm.s32 @!p0 $0x0  }
0x12: {  	s1 =	sld [smem:$0x3F94];
	s0 =	simm.s32 @p0 $0x1  }
0x13: {  	[smem:$0x3FAF] =	sst s0;
	s0 =	simm.s32 @!p1 $0x0  }
0x14: {  	s2 =	sld [smem:$0x3F93];
	s0 =	simm.s32 @p1 $0x1  }
0x15: {  	[smem:$0x3FB0] =	sst s0;
	s0 =	simm.s32 @!p2 $0x0  }
0x16: {  	s3 =	sld [smem:$0x3FDB];
	s0 =	simm.s32 @p2 $0x1  }
0x17: {  	s4 =	simm.s32 $0x1BF5;
	[smem:$0x3FB2] =	sst s0  }
0x18: {  	s0 =	sld [smem:$0x3F95];
	_ =	swait.ge [sflag:s4], $0x0  }
0x19: {  	s7 =	sld [smem:$0x3F96]  }
0x1a: {  	s8 =	sadd.s32 $0xFFFFE003, lr  }
0x1b: {  	s9 =	sadd.s32 $0xFFFFFEF7, lr;
	s5 =	simm.s32 $0xFFFFFFFF;
	p2 =	slt.u32 s8, $0xFFFFF086  }
0x1c: {  	p1 =	slt.u32 s9, $0xF7A;
	s5 =	simm.s32 @!p2 $0x0  }
0x1d: {  	s5 =	simm.s32 @p1 $0x1;
	p0 =	seq.s32 s7, s2  }
0x1e: {  	s7 =	smul.u32 @!p0 $0xF7A, s2;
	p2 =	seq.s32 @!p0 s5, $0x0  }
0x1f: {  	s9 =	smul.u32 $0xF7A, s1;
	s8 =	simm.s32 @!p0 $0x1BF5;
	p2 =	por !p2, p0  }
0x20: {  	[sflag:s8] =	ssyncset.s32 @!p0 $0xFFFFF086;
	s6 =	sadd.s32 @!p0 s3, s7;
	s7 =	simm.s32 @!p0 $0x108  }
0x21: {  	s3 =	sadd.s32 s3, s9;
	s6 =	sadd.s32 @!p0 $0x88, s6;
	s7 =	simm.s32 @p2 $0x1082  }
0x22: {  	[simem:s7], [sflag:s8] =	dma.local @!p0 [hbm:s6], $0xF7A  }
0x23: {  	s9 =	sor.u32 $0xD0000000, s2;
	s6 =	simm.s32 $0x108;
	_ =	swait.ge @!p0 [sflag:s8], $0x0  }
0x24: {  	s3 =	sadd.s32 $0x88, s3;
	s6 =	simm.s32 @!p1 $0x1082;
	[sflag:s4] =	ssyncset.s32 $0xFFFFF086  }
0x25: {  	[simem:s6], [sflag:s4] =	dma.local [hbm:s3], $0xF7A  }
0x26: {  	[smem:$0x3F96] =	sst s1;
	(tag) =	ssettag s2;
	_ =	strace s9  }
0x27: {  	s1 =	sld [smem:$0x3FA6]  }
0x28: {  	s2 =	sld [smem:$0x3FA7]  }
0x29: {  	s4 =	sld [smem:$0x3FA9]  }
0x2a: {  	p0 =	seq.s32 s5, $0x0;
	s5 =	sld [smem:$0x3FAA]  }
0x2b: {  	s6 =	sld [smem:$0x3FAB]  }
0x2c: {  	s7 =	sld [smem:$0x3FAC]  }
0x2d: {  	s3 =	simm.s32 $0x108;
	s8 =	sld [smem:$0x3FAD]  }
0x2e: {  	s3 =	simm.s32 @!p0 $0x1082;
	s9 =	sld [smem:$0x3FAE]  }
0x2f: {  	lr =	sadd.s32 s0, s3;
	s0 =	sld [smem:$0x3FA5]  }
0x30: {  	s3 =	sld [smem:$0x3FA8]  }
0x31: {  	[smem:$0x3FB1] =	sst s10  }
0x32: {  	s10 =	sld [smem:$0x3FAF];
	_ =	sdelay $0x3  }
0x33: {  	p0 =	seq.s32 s10, $0x1;
	s10 =	sld [smem:$0x3FB1];
	_ =	sdelay $0x3  }
0x34: {  	[smem:$0x3FB1] =	sst s10  }
0x35: {  	s10 =	sld [smem:$0x3FB0];
	_ =	sdelay $0x3  }
0x36: {  	p1 =	seq.s32 s10, $0x1;
	s10 =	sld [smem:$0x3FB1];
	_ =	sdelay $0x3  }
0x37: {  	[smem:$0x3FB1] =	sst s10  }
0x38: {  	s10 =	sld [smem:$0x3FB2]  }
0x39: {  	_ = 	snop;
	(pc) =	sbr.ind lr, $3  }
0x3a: {  	_ = 	snop  }
0x3b: {  	_ = 	snop  }
0x3c: {  	p2 =	seq.s32 s10, $0x1;
	s10 =	sld [smem:$0x3FB1]  }
0x3d: {  	_ =	shalt  }
0x3e: {  	_ =	shalt  }
0x3f: {  	_ =	shalt  }
0x40: {  	_ =	shalt  }
0x41: {  	_ =	shalt  }
0x42: {  	_ =	shalt  }
0x43: {  	_ =	shalt  }
0x44: {  	_ =	shalt  }
0x45: {  	_ =	shalt  }
0x46: {  	_ =	shalt  }
0x47: {  	_ =	shalt  }
0x48: {  	_ =	shalt  }
0x49: {  	_ =	shalt  }
0x4a: {  	_ =	shalt  }
0x4b: {  	_ =	shalt  }
0x4c: {  	_ =	shalt  }
0x4d: {  	_ =	shalt  }
0x4e: {  	_ =	shalt  }
0x4f: {  	_ =	shalt  }
0x50: {  	_ =	shalt  }
0x51: {  	_ =	shalt  }
0x52: {  	_ =	shalt  }
0x53: {  	_ =	shalt  }
0x54: {  	_ =	shalt  }
0x55: {  	_ =	shalt  }
0x56: {  	_ =	shalt  }
0x57: {  	_ =	shalt  }
0x58: {  	_ =	shalt  }
0x59: {  	_ =	shalt  }
0x5a: {  	_ =	shalt  }
0x5b: {  	_ =	shalt  }
0x5c: {  	_ =	shalt  }
0x5d: {  	_ =	shalt  }
0x5e: {  	_ =	shalt  }
0x5f: {  	_ =	shalt  }
0x60: {  	_ =	shalt  }
0x61: {  	_ =	shalt  }
0x62: {  	_ =	shalt  }
0x63: {  	_ =	shalt  }
0x64: {  	_ =	shalt  }
0x65: {  	_ =	shalt  }
0x66: {  	_ =	shalt  }
0x67: {  	_ =	shalt  }
0x68: {  	_ =	shalt  }
0x69: {  	_ =	shalt  }
0x6a: {  	_ =	shalt  }
0x6b: {  	_ =	shalt  }
0x6c: {  	_ =	shalt  }
0x6d: {  	_ =	shalt  }
0x6e: {  	_ =	shalt  }
0x6f: {  	_ =	shalt  }
0x70: {  	_ =	shalt  }
0x71: {  	_ =	shalt  }
0x72: {  	_ =	shalt  }
0x73: {  	_ =	shalt  }
0x74: {  	_ =	shalt  }
0x75: {  	_ =	shalt  }
0x76: {  	_ =	shalt  }
0x77: {  	_ =	shalt  }
0x78: {  	_ =	shalt  }
0x79: {  	_ =	shalt  }
0x7a: {  	_ =	shalt  }
0x7b: {  	_ =	shalt  }
0x7c: {  	_ =	shalt  }
0x7d: {  	_ =	shalt  }
0x7e: {  	_ =	shalt  }
0x7f: {  	_ =	shalt  }
0x80: {  	_ =	shalt  }
0x81: {  	_ =	shalt  }
0x82: {  	_ =	shalt  }
0x83: {  	_ =	shalt  }
0x84: {  	_ =	shalt  }
0x85: {  	_ =	shalt  }
0x86: {  	_ =	shalt  }
0x87: {  	_ =	shalt  }
.Lfunc_end0:
.L_simem_size_0:
called_computation.1_lowered:
.L_overlay_start_0:
0x88: {  	s2 =	sld [smem:$0x3FD9]  }
0x89: {  	s3 =	sld [smem:$0x3FFE];
	_ =	sdelay $0x1  }
0x8a: {  	s1 =	srdreg.scid  }
0x8b: {  	s0 =	sand.u32 $0x1, s1  }
0x8c: {  	s16 =	sshll.u32 s0, $0xA;
	s2 =	sadd.s32 s3, s2  }
0x8d: {  	s2 =	sadd.s32 s2, s16  }
0x8e: {  	[smem:$0x3FBD] =	sst s2  }
0x8f: {  	_ = 	snop  }
0x90: {  	(tm) =	ssettm $0x1  }
0x91: {  	s17 =	sld [smem:$0x3FFB];
	_ =	sdelay $0x3  }
0x92: {  	_ =	strace s17  }
0x93: {  	s2 =	sld [smem:$0x3FFC];
	_ =	sdelay $0x3  }
0x94: {  	_ =	strace s2  }
0x95: {  	s2 =	sld [smem:$0x3FFD];
	_ =	sdelay $0x3  }
0x96: {  	_ =	strace s2  }
0x97: {  	_ =	strace $0x8FFFFFFF  }
0x98: {  	s18 =	sld [smem:$0x3FDB];
	_ =	sdelay $0x1  }
0x99: {  	s19 =	simm.s32 $_scs_section_size  }
0x9a: {  	s4 =	simm.s32 $_size__tile_overlayer_lowered;
	s5 =	simm.s32 $_tile_overlayer_lowered  }
0x9b: {  	s22 =	simm.s32 $0x1BFF;
	s21 =	sshll.u32 s5, $0x1;
	s2 =	sadd.s32 s19, s18  }
0x9c: {  	s6 =	simm.s32 $0x0;
	s20 =	sshll.u32 s4, $0x1;
	s4 =	sadd.s32 s21, s2  }
0x9d: {  	[timem:s6], [sflag:s22] =	dma.local [hbm:s4], s20  }
0x9e: {  	_ =	swait.ge [sflag:s22], s20  }
0x9f: {  	s3 =	ssub.s32 $0x0, s20;
	[sflag:s22] =	ssyncset.done $0x0  }
0xa0: {  	[sflag:s22] =	ssyncadd.s32 s3;
	_ =	sdelay $0x1  }
0xa1: {  	s23 =	simm.s32 $0x1B8B  }
0xa2: {  	_ =	swait.ge [sflag:s23], $0x1  }
0xa3: {  	[sflag:s23] =	ssyncset.done $0x0  }
0xa4: {  	s25 =	simm.s32 $0x1B8E;
	s24 =	sld [smem:$0x3FFE];
	[sflag:s23] =	ssyncadd.s32 $0xFFFFFFFF  }
0xa5: {  	s26 =	simm.s32 $execute0_lowered;
	[smem:$0x3FD2] =	sst s25  }
0xa6: {  	s4 =	sshll.u32 s26, $0x1;
	_ =	strace $0x80000049;
	[dreg:$0x1] =	wrdreg $0xFFFFFFFF  }
0xa7: {  	s28 =	simm.s32 $_size_execute0_lowered;
	s2 =	sadd.s32 s2, s4;
	[dreg:$0x0] =	wrdreg $0x0  }
0xa8: {  	s4 =	sshll.u32 s28, $0x1;
	[dreg:$0x2] =	wrdreg s2  }
0xa9: {  	[dreg:$0x3] =	wrdreg s4  }
0xaa: {  	[dreg:$0x4] =	wrdreg $0xC0  }
0xab: {  	_ =	task [dreg:s6], $0x5FFFF  }
0xac: {  	[dreg:$0x1] =	wrdreg $0xFFFFFFFF  }
0xad: {  	[dreg:$0x0] =	wrdreg $0x60  }
0xae: {  	[dreg:$0x2] =	wrdreg s24  }
0xaf: {  	[dreg:$0x3] =	wrdreg $0xA4000  }
0xb0: {  	[dreg:$0x4] =	wrdreg $0x9  }
0xb1: {  	_ =	task.clear_ibuf [dreg:s6], $0x5FFFF;
	_ =	strace $0x90000049  }
0xb2: {  	s29 =	simm.s32 $0x9;
	_ =	strace $0x8000004B  }
0xb3: {  	_ =	swait.ge [sflag:s29], $0x1  }
0xb4: {  	[sflag:s29] =	ssyncadd.s32 $0xFFFFFFFF  }
0xb5: {  	_ =	strace $0x9000004B  }
0xb6: {  	_ =	sfence  }
0xb7: {  	s30 =	sld [smem:$0x0];
	_ =	sdelay $0x2  }
0xb8: {  	s31 =	sshll.u32 s1, $0xD;
	s1 =	sshrl.u32 s1, $0x2  }
0xb9: {  	s3 =	sand.u32 $0x4000, s31;
	s1 =	sadd.s32 s1, s30  }
0xba: {  	s0 =	sor.u32 s3, s0;
	s1 =	sshll.u32 s1, $0x11  }
0xbb: {  	s0 =	sor.u32 s1, s0  }
0xbc: {  	s0 =	sadd.s32 $0x8F2B, s0  }
0xbd: {  	[sflag:s0] =	ssyncadd.remote.s32 $0x1  }
0xbe: {  	_ =	sfence.sel $0xFFFF  }
0xbf: {  	[dreg:$0x0] =	wrdreg $0xFFFFFFFF;
	(pc) =	sbr.abs _section_cstart, $3  }
0xc0: {  	[dreg:$0x1] =	wrdreg $0xFFFFFFFF  }
0xc1: {  	_ =	task.clear_ibuf [dreg:s6], $0x2FFFF;
	_ =	strace $0x9FFFFFFF  }
0xc2: {  	(tm) =	ssettm $0x7FFFFFFF  }
0xc3: {  	_ =	shalt  }
tec
execute0_lowered:
.L_overlay_start_1:
0x0: {  	(tag) =	ssettag $0x1  }
0x1: {  	s0 =	rddreg [dreg:$0x0]  }
0x2: {  	s1 =	rddreg [dreg:$0x1]  }
0x3: {  	s2 =	srdreg.scid;
	s3 =	simm.s32 $0x0;
	s11 =	stileid.u32  }
0x4: {  	s28 =	simm.s32 $0x50;
	s29 =	simm.s32 $0x100;
	s30 =	simm.s32 $0x6  }
0x5: {  	s2 =	sand.u32 $0x1, s2;
	[smem:$0x7FF] =	sst s3;
	s6 =	smul.u32 $0x14000, s11  }
0x6: {  	s7 =	sadd.s32 $0xD200, s0;
	s8 =	sadd.s32 $0x3400, s0;
	s10 =	smul.u32 $0x50000, s11  }
0x7: {  	s4 =	sadd.s32 $0x69800, s0;
	s14 =	sadd.s32 $0x17000, s0;
	s21 =	smul.u32 $0x4E20, s11  }
0x8: {  	s15 =	sshll.u32 s11, $0x1;
	s18 =	sshll.u32 s11, $0x6;
	s5 =	smul.u32 $0x140000, s2  }
0x9: {  	_ =	strace $0x8000004A;
	[dreg:$0xb] =	wrdreg s14;
	s9 =	ssub.s32 $0x2, s2  }
0xa: {  	s18 =	sor.u32 $0x1C0D, s18;
	s16 =	sshrl.u32 s9, $0x1;
	s17 =	sshrl.u32 s10, $0x2  }
0xb: {  	s5 =	sadd.s32 s6, s5;
	s6 =	sor.u32 s2, s15;
	s2 =	smul.u32 $0x2710, s2  }
0xc: {  	[dreg:$0xd] =	wrdreg s18;
	s5 =	sshrl.u32 s5, $0x3;
	s6 =	smul.u32 $0x2710, s6  }
0xd: {  	s0 =	sadd.s32 s5, s0;
	s5 =	ssub.s32 s9, s16;
	s9 =	sadd.s32 s17, s1  }
0xe: {  	s31 =	simm.s32 $0x2A00;
	s2 =	sadd.s32 s2, s21;
	[dreg:$0xc] =	wrdreg s9  }
0xf: {  	s6 =	sshrl.u32 s6, $0x3;
	s15 =	sadd.s32 $0x230, s2;
	s0 =	sadd.s32 $0x91800, s0  }
0x10: {  	s5 =	smax.u32 s5, $0x1;
	s19 =	sadd.s32 s7, s6;
	[dreg:$0x18] =	wrdreg s0  }
0x11: {  	s20 =	sadd.s32 s8, s6;
	s22 =	sadd.s32 $0xA, s6;
	[dreg:$0x19] =	wrdreg s5  }
0x12: {  	s23 =	sadd.s32 $0x14, s6;
	s26 =	sadd.s32 $0x1E, s6;
	[dreg:$0xe] =	wrdreg s19  }
0x13: {  	s6 =	sadd.s32 $0x28, s6;
	[dreg:$0xf] =	wrdreg s20;
	s12 =	sadd.s32 s7, s22  }
0x14: {  	s17 =	sshrl.u32 s15, $0x3;
	s10 =	sadd.s32 s8, s22;
	[dreg:$0x10] =	wrdreg s12  }
0x15: {  	s0 =	simm.s32 $0x1;
	s24 =	sadd.s32 s7, s23;
	[dreg:$0x11] =	wrdreg s10  }
0x16: {  	s5 =	simm.s32 $0x5300;
	s25 =	sadd.s32 s8, s23;
	[dreg:$0x12] =	wrdreg s24  }
0x17: {  	s15 =	simm.s32 $0x4;
	s11 =	sadd.s32 s7, s26;
	[dreg:$0x13] =	wrdreg s25  }
0x18: {  	s13 =	sadd.s32 s7, s6;
	s6 =	sadd.s32 s8, s6;
	[dreg:$0x14] =	wrdreg s11  }
0x19: {  	s19 =	sadd.s32 s17, s8;
	s20 =	sadd.s32 $0x1E0, s2;
	[dreg:$0x16] =	wrdreg s13  }
0x1a: {  	s21 =	sadd.s32 s17, s7;
	s17 =	simm.s32 $0xC;
	[dreg:$0x17] =	wrdreg s6  }
0x1b: {  	s12 =	sadd.s32 $0x280, s2;
	s10 =	sadd.s32 s8, s26;
	[dreg:$0x5] =	wrdreg s19  }
0x1c: {  	s22 =	sshrl.u32 s20, $0x3;
	[dreg:$0x6] =	wrdreg s21;
	s2 =	sadd.s32 $0x190, s2  }
0x1d: {  	s19 =	simm.s32 $0xD;
	s21 =	simm.s32 $0x80;
	s6 =	simm.s32 $0x7B00  }
0x1e: {  	s11 =	simm.s32 $0x8;
	s13 =	simm.s32 $0x3;
	s20 =	simm.s32 $0x0  }
0x1f: {  	[dreg:$0x15] =	wrdreg s10;
	s9 =	sshrl.u32 s12, $0x3;
	s23 =	sadd.s32 s22, s8  }
0x20: {  	s24 =	sadd.s32 s22, s7;
	s2 =	sshrl.u32 s2, $0x3;
	s22 =	simm.s32 $0x2900  }
0x21: {  	s10 =	simm.s32 $0x9;
	s12 =	simm.s32 $0x7C00;
	[dreg:$0x7] =	wrdreg s23  }
0x22: {  	s14 =	sadd.s32 s9, s8;
	s16 =	sadd.s32 s9, s7;
	[dreg:$0x8] =	wrdreg s24  }
0x23: {  	s25 =	sadd.s32 s2, s8;
	s26 =	sadd.s32 s2, s7;
	[dreg:$0x3] =	wrdreg s14  }
0x24: {  	s23 =	simm.s32 $0x2980;
	s24 =	simm.s32 $0x5200;
	[dreg:$0x4] =	wrdreg s16  }
0x25: {  	s2 =	simm.s32 $0x7;
	s8 =	simm.s32 $0x7B80;
	[dreg:$0x9] =	wrdreg s25  }
0x26: {  	s9 =	simm.s32 $0x2;
	[dreg:$0xa] =	wrdreg s26;
	s25 =	simm.s32 $0x5280  }
0x27: {  	s26 =	simm.s32 $0x5;
	s14 =	simm.s32 $0xA;
	s16 =	simm.s32 $0xB  }
.LBB2_1:
0x28: {  	[dreg:$0x1a] =	wrdreg s20  }
0x29: {  	s7 =	rddreg [dreg:$0xc]  }
0x2a: {  	s20 =	sshrl.u32 s7, $0x3;
	s7 =	rddreg [dreg:$0xb]  }
0x2b: {  	[dreg:$0x1b] =	wrdreg s20  }
0x2c: {  	[spmem:s20], [sflag:s18] =	dma.local [hbm:s7], $0x2800  }
0x2d: {  	_ =	swait.ge [sflag:s19], $0x2800  }
0x2e: {  	[sflag:s19] =	ssyncset.done $0x0  }
0x2f: {  	[sflag:s19] =	ssyncadd.s32 $0xFFFFD800  }
0x30: {  	[bflag:$0x0] =	sbarrier.arrive $0xFFFF  }
0x31: {  	s20 =	rddreg [dreg:$0xe]  }
0x32: {  	[tilespmem:s3], [sflag:$0x5] =	stream.linear.gather [hbm4b:s20+s3], $0x50, $0x38;
	[tilespmem:$0x1E400] =	vst v63  }
0x33: {  	s18 =	rddreg [dreg:$0xf]  }
0x34: {  	[tilespmem:s21], [sflag:$0x5] =	stream.linear.gather [hbm4b:s18+s3], $0x50, $0x38;
	[tilespmem:$0x1E400] =	vst v63  }
0x35: {  	s19 =	rddreg [dreg:$0x10]  }
0x36: {  	[tilespmem:s22], [sflag:$0x6] =	stream.linear.gather [hbm4b:s19+s3], $0x50, $0x38;
	[tilespmem:$0x1E400] =	vst v63  }
0x37: {  	s20 =	rddreg [dreg:$0x11]  }
0x38: {  	[tilespmem:s23], [sflag:$0x6] =	stream.linear.gather [hbm4b:s20+s3], $0x50, $0x38;
	[tilespmem:$0x1E400] =	vst v63  }
0x39: {  	s18 =	rddreg [dreg:$0x12]  }
0x3a: {  	[tilespmem:s24], [sflag:$0x7] =	stream.linear.gather [hbm4b:s18+s3], $0x50, $0x38;
	[tilespmem:$0x1E400] =	vst v63  }
0x3b: {  	s19 =	rddreg [dreg:$0x13]  }
0x3c: {  	[tilespmem:s25], [sflag:$0x7] =	stream.linear.gather [hbm4b:s19+s3], $0x50, $0x38;
	[tilespmem:$0x1E400] =	vst v63  }
0x3d: {  	_ =	swait.ge [sflag:s26], $0x50  }
0x3e: {  	[sflag:s26] =	ssyncset.done $0x0  }
0x3f: {  	[sflag:s26] =	ssyncadd.s32 $0xFFFFFFB0  }
0x40: {  	_ =	swait.ge [sflag:s26], $0x50  }
0x41: {  	[sflag:s26] =	ssyncset.done $0x0  }
0x42: {  	[sflag:s26] =	ssyncadd.s32 $0xFFFFFFB0  }
0x43: {  	[tilespmem:s29], [sflag:$0x1] =	stream.indirect.gather [hbm4b:s4+s28], $0x80, s3, s28, $0xb8;
	[tilespmem:$0x1E400] =	vst v63  }
0x44: {  	_ =	swait.ge [sflag:s30], $0x50  }
0x45: {  	[sflag:s30] =	ssyncset.done $0x0  }
0x46: {  	[sflag:s30] =	ssyncadd.s32 $0xFFFFFFB0  }
0x47: {  	_ =	swait.ge [sflag:s30], $0x50  }
0x48: {  	[sflag:s30] =	ssyncset.done $0x0  }
0x49: {  	[sflag:s30] =	ssyncadd.s32 $0xFFFFFFB0  }
0x4a: {  	[tilespmem:s31], [sflag:$0x2] =	stream.indirect.gather [hbm4b:s4+s28], $0x80, s22, s28, $0xb8;
	[tilespmem:$0x1E400] =	vst v63  }
0x4b: {  	_ =	swait.ge [sflag:s0], $0x2800  }
0x4c: {  	[sflag:s0] =	ssyncset.done $0x0  }
0x4d: {  	[sflag:s0] =	ssyncadd.s32 $0xFFFFD800  }
0x4e: {  	[spmem:s1] =	stream.indirect.scatter.add.f32 [tilespmem:s29], [sflag:$0x9], $0x80, s21, s28, $0xb8;
	[tilespmem:$0x1E400] =	vst v63  }
0x4f: {  	_ =	swait.ge [sflag:s2], $0x50  }
0x50: {  	[sflag:s2] =	ssyncset.done $0x0  }
0x51: {  	[sflag:s2] =	ssyncadd.s32 $0xFFFFFFB0  }
0x52: {  	_ =	swait.ge [sflag:s2], $0x50  }
0x53: {  	[sflag:s2] =	ssyncset.done $0x0  }
0x54: {  	[sflag:s2] =	ssyncadd.s32 $0xFFFFFFB0  }
0x55: {  	[tilespmem:s5], [sflag:$0x3] =	stream.indirect.gather [hbm4b:s4+s28], $0x80, s24, s28, $0xb8;
	[tilespmem:$0x1E400] =	vst v63  }
0x56: {  	s20 =	rddreg [dreg:$0x14]  }
0x57: {  	[tilespmem:s6], [sflag:$0x8] =	stream.linear.gather [hbm4b:s20+s3], $0x50, $0x38;
	[tilespmem:$0x1E400] =	vst v63  }
0x58: {  	s18 =	rddreg [dreg:$0x15]  }
0x59: {  	[tilespmem:s8], [sflag:$0x8] =	stream.linear.gather [hbm4b:s18+s3], $0x50, $0x38;
	[tilespmem:$0x1E400] =	vst v63  }
0x5a: {  	_ =	swait.ge [sflag:s9], $0x2800  }
0x5b: {  	[sflag:s9] =	ssyncset.done $0x0  }
0x5c: {  	[sflag:s9] =	ssyncadd.s32 $0xFFFFD800  }
0x5d: {  	[spmem:s1] =	stream.indirect.scatter.add.f32 [tilespmem:s31], [sflag:$0xA], $0x80, s23, s28, $0xb8;
	[tilespmem:$0x1E400] =	vst v63  }
0x5e: {  	_ =	swait.ge [sflag:s10], $0x2800  }
0x5f: {  	[sflag:s10] =	ssyncset.done $0x0  }
0x60: {  	[sflag:s10] =	ssyncadd.s32 $0xFFFFD800  }
0x61: {  	_ =	swait.ge [sflag:s11], $0x50  }
0x62: {  	[sflag:s11] =	ssyncset.done $0x0  }
0x63: {  	[sflag:s11] =	ssyncadd.s32 $0xFFFFFFB0  }
0x64: {  	_ =	swait.ge [sflag:s11], $0x50  }
0x65: {  	[sflag:s11] =	ssyncset.done $0x0  }
0x66: {  	[sflag:s11] =	ssyncadd.s32 $0xFFFFFFB0  }
0x67: {  	[tilespmem:s12], [sflag:$0x4] =	stream.indirect.gather [hbm4b:s4+s28], $0x80, s6, s28, $0xb8;
	[tilespmem:$0x1E400] =	vst v63  }
0x68: {  	s19 =	rddreg [dreg:$0x16]  }
0x69: {  	[tilespmem:s3], [sflag:$0x5] =	stream.linear.gather [hbm4b:s19+s3], $0x50, $0x38;
	[tilespmem:$0x1E400] =	vst v63  }
0x6a: {  	s20 =	rddreg [dreg:$0x17]  }
0x6b: {  	[tilespmem:s21], [sflag:$0x5] =	stream.linear.gather [hbm4b:s20+s3], $0x50, $0x38;
	[tilespmem:$0x1E400] =	vst v63  }
0x6c: {  	_ =	swait.ge [sflag:s13], $0x2800  }
0x6d: {  	[sflag:s13] =	ssyncset.done $0x0  }
0x6e: {  	[sflag:s13] =	ssyncadd.s32 $0xFFFFD800  }
0x6f: {  	[spmem:s1] =	stream.indirect.scatter.add.f32 [tilespmem:s5], [sflag:$0xB], $0x80, s25, s28, $0xb8;
	[tilespmem:$0x1E400] =	vst v63  }
0x70: {  	_ =	swait.ge [sflag:s14], $0x2800  }
0x71: {  	[sflag:s14] =	ssyncset.done $0x0  }
0x72: {  	[sflag:s14] =	ssyncadd.s32 $0xFFFFD800  }
0x73: {  	_ =	swait.ge [sflag:s26], $0x50  }
0x74: {  	[sflag:s26] =	ssyncset.done $0x0  }
0x75: {  	[sflag:s26] =	ssyncadd.s32 $0xFFFFFFB0  }
0x76: {  	_ =	swait.ge [sflag:s26], $0x50  }
0x77: {  	[sflag:s26] =	ssyncset.done $0x0  }
0x78: {  	s18 =	rddreg [dreg:$0xa];
	[sflag:s26] =	ssyncadd.s32 $0xFFFFFFB0  }
0x79: {  	[tilespmem:s29], [sflag:$0x1] =	stream.indirect.gather [hbm4b:s4+s28], $0x80, s3, s28, $0xb8;
	[tilespmem:$0x1E400] =	vst v63  }
0x7a: {  	s19 =	rddreg [dreg:$0x9];
	s7 =	sadd.s32 $0x0, s18  }
0x7b: {  	[tilespmem:s22], [sflag:$0x6] =	stream.linear.gather [hbm4b:s7+s3], $0x50, $0x38;
	[tilespmem:$0x1E400] =	vst v63  }
0x7c: {  	s20 =	sadd.s32 $0x0, s19  }
0x7d: {  	[tilespmem:s23], [sflag:$0x6] =	stream.linear.gather [hbm4b:s20+s3], $0x50, $0x38;
	[tilespmem:$0x1E400] =	vst v63  }
0x7e: {  	_ =	swait.ge [sflag:s15], $0x2800  }
0x7f: {  	[sflag:s15] =	ssyncset.done $0x0  }
0x80: {  	[sflag:s15] =	ssyncadd.s32 $0xFFFFD800  }
0x81: {  	[spmem:s1] =	stream.indirect.scatter.add.f32 [tilespmem:s12], [sflag:$0xC], $0x80, s8, s28, $0xb8;
	[tilespmem:$0x1E400] =	vst v63  }
0x82: {  	_ =	swait.ge [sflag:s16], $0x2800  }
0x83: {  	[sflag:s16] =	ssyncset.done $0x0  }
0x84: {  	[sflag:s16] =	ssyncadd.s32 $0xFFFFD800  }
0x85: {  	_ =	swait.ge [sflag:s30], $0x50  }
0x86: {  	[sflag:s30] =	ssyncset.done $0x0  }
0x87: {  	[sflag:s30] =	ssyncadd.s32 $0xFFFFFFB0  }
0x88: {  	_ =	swait.ge [sflag:s30], $0x50  }
0x89: {  	[sflag:s30] =	ssyncset.done $0x0  }
0x8a: {  	s18 =	rddreg [dreg:$0x8];
	[sflag:s30] =	ssyncadd.s32 $0xFFFFFFB0  }
0x8b: {  	[tilespmem:s31], [sflag:$0x2] =	stream.indirect.gather [hbm4b:s4+s28], $0x80, s22, s28, $0xb8;
	[tilespmem:$0x1E400] =	vst v63  }
0x8c: {  	s19 =	rddreg [dreg:$0x7];
	s7 =	sadd.s32 $0x0, s18  }
0x8d: {  	[tilespmem:s24], [sflag:$0x7] =	stream.linear.gather [hbm4b:s7+s3], $0x50, $0x38;
	[tilespmem:$0x1E400] =	vst v63  }
0x8e: {  	s20 =	sadd.s32 $0x0, s19  }
0x8f: {  	[tilespmem:s25], [sflag:$0x7] =	stream.linear.gather [hbm4b:s20+s3], $0x50, $0x38;
	[tilespmem:$0x1E400] =	vst v63  }
0x90: {  	_ =	swait.ge [sflag:s0], $0x2800  }
0x91: {  	[sflag:s0] =	ssyncset.done $0x0  }
0x92: {  	[sflag:s0] =	ssyncadd.s32 $0xFFFFD800  }
0x93: {  	[spmem:s1] =	stream.indirect.scatter.add.f32 [tilespmem:s29], [sflag:$0x9], $0x80, s21, s28, $0xb8;
	[tilespmem:$0x1E400] =	vst v63  }
0x94: {  	_ =	swait.ge [sflag:s17], $0x2800  }
0x95: {  	[sflag:s17] =	ssyncset.done $0x0  }
0x96: {  	[sflag:s17] =	ssyncadd.s32 $0xFFFFD800  }
0x97: {  	_ =	swait.ge [sflag:s2], $0x50  }
0x98: {  	[sflag:s2] =	ssyncset.done $0x0  }
0x99: {  	[sflag:s2] =	ssyncadd.s32 $0xFFFFFFB0  }
0x9a: {  	_ =	swait.ge [sflag:s2], $0x50  }
0x9b: {  	[sflag:s2] =	ssyncset.done $0x0  }
0x9c: {  	s18 =	rddreg [dreg:$0x6];
	[sflag:s2] =	ssyncadd.s32 $0xFFFFFFB0  }
0x9d: {  	[tilespmem:s5], [sflag:$0x3] =	stream.indirect.gather [hbm4b:s4+s28], $0x80, s24, s28, $0xb8;
	[tilespmem:$0x1E400] =	vst v63  }
0x9e: {  	s19 =	rddreg [dreg:$0x5];
	s7 =	sadd.s32 $0x0, s18  }
0x9f: {  	[tilespmem:s6], [sflag:$0x8] =	stream.linear.gather [hbm4b:s7+s3], $0x50, $0x38;
	[tilespmem:$0x1E400] =	vst v63  }
0xa0: {  	s20 =	sadd.s32 $0x0, s19  }
0xa1: {  	[tilespmem:s8], [sflag:$0x8] =	stream.linear.gather [hbm4b:s20+s3], $0x50, $0x38;
	[tilespmem:$0x1E400] =	vst v63  }
0xa2: {  	_ =	swait.ge [sflag:s9], $0x2800  }
0xa3: {  	[sflag:s9] =	ssyncset.done $0x0  }
0xa4: {  	[sflag:s9] =	ssyncadd.s32 $0xFFFFD800  }
0xa5: {  	[spmem:s1] =	stream.indirect.scatter.add.f32 [tilespmem:s31], [sflag:$0xA], $0x80, s23, s28, $0xb8;
	[tilespmem:$0x1E400] =	vst v63  }
0xa6: {  	_ =	swait.ge [sflag:s10], $0x2800  }
0xa7: {  	[sflag:s10] =	ssyncset.done $0x0  }
0xa8: {  	[sflag:s10] =	ssyncadd.s32 $0xFFFFD800  }
0xa9: {  	_ =	swait.ge [sflag:s11], $0x50  }
0xaa: {  	[sflag:s11] =	ssyncset.done $0x0  }
0xab: {  	[sflag:s11] =	ssyncadd.s32 $0xFFFFFFB0  }
0xac: {  	_ =	swait.ge [sflag:s11], $0x50  }
0xad: {  	[sflag:s11] =	ssyncset.done $0x0  }
0xae: {  	s18 =	rddreg [dreg:$0x4];
	[sflag:s11] =	ssyncadd.s32 $0xFFFFFFB0  }
0xaf: {  	[tilespmem:s12], [sflag:$0x4] =	stream.indirect.gather [hbm4b:s4+s28], $0x80, s6, s28, $0xb8;
	[tilespmem:$0x1E400] =	vst v63  }
0xb0: {  	s19 =	rddreg [dreg:$0x3];
	s7 =	sadd.s32 $0x0, s18  }
0xb1: {  	[tilespmem:s3], [sflag:$0x5] =	stream.linear.gather [hbm4b:s7+s3], $0x50, $0x38;
	[tilespmem:$0x1E400] =	vst v63  }
0xb2: {  	s20 =	sadd.s32 $0x0, s19;
	s7 =	simm.s32 $0x28  }
.LBB2_2:
0xb3: {  	[tilespmem:s21], [sflag:$0x5] =	stream.linear.gather [hbm4b:s20+s3], $0x50, $0x38;
	[tilespmem:$0x1E400] =	vst v63  }
0xb4: {  	_ =	swait.ge [sflag:s13], $0x2800  }
0xb5: {  	[sflag:s13] =	ssyncset.done $0x0  }
0xb6: {  	[sflag:s13] =	ssyncadd.s32 $0xFFFFD800  }
0xb7: {  	[spmem:s1] =	stream.indirect.scatter.add.f32 [tilespmem:s5], [sflag:$0xB], $0x80, s25, s28, $0xb8;
	[tilespmem:$0x1E400] =	vst v63  }
0xb8: {  	_ =	swait.ge [sflag:s14], $0x2800  }
0xb9: {  	[sflag:s14] =	ssyncset.done $0x0  }
0xba: {  	[sflag:s14] =	ssyncadd.s32 $0xFFFFD800  }
0xbb: {  	_ =	swait.ge [sflag:s26], $0x50  }
0xbc: {  	[sflag:s26] =	ssyncset.done $0x0  }
0xbd: {  	[sflag:s26] =	ssyncadd.s32 $0xFFFFFFB0  }
0xbe: {  	_ =	swait.ge [sflag:s26], $0x50  }
0xbf: {  	[sflag:s26] =	ssyncset.done $0x0  }
0xc0: {  	s20 =	smov.u32 s7;
	s19 =	rddreg [dreg:$0xa];
	[sflag:s26] =	ssyncadd.s32 $0xFFFFFFB0  }
0xc1: {  	[tilespmem:s29], [sflag:$0x1] =	stream.indirect.gather [hbm4b:s4+s28], $0x80, s3, s28, $0xb8;
	[tilespmem:$0x1E400] =	vst v63  }
0xc2: {  	s18 =	rddreg [dreg:$0x9];
	s19 =	sadd.s32 s20, s19  }
0xc3: {  	[tilespmem:s22], [sflag:$0x6] =	stream.linear.gather [hbm4b:s19+s3], $0x50, $0x38;
	[tilespmem:$0x1E400] =	vst v63  }
0xc4: {  	s18 =	sadd.s32 s20, s18  }
0xc5: {  	[tilespmem:s23], [sflag:$0x6] =	stream.linear.gather [hbm4b:s18+s3], $0x50, $0x38;
	[tilespmem:$0x1E400] =	vst v63  }
0xc6: {  	_ =	swait.ge [sflag:s15], $0x2800  }
0xc7: {  	[sflag:s15] =	ssyncset.done $0x0  }
0xc8: {  	[sflag:s15] =	ssyncadd.s32 $0xFFFFD800  }
0xc9: {  	[spmem:s1] =	stream.indirect.scatter.add.f32 [tilespmem:s12], [sflag:$0xC], $0x80, s8, s28, $0xb8;
	[tilespmem:$0x1E400] =	vst v63  }
0xca: {  	_ =	swait.ge [sflag:s16], $0x2800  }
0xcb: {  	[sflag:s16] =	ssyncset.done $0x0  }
0xcc: {  	[sflag:s16] =	ssyncadd.s32 $0xFFFFD800  }
0xcd: {  	_ =	swait.ge [sflag:s30], $0x50  }
0xce: {  	[sflag:s30] =	ssyncset.done $0x0  }
0xcf: {  	[sflag:s30] =	ssyncadd.s32 $0xFFFFFFB0  }
0xd0: {  	_ =	swait.ge [sflag:s30], $0x50  }
0xd1: {  	[sflag:s30] =	ssyncset.done $0x0  }
0xd2: {  	s18 =	rddreg [dreg:$0x8];
	[sflag:s30] =	ssyncadd.s32 $0xFFFFFFB0  }
0xd3: {  	[tilespmem:s31], [sflag:$0x2] =	stream.indirect.gather [hbm4b:s4+s28], $0x80, s22, s28, $0xb8;
	[tilespmem:$0x1E400] =	vst v63  }
0xd4: {  	s19 =	rddreg [dreg:$0x7];
	s18 =	sadd.s32 s20, s18  }
0xd5: {  	[tilespmem:s24], [sflag:$0x7] =	stream.linear.gather [hbm4b:s18+s3], $0x50, $0x38;
	[tilespmem:$0x1E400] =	vst v63  }
0xd6: {  	s19 =	sadd.s32 s20, s19  }
0xd7: {  	[tilespmem:s25], [sflag:$0x7] =	stream.linear.gather [hbm4b:s19+s3], $0x50, $0x38;
	[tilespmem:$0x1E400] =	vst v63  }
0xd8: {  	_ =	swait.ge [sflag:s0], $0x2800  }
0xd9: {  	[sflag:s0] =	ssyncset.done $0x0  }
0xda: {  	[sflag:s0] =	ssyncadd.s32 $0xFFFFD800  }
0xdb: {  	[spmem:s1] =	stream.indirect.scatter.add.f32 [tilespmem:s29], [sflag:$0x9], $0x80, s21, s28, $0xb8;
	[tilespmem:$0x1E400] =	vst v63  }
0xdc: {  	_ =	swait.ge [sflag:s17], $0x2800  }
0xdd: {  	[sflag:s17] =	ssyncset.done $0x0  }
0xde: {  	[sflag:s17] =	ssyncadd.s32 $0xFFFFD800  }
0xdf: {  	_ =	swait.ge [sflag:s2], $0x50  }
0xe0: {  	[sflag:s2] =	ssyncset.done $0x0  }
0xe1: {  	[sflag:s2] =	ssyncadd.s32 $0xFFFFFFB0  }
0xe2: {  	_ =	swait.ge [sflag:s2], $0x50  }
0xe3: {  	[sflag:s2] =	ssyncset.done $0x0  }
0xe4: {  	s18 =	rddreg [dreg:$0x6];
	[sflag:s2] =	ssyncadd.s32 $0xFFFFFFB0  }
0xe5: {  	[tilespmem:s5], [sflag:$0x3] =	stream.indirect.gather [hbm4b:s4+s28], $0x80, s24, s28, $0xb8;
	[tilespmem:$0x1E400] =	vst v63  }
0xe6: {  	s19 =	rddreg [dreg:$0x5];
	s18 =	sadd.s32 s20, s18  }
0xe7: {  	[tilespmem:s6], [sflag:$0x8] =	stream.linear.gather [hbm4b:s18+s3], $0x50, $0x38;
	[tilespmem:$0x1E400] =	vst v63  }
0xe8: {  	s19 =	sadd.s32 s20, s19  }
0xe9: {  	[tilespmem:s8], [sflag:$0x8] =	stream.linear.gather [hbm4b:s19+s3], $0x50, $0x38;
	[tilespmem:$0x1E400] =	vst v63  }
0xea: {  	_ =	swait.ge [sflag:s9], $0x2800  }
0xeb: {  	[sflag:s9] =	ssyncset.done $0x0  }
0xec: {  	[sflag:s9] =	ssyncadd.s32 $0xFFFFD800  }
0xed: {  	[spmem:s1] =	stream.indirect.scatter.add.f32 [tilespmem:s31], [sflag:$0xA], $0x80, s23, s28, $0xb8;
	[tilespmem:$0x1E400] =	vst v63  }
0xee: {  	_ =	swait.ge [sflag:s10], $0x2800  }
0xef: {  	[sflag:s10] =	ssyncset.done $0x0  }
0xf0: {  	[sflag:s10] =	ssyncadd.s32 $0xFFFFD800  }
0xf1: {  	_ =	swait.ge [sflag:s11], $0x50  }
0xf2: {  	[sflag:s11] =	ssyncset.done $0x0  }
0xf3: {  	[sflag:s11] =	ssyncadd.s32 $0xFFFFFFB0  }
0xf4: {  	p0 =	sne.s32 s7, $0x488;
	_ =	swait.ge [sflag:s11], $0x50  }
.Ltmp0:
0xf5: {  	[sflag:s11] =	ssyncset.done $0x0;
	s18 =	rddreg [dreg:$0x4];
	(pc) =	sbr.rel @p0 .LBB2_2-.Ltmp0, $4  }
0xf6: {  	s19 =	rddreg [dreg:$0x3];
	[sflag:s11] =	ssyncadd.s32 $0xFFFFFFB0  }
0xf7: {  	[tilespmem:s12], [sflag:$0x4] =	stream.indirect.gather [hbm4b:s4+s28], $0x80, s6, s28, $0xb8;
	[tilespmem:$0x1E400] =	vst v63  }
0xf8: {  	s7 =	sadd.s32 $0x28, s7;
	s18 =	sadd.s32 s20, s18;
	s20 =	sadd.s32 s20, s19  }
0xf9: {  	[tilespmem:s3], [sflag:$0x5] =	stream.linear.gather [hbm4b:s18+s3], $0x50, $0x38;
	[tilespmem:$0x1E400] =	vst v63  }
0xfa: {  	[tilespmem:s21], [sflag:$0x5] =	stream.linear.gather [hbm4b:s20+s3], $0x50, $0x38;
	[tilespmem:$0x1E400] =	vst v63  }
0xfb: {  	_ =	swait.ge [sflag:s13], $0x2800  }
0xfc: {  	[sflag:s13] =	ssyncset.done $0x0  }
0xfd: {  	[sflag:s13] =	ssyncadd.s32 $0xFFFFD800  }
0xfe: {  	[spmem:s1] =	stream.indirect.scatter.add.f32 [tilespmem:s5], [sflag:$0xB], $0x80, s25, s28, $0xb8;
	[tilespmem:$0x1E400] =	vst v63  }
0xff: {  	_ =	swait.ge [sflag:s14], $0x2800  }
0x100: {  	[sflag:s14] =	ssyncset.done $0x0  }
0x101: {  	[sflag:s14] =	ssyncadd.s32 $0xFFFFD800  }
0x102: {  	_ =	swait.ge [sflag:s26], $0x50  }
0x103: {  	[sflag:s26] =	ssyncset.done $0x0  }
0x104: {  	[sflag:s26] =	ssyncadd.s32 $0xFFFFFFB0  }
0x105: {  	_ =	swait.ge [sflag:s26], $0x50  }
0x106: {  	[sflag:s26] =	ssyncset.done $0x0  }
0x107: {  	[sflag:s26] =	ssyncadd.s32 $0xFFFFFFB0  }
0x108: {  	[tilespmem:s29], [sflag:$0x1] =	stream.indirect.gather [hbm4b:s4+s28], $0x80, s3, s28, $0xb8;
	[tilespmem:$0x1E400] =	vst v63  }
0x109: {  	_ =	swait.ge [sflag:s15], $0x2800  }
0x10a: {  	[sflag:s15] =	ssyncset.done $0x0  }
0x10b: {  	[sflag:s15] =	ssyncadd.s32 $0xFFFFD800  }
0x10c: {  	[spmem:s1] =	stream.indirect.scatter.add.f32 [tilespmem:s12], [sflag:$0xC], $0x80, s8, s28, $0xb8;
	[tilespmem:$0x1E400] =	vst v63  }
0x10d: {  	_ =	swait.ge [sflag:s16], $0x2800  }
0x10e: {  	[sflag:s16] =	ssyncset.done $0x0  }
0x10f: {  	[sflag:s16] =	ssyncadd.s32 $0xFFFFD800  }
0x110: {  	_ =	swait.ge [sflag:s0], $0x2800  }
0x111: {  	[sflag:s0] =	ssyncset.done $0x0  }
0x112: {  	[sflag:s0] =	ssyncadd.s32 $0xFFFFD800  }
0x113: {  	[spmem:s1] =	stream.indirect.scatter.add.f32 [tilespmem:s29], [sflag:$0x9], $0x80, s21, s28, $0xb8;
	[tilespmem:$0x1E400] =	vst v63  }
0x114: {  	_ =	swait.ge [sflag:s17], $0x2800  }
0x115: {  	[sflag:s17] =	ssyncset.done $0x0  }
0x116: {  	[sflag:s17] =	ssyncadd.s32 $0xFFFFD800  }
0x117: {  	_ =	swait.ge [sflag:s10], $0x2800  }
0x118: {  	[sflag:s10] =	ssyncset.done $0x0  }
0x119: {  	[sflag:s10] =	ssyncadd.s32 $0xFFFFD800  }
0x11a: {  	[bflag:$0x0] =	sbarrier.arrive $0xFFFF  }
0x11b: {  	s18 =	rddreg [dreg:$0xd]  }
0x11c: {  	s7 =	rddreg [dreg:$0x18]  }
0x11d: {  	s19 =	rddreg [dreg:$0x1b]  }
0x11e: {  	[hbm:s7], [sflag:s18] =	dma.local [spmem:s19], $0x2800  }
0x11f: {  	s19 =	simm.s32 $0xD  }
0x120: {  	_ =	swait.ge [sflag:s19], $0x2800  }
0x121: {  	s7 =	rddreg [dreg:$0x1a]  }
0x122: {  	s20 =	sadd.s32 $0x1, s7;
	s7 =	rddreg [dreg:$0x19]  }
0x123: {  	p0 =	sne.s32 s20, s7  }
.Ltmp1:
0x124: {  	_ = 	snop;
	(pc) =	sbr.rel @p0 .LBB2_1-.Ltmp1, $3  }
0x125: {  	_ =	sdelay $0x1  }
0x126: {  	[sflag:s19] =	ssyncset.done $0x0  }
0x127: {  	[sflag:s19] =	ssyncadd.s32 $0xFFFFD800  }
0x128: {  	_ =	sfence.sel $0x180000  }
0x129: {  	[bflag:$0x0] =	sbarrier.arrive $0xFFFF  }
0x12a: {  	_ =	strace $0x9000004A  }
0x12b: {  	s0 =	stileid.u32;
	[bflag:$0x2] =	sbarrier.arrive $0xFFFF  }
0x12c: {  	p0 =	sne.s32 s0, $0x0;
	s0 =	rddreg [dreg:$0x2]  }
0x12d: {  	s0 =	sadd.s32 @!p0 $0x100000, s0  }
0x12e: {  	[sflag:s0] =	ssyncadd.tile.s32 @!p0 $0x1;
	_ =	shalt  }
.Lfunc_end2:
_tile_overlayer_lowered:
.L_overlay_start_2:
0x12f: {  	(tag) =	ssettag $0x2  }
0x130: {  	s0 =	rddreg [dreg:$0x0];
	s2 =	stileid.u32  }
0x131: {  	s1 =	rddreg [dreg:$0x1];
	p0 =	sne.s32 s2, $0x0  }
0x132: {  	s3 =	rddreg [dreg:$0x2];
	[bflag:$0x3] =	sbarrier.arrive $0xFFFF;
	s2 =	simm.s32 @!p0 $0x1C0D  }
0x133: {  	[timem:s3], [sflag:s2] =	dma.local @!p0 [hbm:s0], s1  }
0x134: {  	s0 =	simm.s32 @!p0 $0xD  }
0x135: {  	_ =	swait.ge @!p0 [sflag:s0], s1  }
0x136: {  	s1 =	ssub.s32 @!p0 $0x0, s1;
	[sflag:s0] =	ssyncset.done @!p0 $0x0  }
0x137: {  	[sflag:s0] =	ssyncadd.s32 @!p0 s1  }
0x138: {  	[bflag:$0x3] =	sbarrier.arrive $0xFFFF  }
0x139: {  	_ =	shalt  }

// kernel: kernel.14.cloned.1.call-start
scs
__scs_entry_jumppad:
0x0: {  	(pc) =	sbr.rel $0x88, $3  }
0x1: {  	(tag) =	ssettag $0x0;
	lr =	simm.s32 $0x1  }
0x2: {  	[smem:$0x3F96] =	sst lr;
	_ =	strace $0xD0000000  }
0x3: {  	_ = 	snop  }
0x4: {  	_ = 	snop  }
0x5: {  	_ = 	snop  }
0x6: {  	_ = 	snop  }
0x7: {  	_ = 	snop  }
__scs_overlays_trampoline_lowered:
0x8: {  	[smem:$0x3FA5] =	sst s0  }
0x9: {  	[smem:$0x3FA6] =	sst s1  }
0xa: {  	[smem:$0x3FA7] =	sst s2  }
0xb: {  	[smem:$0x3FA8] =	sst s3  }
0xc: {  	[smem:$0x3FA9] =	sst s4  }
0xd: {  	[smem:$0x3FAA] =	sst s5  }
0xe: {  	[smem:$0x3FAB] =	sst s6  }
0xf: {  	[smem:$0x3FAC] =	sst s7  }
0x10: {  	[smem:$0x3FAD] =	sst s8  }
0x11: {  	[smem:$0x3FAE] =	sst s9;
	s0 =	simm.s32 @!p0 $0x0  }
0x12: {  	s1 =	sld [smem:$0x3F94];
	s0 =	simm.s32 @p0 $0x1  }
0x13: {  	[smem:$0x3FAF] =	sst s0;
	s0 =	simm.s32 @!p1 $0x0  }
0x14: {  	s2 =	sld [smem:$0x3F93];
	s0 =	simm.s32 @p1 $0x1  }
0x15: {  	[smem:$0x3FB0] =	sst s0;
	s0 =	simm.s32 @!p2 $0x0  }
0x16: {  	s3 =	sld [smem:$0x3FDB];
	s0 =	simm.s32 @p2 $0x1  }
0x17: {  	s4 =	simm.s32 $0x1BF5;
	[smem:$0x3FB2] =	sst s0  }
0x18: {  	s0 =	sld [smem:$0x3F95];
	_ =	swait.ge [sflag:s4], $0x0  }
0x19: {  	s7 =	sld [smem:$0x3F96]  }
0x1a: {  	s8 =	sadd.s32 $0xFFFFE003, lr  }
0x1b: {  	s9 =	sadd.s32 $0xFFFFFEF7, lr;
	s5 =	simm.s32 $0xFFFFFFFF;
	p2 =	slt.u32 s8, $0xFFFFF086  }
0x1c: {  	p1 =	slt.u32 s9, $0xF7A;
	s5 =	simm.s32 @!p2 $0x0  }
0x1d: {  	s5 =	simm.s32 @p1 $0x1;
	p0 =	seq.s32 s7, s2  }
0x1e: {  	s7 =	smul.u32 @!p0 $0xF7A, s2;
	p2 =	seq.s32 @!p0 s5, $0x0  }
0x1f: {  	s9 =	smul.u32 $0xF7A, s1;
	s8 =	simm.s32 @!p0 $0x1BF5;
	p2 =	por !p2, p0  }
0x20: {  	[sflag:s8] =	ssyncset.s32 @!p0 $0xFFFFF086;
	s6 =	sadd.s32 @!p0 s3, s7;
	s7 =	simm.s32 @!p0 $0x108  }
0x21: {  	s3 =	sadd.s32 s3, s9;
	s6 =	sadd.s32 @!p0 $0x88, s6;
	s7 =	simm.s32 @p2 $0x1082  }
0x22: {  	[simem:s7], [sflag:s8] =	dma.local @!p0 [hbm:s6], $0xF7A  }
0x23: {  	s9 =	sor.u32 $0xD0000000, s2;
	s6 =	simm.s32 $0x108;
	_ =	swait.ge @!p0 [sflag:s8], $0x0  }
0x24: {  	s3 =	sadd.s32 $0x88, s3;
	s6 =	simm.s32 @!p1 $0x1082;
	[sflag:s4] =	ssyncset.s32 $0xFFFFF086  }
0x25: {  	[simem:s6], [sflag:s4] =	dma.local [hbm:s3], $0xF7A  }
0x26: {  	[smem:$0x3F96] =	sst s1;
	(tag) =	ssettag s2;
	_ =	strace s9  }
0x27: {  	s1 =	sld [smem:$0x3FA6]  }
0x28: {  	s2 =	sld [smem:$0x3FA7]  }
0x29: {  	s4 =	sld [smem:$0x3FA9]  }
0x2a: {  	p0 =	seq.s32 s5, $0x0;
	s5 =	sld [smem:$0x3FAA]  }
0x2b: {  	s6 =	sld [smem:$0x3FAB]  }
0x2c: {  	s7 =	sld [smem:$0x3FAC]  }
0x2d: {  	s3 =	simm.s32 $0x108;
	s8 =	sld [smem:$0x3FAD]  }
0x2e: {  	s3 =	simm.s32 @!p0 $0x1082;
	s9 =	sld [smem:$0x3FAE]  }
0x2f: {  	lr =	sadd.s32 s0, s3;
	s0 =	sld [smem:$0x3FA5]  }
0x30: {  	s3 =	sld [smem:$0x3FA8]  }
0x31: {  	[smem:$0x3FB1] =	sst s10  }
0x32: {  	s10 =	sld [smem:$0x3FAF];
	_ =	sdelay $0x3  }
0x33: {  	p0 =	seq.s32 s10, $0x1;
	s10 =	sld [smem:$0x3FB1];
	_ =	sdelay $0x3  }
0x34: {  	[smem:$0x3FB1] =	sst s10  }
0x35: {  	s10 =	sld [smem:$0x3FB0];
	_ =	sdelay $0x3  }
0x36: {  	p1 =	seq.s32 s10, $0x1;
	s10 =	sld [smem:$0x3FB1];
	_ =	sdelay $0x3  }
0x37: {  	[smem:$0x3FB1] =	sst s10  }
0x38: {  	s10 =	sld [smem:$0x3FB2]  }
0x39: {  	_ = 	snop;
	(pc) =	sbr.ind lr, $3  }
0x3a: {  	_ = 	snop  }
0x3b: {  	_ = 	snop  }
0x3c: {  	p2 =	seq.s32 s10, $0x1;
	s10 =	sld [smem:$0x3FB1]  }
0x3d: {  	_ =	shalt  }
0x3e: {  	_ =	shalt  }
0x3f: {  	_ =	shalt  }
0x40: {  	_ =	shalt  }
0x41: {  	_ =	shalt  }
0x42: {  	_ =	shalt  }
0x43: {  	_ =	shalt  }
0x44: {  	_ =	shalt  }
0x45: {  	_ =	shalt  }
0x46: {  	_ =	shalt  }
0x47: {  	_ =	shalt  }
0x48: {  	_ =	shalt  }
0x49: {  	_ =	shalt  }
0x4a: {  	_ =	shalt  }
0x4b: {  	_ =	shalt  }
0x4c: {  	_ =	shalt  }
0x4d: {  	_ =	shalt  }
0x4e: {  	_ =	shalt  }
0x4f: {  	_ =	shalt  }
0x50: {  	_ =	shalt  }
0x51: {  	_ =	shalt  }
0x52: {  	_ =	shalt  }
0x53: {  	_ =	shalt  }
0x54: {  	_ =	shalt  }
0x55: {  	_ =	shalt  }
0x56: {  	_ =	shalt  }
0x57: {  	_ =	shalt  }
0x58: {  	_ =	shalt  }
0x59: {  	_ =	shalt  }
0x5a: {  	_ =	shalt  }
0x5b: {  	_ =	shalt  }
0x5c: {  	_ =	shalt  }
0x5d: {  	_ =	shalt  }
0x5e: {  	_ =	shalt  }
0x5f: {  	_ =	shalt  }
0x60: {  	_ =	shalt  }
0x61: {  	_ =	shalt  }
0x62: {  	_ =	shalt  }
0x63: {  	_ =	shalt  }
0x64: {  	_ =	shalt  }
0x65: {  	_ =	shalt  }
0x66: {  	_ =	shalt  }
0x67: {  	_ =	shalt  }
0x68: {  	_ =	shalt  }
0x69: {  	_ =	shalt  }
0x6a: {  	_ =	shalt  }
0x6b: {  	_ =	shalt  }
0x6c: {  	_ =	shalt  }
0x6d: {  	_ =	shalt  }
0x6e: {  	_ =	shalt  }
0x6f: {  	_ =	shalt  }
0x70: {  	_ =	shalt  }
0x71: {  	_ =	shalt  }
0x72: {  	_ =	shalt  }
0x73: {  	_ =	shalt  }
0x74: {  	_ =	shalt  }
0x75: {  	_ =	shalt  }
0x76: {  	_ =	shalt  }
0x77: {  	_ =	shalt  }
0x78: {  	_ =	shalt  }
0x79: {  	_ =	shalt  }
0x7a: {  	_ =	shalt  }
0x7b: {  	_ =	shalt  }
0x7c: {  	_ =	shalt  }
0x7d: {  	_ =	shalt  }
0x7e: {  	_ =	shalt  }
0x7f: {  	_ =	shalt  }
0x80: {  	_ =	shalt  }
0x81: {  	_ =	shalt  }
0x82: {  	_ =	shalt  }
0x83: {  	_ =	shalt  }
0x84: {  	_ =	shalt  }
0x85: {  	_ =	shalt  }
0x86: {  	_ =	shalt  }
0x87: {  	_ =	shalt  }
.Lfunc_end0:
.L_simem_size_0:
called_computation.2_lowered:
.L_overlay_start_0:
0x88: {  	s2 =	sld [smem:$0x3FD9]  }
0x89: {  	s3 =	sld [smem:$0x3FFE];
	_ =	sdelay $0x1  }
0x8a: {  	s1 =	srdreg.scid  }
0x8b: {  	s0 =	sand.u32 $0x1, s1  }
0x8c: {  	s16 =	sshll.u32 s0, $0xA;
	s2 =	sadd.s32 s3, s2  }
0x8d: {  	s2 =	sadd.s32 s2, s16  }
0x8e: {  	[smem:$0x3FBD] =	sst s2  }
0x8f: {  	_ = 	snop  }
0x90: {  	(tm) =	ssettm $0x1  }
0x91: {  	s17 =	sld [smem:$0x3FFB];
	_ =	sdelay $0x3  }
0x92: {  	_ =	strace s17  }
0x93: {  	s2 =	sld [smem:$0x3FFC];
	_ =	sdelay $0x3  }
0x94: {  	_ =	strace s2  }
0x95: {  	s2 =	sld [smem:$0x3FFD];
	_ =	sdelay $0x3  }
0x96: {  	_ =	strace s2  }
0x97: {  	_ =	strace $0x8FFFFFFF  }
0x98: {  	s18 =	sld [smem:$0x3FDB];
	_ =	sdelay $0x1  }
0x99: {  	s19 =	simm.s32 $_scs_section_size  }
0x9a: {  	s4 =	simm.s32 $_size__tile_overlayer_lowered;
	s5 =	simm.s32 $_tile_overlayer_lowered  }
0x9b: {  	s22 =	simm.s32 $0x1BFF;
	s21 =	sshll.u32 s5, $0x1;
	s2 =	sadd.s32 s19, s18  }
0x9c: {  	s6 =	simm.s32 $0x0;
	s20 =	sshll.u32 s4, $0x1;
	s4 =	sadd.s32 s21, s2  }
0x9d: {  	[timem:s6], [sflag:s22] =	dma.local [hbm:s4], s20  }
0x9e: {  	_ =	swait.ge [sflag:s22], s20  }
0x9f: {  	s3 =	ssub.s32 $0x0, s20;
	[sflag:s22] =	ssyncset.done $0x0  }
0xa0: {  	[sflag:s22] =	ssyncadd.s32 s3;
	_ =	sdelay $0x1  }
0xa1: {  	s23 =	simm.s32 $0x1B8B  }
0xa2: {  	_ =	swait.ge [sflag:s23], $0x1  }
0xa3: {  	[sflag:s23] =	ssyncset.done $0x0  }
0xa4: {  	s25 =	simm.s32 $0x1B8E;
	s24 =	sld [smem:$0x3FFE];
	[sflag:s23] =	ssyncadd.s32 $0xFFFFFFFF  }
0xa5: {  	s26 =	simm.s32 $execute0_lowered;
	[smem:$0x3FD2] =	sst s25  }
0xa6: {  	s4 =	sshll.u32 s26, $0x1;
	_ =	strace $0x8000004C;
	[dreg:$0x1] =	wrdreg $0xFFFFFFFF  }
0xa7: {  	s28 =	simm.s32 $_size_execute0_lowered;
	s2 =	sadd.s32 s2, s4;
	[dreg:$0x0] =	wrdreg $0x0  }
0xa8: {  	s4 =	sshll.u32 s28, $0x1;
	[dreg:$0x2] =	wrdreg s2  }
0xa9: {  	[dreg:$0x3] =	wrdreg s4  }
0xaa: {  	[dreg:$0x4] =	wrdreg $0xC0  }
0xab: {  	_ =	task [dreg:s6], $0x5FFFF  }
0xac: {  	[dreg:$0x1] =	wrdreg $0xFFFFFFFF  }
0xad: {  	[dreg:$0x0] =	wrdreg $0x60  }
0xae: {  	[dreg:$0x2] =	wrdreg s24  }
0xaf: {  	[dreg:$0x3] =	wrdreg $0xA4000  }
0xb0: {  	[dreg:$0x4] =	wrdreg $0x9  }
0xb1: {  	_ =	task.clear_ibuf [dreg:s6], $0x5FFFF;
	_ =	strace $0x9000004C  }
0xb2: {  	s29 =	simm.s32 $0x9;
	_ =	strace $0x8000004E  }
0xb3: {  	_ =	swait.ge [sflag:s29], $0x1  }
0xb4: {  	[sflag:s29] =	ssyncadd.s32 $0xFFFFFFFF  }
0xb5: {  	_ =	strace $0x9000004E  }
0xb6: {  	_ =	sfence  }
0xb7: {  	s30 =	sld [smem:$0x0];
	_ =	sdelay $0x2  }
0xb8: {  	s31 =	sshll.u32 s1, $0xD;
	s1 =	sshrl.u32 s1, $0x2  }
0xb9: {  	s3 =	sand.u32 $0x4000, s31;
	s1 =	sadd.s32 s1, s30  }
0xba: {  	s0 =	sor.u32 s3, s0;
	s1 =	sshll.u32 s1, $0x11  }
0xbb: {  	s0 =	sor.u32 s1, s0  }
0xbc: {  	s0 =	sadd.s32 $0x8F2B, s0  }
0xbd: {  	[sflag:s0] =	ssyncadd.remote.s32 $0x1  }
0xbe: {  	_ =	sfence.sel $0xFFFF  }
0xbf: {  	[dreg:$0x0] =	wrdreg $0xFFFFFFFF;
	(pc) =	sbr.abs _section_cstart, $3  }
0xc0: {  	[dreg:$0x1] =	wrdreg $0xFFFFFFFF  }
0xc1: {  	_ =	task.clear_ibuf [dreg:s6], $0x2FFFF;
	_ =	strace $0x9FFFFFFF  }
0xc2: {  	(tm) =	ssettm $0x7FFFFFFF  }
0xc3: {  	_ =	shalt  }
tec
execute0_lowered:
.L_overlay_start_1:
0x0: {  	(tag) =	ssettag $0x1  }
0x1: {  	s0 =	rddreg [dreg:$0x0]  }
0x2: {  	s1 =	rddreg [dreg:$0x1]  }
0x3: {  	s2 =	srdreg.scid;
	s3 =	simm.s32 $0x0;
	s11 =	stileid.u32  }
0x4: {  	s28 =	simm.s32 $0x50;
	s29 =	simm.s32 $0x100;
	s30 =	simm.s32 $0x6  }
0x5: {  	s2 =	sand.u32 $0x1, s2;
	[smem:$0x7FF] =	sst s3;
	s6 =	smul.u32 $0x14000, s11  }
0x6: {  	s7 =	sadd.s32 $0xD200, s0;
	s8 =	sadd.s32 $0x3400, s0;
	s10 =	smul.u32 $0x50000, s11  }
0x7: {  	s4 =	sadd.s32 $0x69800, s0;
	s14 =	sadd.s32 $0x17000, s0;
	s21 =	smul.u32 $0x4E20, s11  }
0x8: {  	s15 =	sshll.u32 s11, $0x1;
	s18 =	sshll.u32 s11, $0x6;
	s5 =	smul.u32 $0x140000, s2  }
0x9: {  	_ =	strace $0x8000004D;
	[dreg:$0xb] =	wrdreg s14;
	s9 =	ssub.s32 $0x2, s2  }
0xa: {  	s18 =	sor.u32 $0x1C0D, s18;
	s16 =	sshrl.u32 s9, $0x1;
	s17 =	sshrl.u32 s10, $0x2  }
0xb: {  	s5 =	sadd.s32 s6, s5;
	s6 =	sor.u32 s2, s15;
	s2 =	smul.u32 $0x2710, s2  }
0xc: {  	[dreg:$0xd] =	wrdreg s18;
	s5 =	sshrl.u32 s5, $0x3;
	s6 =	smul.u32 $0x2710, s6  }
0xd: {  	s0 =	sadd.s32 s5, s0;
	s5 =	ssub.s32 s9, s16;
	s9 =	sadd.s32 s17, s1  }
0xe: {  	s31 =	simm.s32 $0x2A00;
	s2 =	sadd.s32 s2, s21;
	[dreg:$0xc] =	wrdreg s9  }
0xf: {  	s6 =	sshrl.u32 s6, $0x3;
	s15 =	sadd.s32 $0x230, s2;
	s0 =	sadd.s32 $0x91800, s0  }
0x10: {  	s5 =	smax.u32 s5, $0x1;
	s19 =	sadd.s32 s7, s6;
	[dreg:$0x18] =	wrdreg s0  }
0x11: {  	s20 =	sadd.s32 s8, s6;
	s22 =	sadd.s32 $0xA, s6;
	[dreg:$0x19] =	wrdreg s5  }
0x12: {  	s23 =	sadd.s32 $0x14, s6;
	s26 =	sadd.s32 $0x1E, s6;
	[dreg:$0xe] =	wrdreg s19  }
0x13: {  	s6 =	sadd.s32 $0x28, s6;
	[dreg:$0xf] =	wrdreg s20;
	s12 =	sadd.s32 s7, s22  }
0x14: {  	s17 =	sshrl.u32 s15, $0x3;
	s10 =	sadd.s32 s8, s22;
	[dreg:$0x10] =	wrdreg s12  }
0x15: {  	s0 =	simm.s32 $0x1;
	s24 =	sadd.s32 s7, s23;
	[dreg:$0x11] =	wrdreg s10  }
0x16: {  	s5 =	simm.s32 $0x5300;
	s25 =	sadd.s32 s8, s23;
	[dreg:$0x12] =	wrdreg s24  }
0x17: {  	s15 =	simm.s32 $0x4;
	s11 =	sadd.s32 s7, s26;
	[dreg:$0x13] =	wrdreg s25  }
0x18: {  	s13 =	sadd.s32 s7, s6;
	s6 =	sadd.s32 s8, s6;
	[dreg:$0x14] =	wrdreg s11  }
0x19: {  	s19 =	sadd.s32 s17, s8;
	s20 =	sadd.s32 $0x1E0, s2;
	[dreg:$0x16] =	wrdreg s13  }
0x1a: {  	s21 =	sadd.s32 s17, s7;
	s17 =	simm.s32 $0xC;
	[dreg:$0x17] =	wrdreg s6  }
0x1b: {  	s12 =	sadd.s32 $0x280, s2;
	s10 =	sadd.s32 s8, s26;
	[dreg:$0x5] =	wrdreg s19  }
0x1c: {  	s22 =	sshrl.u32 s20, $0x3;
	[dreg:$0x6] =	wrdreg s21;
	s2 =	sadd.s32 $0x190, s2  }
0x1d: {  	s19 =	simm.s32 $0xD;
	s21 =	simm.s32 $0x80;
	s6 =	simm.s32 $0x7B00  }
0x1e: {  	s11 =	simm.s32 $0x8;
	s13 =	simm.s32 $0x3;
	s20 =	simm.s32 $0x0  }
0x1f: {  	[dreg:$0x15] =	wrdreg s10;
	s9 =	sshrl.u32 s12, $0x3;
	s23 =	sadd.s32 s22, s8  }
0x20: {  	s24 =	sadd.s32 s22, s7;
	s2 =	sshrl.u32 s2, $0x3;
	s22 =	simm.s32 $0x2900  }
0x21: {  	s10 =	simm.s32 $0x9;
	s12 =	simm.s32 $0x7C00;
	[dreg:$0x7] =	wrdreg s23  }
0x22: {  	s14 =	sadd.s32 s9, s8;
	s16 =	sadd.s32 s9, s7;
	[dreg:$0x8] =	wrdreg s24  }
0x23: {  	s25 =	sadd.s32 s2, s8;
	s26 =	sadd.s32 s2, s7;
	[dreg:$0x3] =	wrdreg s14  }
0x24: {  	s23 =	simm.s32 $0x2980;
	s24 =	simm.s32 $0x5200;
	[dreg:$0x4] =	wrdreg s16  }
0x25: {  	s2 =	simm.s32 $0x7;
	s8 =	simm.s32 $0x7B80;
	[dreg:$0x9] =	wrdreg s25  }
0x26: {  	s9 =	simm.s32 $0x2;
	[dreg:$0xa] =	wrdreg s26;
	s25 =	simm.s32 $0x5280  }
0x27: {  	s26 =	simm.s32 $0x5;
	s14 =	simm.s32 $0xA;
	s16 =	simm.s32 $0xB  }
.LBB2_1:
0x28: {  	[dreg:$0x1a] =	wrdreg s20  }
0x29: {  	s7 =	rddreg [dreg:$0xc]  }
0x2a: {  	s20 =	sshrl.u32 s7, $0x3;
	s7 =	rddreg [dreg:$0xb]  }
0x2b: {  	[dreg:$0x1b] =	wrdreg s20  }
0x2c: {  	[spmem:s20], [sflag:s18] =	dma.local [hbm:s7], $0x2800  }
0x2d: {  	_ =	swait.ge [sflag:s19], $0x2800  }
0x2e: {  	[sflag:s19] =	ssyncset.done $0x0  }
0x2f: {  	[sflag:s19] =	ssyncadd.s32 $0xFFFFD800  }
0x30: {  	[bflag:$0x0] =	sbarrier.arrive $0xFFFF  }
0x31: {  	s20 =	rddreg [dreg:$0xe]  }
0x32: {  	[tilespmem:s3], [sflag:$0x5] =	stream.linear.gather [hbm4b:s20+s3], $0x50, $0x38;
	[tilespmem:$0x1E400] =	vst v63  }
0x33: {  	s18 =	rddreg [dreg:$0xf]  }
0x34: {  	[tilespmem:s21], [sflag:$0x5] =	stream.linear.gather [hbm4b:s18+s3], $0x50, $0x38;
	[tilespmem:$0x1E400] =	vst v63  }
0x35: {  	s19 =	rddreg [dreg:$0x10]  }
0x36: {  	[tilespmem:s22], [sflag:$0x6] =	stream.linear.gather [hbm4b:s19+s3], $0x50, $0x38;
	[tilespmem:$0x1E400] =	vst v63  }
0x37: {  	s20 =	rddreg [dreg:$0x11]  }
0x38: {  	[tilespmem:s23], [sflag:$0x6] =	stream.linear.gather [hbm4b:s20+s3], $0x50, $0x38;
	[tilespmem:$0x1E400] =	vst v63  }
0x39: {  	s18 =	rddreg [dreg:$0x12]  }
0x3a: {  	[tilespmem:s24], [sflag:$0x7] =	stream.linear.gather [hbm4b:s18+s3], $0x50, $0x38;
	[tilespmem:$0x1E400] =	vst v63  }
0x3b: {  	s19 =	rddreg [dreg:$0x13]  }
0x3c: {  	[tilespmem:s25], [sflag:$0x7] =	stream.linear.gather [hbm4b:s19+s3], $0x50, $0x38;
	[tilespmem:$0x1E400] =	vst v63  }
0x3d: {  	_ =	swait.ge [sflag:s26], $0x50  }
0x3e: {  	[sflag:s26] =	ssyncset.done $0x0  }
0x3f: {  	[sflag:s26] =	ssyncadd.s32 $0xFFFFFFB0  }
0x40: {  	_ =	swait.ge [sflag:s26], $0x50  }
0x41: {  	[sflag:s26] =	ssyncset.done $0x0  }
0x42: {  	[sflag:s26] =	ssyncadd.s32 $0xFFFFFFB0  }
0x43: {  	[tilespmem:s29], [sflag:$0x1] =	stream.indirect.gather [hbm4b:s4+s28], $0x80, s3, s28, $0xb8;
	[tilespmem:$0x1E400] =	vst v63  }
0x44: {  	_ =	swait.ge [sflag:s30], $0x50  }
0x45: {  	[sflag:s30] =	ssyncset.done $0x0  }
0x46: {  	[sflag:s30] =	ssyncadd.s32 $0xFFFFFFB0  }
0x47: {  	_ =	swait.ge [sflag:s30], $0x50  }
0x48: {  	[sflag:s30] =	ssyncset.done $0x0  }
0x49: {  	[sflag:s30] =	ssyncadd.s32 $0xFFFFFFB0  }
0x4a: {  	[tilespmem:s31], [sflag:$0x2] =	stream.indirect.gather [hbm4b:s4+s28], $0x80, s22, s28, $0xb8;
	[tilespmem:$0x1E400] =	vst v63  }
0x4b: {  	_ =	swait.ge [sflag:s0], $0x2800  }
0x4c: {  	[sflag:s0] =	ssyncset.done $0x0  }
0x4d: {  	[sflag:s0] =	ssyncadd.s32 $0xFFFFD800  }
0x4e: {  	[spmem:s1] =	stream.indirect.scatter.add.f32 [tilespmem:s29], [sflag:$0x9], $0x80, s21, s28, $0xb8;
	[tilespmem:$0x1E400] =	vst v63  }
0x4f: {  	_ =	swait.ge [sflag:s2], $0x50  }
0x50: {  	[sflag:s2] =	ssyncset.done $0x0  }
0x51: {  	[sflag:s2] =	ssyncadd.s32 $0xFFFFFFB0  }
0x52: {  	_ =	swait.ge [sflag:s2], $0x50  }
0x53: {  	[sflag:s2] =	ssyncset.done $0x0  }
0x54: {  	[sflag:s2] =	ssyncadd.s32 $0xFFFFFFB0  }
0x55: {  	[tilespmem:s5], [sflag:$0x3] =	stream.indirect.gather [hbm4b:s4+s28], $0x80, s24, s28, $0xb8;
	[tilespmem:$0x1E400] =	vst v63  }
0x56: {  	s20 =	rddreg [dreg:$0x14]  }
0x57: {  	[tilespmem:s6], [sflag:$0x8] =	stream.linear.gather [hbm4b:s20+s3], $0x50, $0x38;
	[tilespmem:$0x1E400] =	vst v63  }
0x58: {  	s18 =	rddreg [dreg:$0x15]  }
0x59: {  	[tilespmem:s8], [sflag:$0x8] =	stream.linear.gather [hbm4b:s18+s3], $0x50, $0x38;
	[tilespmem:$0x1E400] =	vst v63  }
0x5a: {  	_ =	swait.ge [sflag:s9], $0x2800  }
0x5b: {  	[sflag:s9] =	ssyncset.done $0x0  }
0x5c: {  	[sflag:s9] =	ssyncadd.s32 $0xFFFFD800  }
0x5d: {  	[spmem:s1] =	stream.indirect.scatter.add.f32 [tilespmem:s31], [sflag:$0xA], $0x80, s23, s28, $0xb8;
	[tilespmem:$0x1E400] =	vst v63  }
0x5e: {  	_ =	swait.ge [sflag:s10], $0x2800  }
0x5f: {  	[sflag:s10] =	ssyncset.done $0x0  }
0x60: {  	[sflag:s10] =	ssyncadd.s32 $0xFFFFD800  }
0x61: {  	_ =	swait.ge [sflag:s11], $0x50  }
0x62: {  	[sflag:s11] =	ssyncset.done $0x0  }
0x63: {  	[sflag:s11] =	ssyncadd.s32 $0xFFFFFFB0  }
0x64: {  	_ =	swait.ge [sflag:s11], $0x50  }
0x65: {  	[sflag:s11] =	ssyncset.done $0x0  }
0x66: {  	[sflag:s11] =	ssyncadd.s32 $0xFFFFFFB0  }
0x67: {  	[tilespmem:s12], [sflag:$0x4] =	stream.indirect.gather [hbm4b:s4+s28], $0x80, s6, s28, $0xb8;
	[tilespmem:$0x1E400] =	vst v63  }
0x68: {  	s19 =	rddreg [dreg:$0x16]  }
0x69: {  	[tilespmem:s3], [sflag:$0x5] =	stream.linear.gather [hbm4b:s19+s3], $0x50, $0x38;
	[tilespmem:$0x1E400] =	vst v63  }
0x6a: {  	s20 =	rddreg [dreg:$0x17]  }
0x6b: {  	[tilespmem:s21], [sflag:$0x5] =	stream.linear.gather [hbm4b:s20+s3], $0x50, $0x38;
	[tilespmem:$0x1E400] =	vst v63  }
0x6c: {  	_ =	swait.ge [sflag:s13], $0x2800  }
0x6d: {  	[sflag:s13] =	ssyncset.done $0x0  }
0x6e: {  	[sflag:s13] =	ssyncadd.s32 $0xFFFFD800  }
0x6f: {  	[spmem:s1] =	stream.indirect.scatter.add.f32 [tilespmem:s5], [sflag:$0xB], $0x80, s25, s28, $0xb8;
	[tilespmem:$0x1E400] =	vst v63  }
0x70: {  	_ =	swait.ge [sflag:s14], $0x2800  }
0x71: {  	[sflag:s14] =	ssyncset.done $0x0  }
0x72: {  	[sflag:s14] =	ssyncadd.s32 $0xFFFFD800  }
0x73: {  	_ =	swait.ge [sflag:s26], $0x50  }
0x74: {  	[sflag:s26] =	ssyncset.done $0x0  }
0x75: {  	[sflag:s26] =	ssyncadd.s32 $0xFFFFFFB0  }
0x76: {  	_ =	swait.ge [sflag:s26], $0x50  }
0x77: {  	[sflag:s26] =	ssyncset.done $0x0  }
0x78: {  	s18 =	rddreg [dreg:$0xa];
	[sflag:s26] =	ssyncadd.s32 $0xFFFFFFB0  }
0x79: {  	[tilespmem:s29], [sflag:$0x1] =	stream.indirect.gather [hbm4b:s4+s28], $0x80, s3, s28, $0xb8;
	[tilespmem:$0x1E400] =	vst v63  }
0x7a: {  	s19 =	rddreg [dreg:$0x9];
	s7 =	sadd.s32 $0x0, s18  }
0x7b: {  	[tilespmem:s22], [sflag:$0x6] =	stream.linear.gather [hbm4b:s7+s3], $0x50, $0x38;
	[tilespmem:$0x1E400] =	vst v63  }
0x7c: {  	s20 =	sadd.s32 $0x0, s19  }
0x7d: {  	[tilespmem:s23], [sflag:$0x6] =	stream.linear.gather [hbm4b:s20+s3], $0x50, $0x38;
	[tilespmem:$0x1E400] =	vst v63  }
0x7e: {  	_ =	swait.ge [sflag:s15], $0x2800  }
0x7f: {  	[sflag:s15] =	ssyncset.done $0x0  }
0x80: {  	[sflag:s15] =	ssyncadd.s32 $0xFFFFD800  }
0x81: {  	[spmem:s1] =	stream.indirect.scatter.add.f32 [tilespmem:s12], [sflag:$0xC], $0x80, s8, s28, $0xb8;
	[tilespmem:$0x1E400] =	vst v63  }
0x82: {  	_ =	swait.ge [sflag:s16], $0x2800  }
0x83: {  	[sflag:s16] =	ssyncset.done $0x0  }
0x84: {  	[sflag:s16] =	ssyncadd.s32 $0xFFFFD800  }
0x85: {  	_ =	swait.ge [sflag:s30], $0x50  }
0x86: {  	[sflag:s30] =	ssyncset.done $0x0  }
0x87: {  	[sflag:s30] =	ssyncadd.s32 $0xFFFFFFB0  }
0x88: {  	_ =	swait.ge [sflag:s30], $0x50  }
0x89: {  	[sflag:s30] =	ssyncset.done $0x0  }
0x8a: {  	s18 =	rddreg [dreg:$0x8];
	[sflag:s30] =	ssyncadd.s32 $0xFFFFFFB0  }
0x8b: {  	[tilespmem:s31], [sflag:$0x2] =	stream.indirect.gather [hbm4b:s4+s28], $0x80, s22, s28, $0xb8;
	[tilespmem:$0x1E400] =	vst v63  }
0x8c: {  	s19 =	rddreg [dreg:$0x7];
	s7 =	sadd.s32 $0x0, s18  }
0x8d: {  	[tilespmem:s24], [sflag:$0x7] =	stream.linear.gather [hbm4b:s7+s3], $0x50, $0x38;
	[tilespmem:$0x1E400] =	vst v63  }
0x8e: {  	s20 =	sadd.s32 $0x0, s19  }
0x8f: {  	[tilespmem:s25], [sflag:$0x7] =	stream.linear.gather [hbm4b:s20+s3], $0x50, $0x38;
	[tilespmem:$0x1E400] =	vst v63  }
0x90: {  	_ =	swait.ge [sflag:s0], $0x2800  }
0x91: {  	[sflag:s0] =	ssyncset.done $0x0  }
0x92: {  	[sflag:s0] =	ssyncadd.s32 $0xFFFFD800  }
0x93: {  	[spmem:s1] =	stream.indirect.scatter.add.f32 [tilespmem:s29], [sflag:$0x9], $0x80, s21, s28, $0xb8;
	[tilespmem:$0x1E400] =	vst v63  }
0x94: {  	_ =	swait.ge [sflag:s17], $0x2800  }
0x95: {  	[sflag:s17] =	ssyncset.done $0x0  }
0x96: {  	[sflag:s17] =	ssyncadd.s32 $0xFFFFD800  }
0x97: {  	_ =	swait.ge [sflag:s2], $0x50  }
0x98: {  	[sflag:s2] =	ssyncset.done $0x0  }
0x99: {  	[sflag:s2] =	ssyncadd.s32 $0xFFFFFFB0  }
0x9a: {  	_ =	swait.ge [sflag:s2], $0x50  }
0x9b: {  	[sflag:s2] =	ssyncset.done $0x0  }
0x9c: {  	s18 =	rddreg [dreg:$0x6];
	[sflag:s2] =	ssyncadd.s32 $0xFFFFFFB0  }
0x9d: {  	[tilespmem:s5], [sflag:$0x3] =	stream.indirect.gather [hbm4b:s4+s28], $0x80, s24, s28, $0xb8;
	[tilespmem:$0x1E400] =	vst v63  }
0x9e: {  	s19 =	rddreg [dreg:$0x5];
	s7 =	sadd.s32 $0x0, s18  }
0x9f: {  	[tilespmem:s6], [sflag:$0x8] =	stream.linear.gather [hbm4b:s7+s3], $0x50, $0x38;
	[tilespmem:$0x1E400] =	vst v63  }
0xa0: {  	s20 =	sadd.s32 $0x0, s19  }
0xa1: {  	[tilespmem:s8], [sflag:$0x8] =	stream.linear.gather [hbm4b:s20+s3], $0x50, $0x38;
	[tilespmem:$0x1E400] =	vst v63  }
0xa2: {  	_ =	swait.ge [sflag:s9], $0x2800  }
0xa3: {  	[sflag:s9] =	ssyncset.done $0x0  }
0xa4: {  	[sflag:s9] =	ssyncadd.s32 $0xFFFFD800  }
0xa5: {  	[spmem:s1] =	stream.indirect.scatter.add.f32 [tilespmem:s31], [sflag:$0xA], $0x80, s23, s28, $0xb8;
	[tilespmem:$0x1E400] =	vst v63  }
0xa6: {  	_ =	swait.ge [sflag:s10], $0x2800  }
0xa7: {  	[sflag:s10] =	ssyncset.done $0x0  }
0xa8: {  	[sflag:s10] =	ssyncadd.s32 $0xFFFFD800  }
0xa9: {  	_ =	swait.ge [sflag:s11], $0x50  }
0xaa: {  	[sflag:s11] =	ssyncset.done $0x0  }
0xab: {  	[sflag:s11] =	ssyncadd.s32 $0xFFFFFFB0  }
0xac: {  	_ =	swait.ge [sflag:s11], $0x50  }
0xad: {  	[sflag:s11] =	ssyncset.done $0x0  }
0xae: {  	s18 =	rddreg [dreg:$0x4];
	[sflag:s11] =	ssyncadd.s32 $0xFFFFFFB0  }
0xaf: {  	[tilespmem:s12], [sflag:$0x4] =	stream.indirect.gather [hbm4b:s4+s28], $0x80, s6, s28, $0xb8;
	[tilespmem:$0x1E400] =	vst v63  }
0xb0: {  	s19 =	rddreg [dreg:$0x3];
	s7 =	sadd.s32 $0x0, s18  }
0xb1: {  	[tilespmem:s3], [sflag:$0x5] =	stream.linear.gather [hbm4b:s7+s3], $0x50, $0x38;
	[tilespmem:$0x1E400] =	vst v63  }
0xb2: {  	s20 =	sadd.s32 $0x0, s19;
	s7 =	simm.s32 $0x28  }
.LBB2_2:
0xb3: {  	[tilespmem:s21], [sflag:$0x5] =	stream.linear.gather [hbm4b:s20+s3], $0x50, $0x38;
	[tilespmem:$0x1E400] =	vst v63  }
0xb4: {  	_ =	swait.ge [sflag:s13], $0x2800  }
0xb5: {  	[sflag:s13] =	ssyncset.done $0x0  }
0xb6: {  	[sflag:s13] =	ssyncadd.s32 $0xFFFFD800  }
0xb7: {  	[spmem:s1] =	stream.indirect.scatter.add.f32 [tilespmem:s5], [sflag:$0xB], $0x80, s25, s28, $0xb8;
	[tilespmem:$0x1E400] =	vst v63  }
0xb8: {  	_ =	swait.ge [sflag:s14], $0x2800  }
0xb9: {  	[sflag:s14] =	ssyncset.done $0x0  }
0xba: {  	[sflag:s14] =	ssyncadd.s32 $0xFFFFD800  }
0xbb: {  	_ =	swait.ge [sflag:s26], $0x50  }
0xbc: {  	[sflag:s26] =	ssyncset.done $0x0  }
0xbd: {  	[sflag:s26] =	ssyncadd.s32 $0xFFFFFFB0  }
0xbe: {  	_ =	swait.ge [sflag:s26], $0x50  }
0xbf: {  	[sflag:s26] =	ssyncset.done $0x0  }
0xc0: {  	s20 =	smov.u32 s7;
	s19 =	rddreg [dreg:$0xa];
	[sflag:s26] =	ssyncadd.s32 $0xFFFFFFB0  }
0xc1: {  	[tilespmem:s29], [sflag:$0x1] =	stream.indirect.gather [hbm4b:s4+s28], $0x80, s3, s28, $0xb8;
	[tilespmem:$0x1E400] =	vst v63  }
0xc2: {  	s18 =	rddreg [dreg:$0x9];
	s19 =	sadd.s32 s20, s19  }
0xc3: {  	[tilespmem:s22], [sflag:$0x6] =	stream.linear.gather [hbm4b:s19+s3], $0x50, $0x38;
	[tilespmem:$0x1E400] =	vst v63  }
0xc4: {  	s18 =	sadd.s32 s20, s18  }
0xc5: {  	[tilespmem:s23], [sflag:$0x6] =	stream.linear.gather [hbm4b:s18+s3], $0x50, $0x38;
	[tilespmem:$0x1E400] =	vst v63  }
0xc6: {  	_ =	swait.ge [sflag:s15], $0x2800  }
0xc7: {  	[sflag:s15] =	ssyncset.done $0x0  }
0xc8: {  	[sflag:s15] =	ssyncadd.s32 $0xFFFFD800  }
0xc9: {  	[spmem:s1] =	stream.indirect.scatter.add.f32 [tilespmem:s12], [sflag:$0xC], $0x80, s8, s28, $0xb8;
	[tilespmem:$0x1E400] =	vst v63  }
0xca: {  	_ =	swait.ge [sflag:s16], $0x2800  }
0xcb: {  	[sflag:s16] =	ssyncset.done $0x0  }
0xcc: {  	[sflag:s16] =	ssyncadd.s32 $0xFFFFD800  }
0xcd: {  	_ =	swait.ge [sflag:s30], $0x50  }
0xce: {  	[sflag:s30] =	ssyncset.done $0x0  }
0xcf: {  	[sflag:s30] =	ssyncadd.s32 $0xFFFFFFB0  }
0xd0: {  	_ =	swait.ge [sflag:s30], $0x50  }
0xd1: {  	[sflag:s30] =	ssyncset.done $0x0  }
0xd2: {  	s18 =	rddreg [dreg:$0x8];
	[sflag:s30] =	ssyncadd.s32 $0xFFFFFFB0  }
0xd3: {  	[tilespmem:s31], [sflag:$0x2] =	stream.indirect.gather [hbm4b:s4+s28], $0x80, s22, s28, $0xb8;
	[tilespmem:$0x1E400] =	vst v63  }
0xd4: {  	s19 =	rddreg [dreg:$0x7];
	s18 =	sadd.s32 s20, s18  }
0xd5: {  	[tilespmem:s24], [sflag:$0x7] =	stream.linear.gather [hbm4b:s18+s3], $0x50, $0x38;
	[tilespmem:$0x1E400] =	vst v63  }
0xd6: {  	s19 =	sadd.s32 s20, s19  }
0xd7: {  	[tilespmem:s25], [sflag:$0x7] =	stream.linear.gather [hbm4b:s19+s3], $0x50, $0x38;
	[tilespmem:$0x1E400] =	vst v63  }
0xd8: {  	_ =	swait.ge [sflag:s0], $0x2800  }
0xd9: {  	[sflag:s0] =	ssyncset.done $0x0  }
0xda: {  	[sflag:s0] =	ssyncadd.s32 $0xFFFFD800  }
0xdb: {  	[spmem:s1] =	stream.indirect.scatter.add.f32 [tilespmem:s29], [sflag:$0x9], $0x80, s21, s28, $0xb8;
	[tilespmem:$0x1E400] =	vst v63  }
0xdc: {  	_ =	swait.ge [sflag:s17], $0x2800  }
0xdd: {  	[sflag:s17] =	ssyncset.done $0x0  }
0xde: {  	[sflag:s17] =	ssyncadd.s32 $0xFFFFD800  }
0xdf: {  	_ =	swait.ge [sflag:s2], $0x50  }
0xe0: {  	[sflag:s2] =	ssyncset.done $0x0  }
0xe1: {  	[sflag:s2] =	ssyncadd.s32 $0xFFFFFFB0  }
0xe2: {  	_ =	swait.ge [sflag:s2], $0x50  }
0xe3: {  	[sflag:s2] =	ssyncset.done $0x0  }
0xe4: {  	s18 =	rddreg [dreg:$0x6];
	[sflag:s2] =	ssyncadd.s32 $0xFFFFFFB0  }
0xe5: {  	[tilespmem:s5], [sflag:$0x3] =	stream.indirect.gather [hbm4b:s4+s28], $0x80, s24, s28, $0xb8;
	[tilespmem:$0x1E400] =	vst v63  }
0xe6: {  	s19 =	rddreg [dreg:$0x5];
	s18 =	sadd.s32 s20, s18  }
0xe7: {  	[tilespmem:s6], [sflag:$0x8] =	stream.linear.gather [hbm4b:s18+s3], $0x50, $0x38;
	[tilespmem:$0x1E400] =	vst v63  }
0xe8: {  	s19 =	sadd.s32 s20, s19  }
0xe9: {  	[tilespmem:s8], [sflag:$0x8] =	stream.linear.gather [hbm4b:s19+s3], $0x50, $0x38;
	[tilespmem:$0x1E400] =	vst v63  }
0xea: {  	_ =	swait.ge [sflag:s9], $0x2800  }
0xeb: {  	[sflag:s9] =	ssyncset.done $0x0  }
0xec: {  	[sflag:s9] =	ssyncadd.s32 $0xFFFFD800  }
0xed: {  	[spmem:s1] =	stream.indirect.scatter.add.f32 [tilespmem:s31], [sflag:$0xA], $0x80, s23, s28, $0xb8;
	[tilespmem:$0x1E400] =	vst v63  }
0xee: {  	_ =	swait.ge [sflag:s10], $0x2800  }
0xef: {  	[sflag:s10] =	ssyncset.done $0x0  }
0xf0: {  	[sflag:s10] =	ssyncadd.s32 $0xFFFFD800  }
0xf1: {  	_ =	swait.ge [sflag:s11], $0x50  }
0xf2: {  	[sflag:s11] =	ssyncset.done $0x0  }
0xf3: {  	[sflag:s11] =	ssyncadd.s32 $0xFFFFFFB0  }
0xf4: {  	p0 =	sne.s32 s7, $0x488;
	_ =	swait.ge [sflag:s11], $0x50  }
.Ltmp0:
0xf5: {  	[sflag:s11] =	ssyncset.done $0x0;
	s18 =	rddreg [dreg:$0x4];
	(pc) =	sbr.rel @p0 .LBB2_2-.Ltmp0, $4  }
0xf6: {  	s19 =	rddreg [dreg:$0x3];
	[sflag:s11] =	ssyncadd.s32 $0xFFFFFFB0  }
0xf7: {  	[tilespmem:s12], [sflag:$0x4] =	stream.indirect.gather [hbm4b:s4+s28], $0x80, s6, s28, $0xb8;
	[tilespmem:$0x1E400] =	vst v63  }
0xf8: {  	s7 =	sadd.s32 $0x28, s7;
	s18 =	sadd.s32 s20, s18;
	s20 =	sadd.s32 s20, s19  }
0xf9: {  	[tilespmem:s3], [sflag:$0x5] =	stream.linear.gather [hbm4b:s18+s3], $0x50, $0x38;
	[tilespmem:$0x1E400] =	vst v63  }
0xfa: {  	[tilespmem:s21], [sflag:$0x5] =	stream.linear.gather [hbm4b:s20+s3], $0x50, $0x38;
	[tilespmem:$0x1E400] =	vst v63  }
0xfb: {  	_ =	swait.ge [sflag:s13], $0x2800  }
0xfc: {  	[sflag:s13] =	ssyncset.done $0x0  }
0xfd: {  	[sflag:s13] =	ssyncadd.s32 $0xFFFFD800  }
0xfe: {  	[spmem:s1] =	stream.indirect.scatter.add.f32 [tilespmem:s5], [sflag:$0xB], $0x80, s25, s28, $0xb8;
	[tilespmem:$0x1E400] =	vst v63  }
0xff: {  	_ =	swait.ge [sflag:s14], $0x2800  }
0x100: {  	[sflag:s14] =	ssyncset.done $0x0  }
0x101: {  	[sflag:s14] =	ssyncadd.s32 $0xFFFFD800  }
0x102: {  	_ =	swait.ge [sflag:s26], $0x50  }
0x103: {  	[sflag:s26] =	ssyncset.done $0x0  }
0x104: {  	[sflag:s26] =	ssyncadd.s32 $0xFFFFFFB0  }
0x105: {  	_ =	swait.ge [sflag:s26], $0x50  }
0x106: {  	[sflag:s26] =	ssyncset.done $0x0  }
0x107: {  	[sflag:s26] =	ssyncadd.s32 $0xFFFFFFB0  }
0x108: {  	[tilespmem:s29], [sflag:$0x1] =	stream.indirect.gather [hbm4b:s4+s28], $0x80, s3, s28, $0xb8;
	[tilespmem:$0x1E400] =	vst v63  }
0x109: {  	_ =	swait.ge [sflag:s15], $0x2800  }
0x10a: {  	[sflag:s15] =	ssyncset.done $0x0  }
0x10b: {  	[sflag:s15] =	ssyncadd.s32 $0xFFFFD800  }
0x10c: {  	[spmem:s1] =	stream.indirect.scatter.add.f32 [tilespmem:s12], [sflag:$0xC], $0x80, s8, s28, $0xb8;
	[tilespmem:$0x1E400] =	vst v63  }
0x10d: {  	_ =	swait.ge [sflag:s16], $0x2800  }
0x10e: {  	[sflag:s16] =	ssyncset.done $0x0  }
0x10f: {  	[sflag:s16] =	ssyncadd.s32 $0xFFFFD800  }
0x110: {  	_ =	swait.ge [sflag:s0], $0x2800  }
0x111: {  	[sflag:s0] =	ssyncset.done $0x0  }
0x112: {  	[sflag:s0] =	ssyncadd.s32 $0xFFFFD800  }
0x113: {  	[spmem:s1] =	stream.indirect.scatter.add.f32 [tilespmem:s29], [sflag:$0x9], $0x80, s21, s28, $0xb8;
	[tilespmem:$0x1E400] =	vst v63  }
0x114: {  	_ =	swait.ge [sflag:s17], $0x2800  }
0x115: {  	[sflag:s17] =	ssyncset.done $0x0  }
0x116: {  	[sflag:s17] =	ssyncadd.s32 $0xFFFFD800  }
0x117: {  	_ =	swait.ge [sflag:s10], $0x2800  }
0x118: {  	[sflag:s10] =	ssyncset.done $0x0  }
0x119: {  	[sflag:s10] =	ssyncadd.s32 $0xFFFFD800  }
0x11a: {  	[bflag:$0x0] =	sbarrier.arrive $0xFFFF  }
0x11b: {  	s18 =	rddreg [dreg:$0xd]  }
0x11c: {  	s7 =	rddreg [dreg:$0x18]  }
0x11d: {  	s19 =	rddreg [dreg:$0x1b]  }
0x11e: {  	[hbm:s7], [sflag:s18] =	dma.local [spmem:s19], $0x2800  }
0x11f: {  	s19 =	simm.s32 $0xD  }
0x120: {  	_ =	swait.ge [sflag:s19], $0x2800  }
0x121: {  	s7 =	rddreg [dreg:$0x1a]  }
0x122: {  	s20 =	sadd.s32 $0x1, s7;
	s7 =	rddreg [dreg:$0x19]  }
0x123: {  	p0 =	sne.s32 s20, s7  }
.Ltmp1:
0x124: {  	_ = 	snop;
	(pc) =	sbr.rel @p0 .LBB2_1-.Ltmp1, $3  }
0x125: {  	_ =	sdelay $0x1  }
0x126: {  	[sflag:s19] =	ssyncset.done $0x0  }
0x127: {  	[sflag:s19] =	ssyncadd.s32 $0xFFFFD800  }
0x128: {  	_ =	sfence.sel $0x180000  }
0x129: {  	[bflag:$0x0] =	sbarrier.arrive $0xFFFF  }
0x12a: {  	_ =	strace $0x9000004D  }
0x12b: {  	s0 =	stileid.u32;
	[bflag:$0x2] =	sbarrier.arrive $0xFFFF  }
0x12c: {  	p0 =	sne.s32 s0, $0x0;
	s0 =	rddreg [dreg:$0x2]  }
0x12d: {  	s0 =	sadd.s32 @!p0 $0x100000, s0  }
0x12e: {  	[sflag:s0] =	ssyncadd.tile.s32 @!p0 $0x1;
	_ =	shalt  }
.Lfunc_end2:
_tile_overlayer_lowered:
.L_overlay_start_2:
0x12f: {  	(tag) =	ssettag $0x2  }
0x130: {  	s0 =	rddreg [dreg:$0x0];
	s2 =	stileid.u32  }
0x131: {  	s1 =	rddreg [dreg:$0x1];
	p0 =	sne.s32 s2, $0x0  }
0x132: {  	s3 =	rddreg [dreg:$0x2];
	[bflag:$0x3] =	sbarrier.arrive $0xFFFF;
	s2 =	simm.s32 @!p0 $0x1C0D  }
0x133: {  	[timem:s3], [sflag:s2] =	dma.local @!p0 [hbm:s0], s1  }
0x134: {  	s0 =	simm.s32 @!p0 $0xD  }
0x135: {  	_ =	swait.ge @!p0 [sflag:s0], s1  }
0x136: {  	s1 =	ssub.s32 @!p0 $0x0, s1;
	[sflag:s0] =	ssyncset.done @!p0 $0x0  }
0x137: {  	[sflag:s0] =	ssyncadd.s32 @!p0 s1  }
0x138: {  	[bflag:$0x3] =	sbarrier.arrive $0xFFFF  }
0x139: {  	_ =	shalt  }

// kernel: kernel.8.cloned.1.call-start
scs
__scs_entry_jumppad:
0x0: {  	(pc) =	sbr.rel $0x88, $3  }
0x1: {  	(tag) =	ssettag $0x0;
	lr =	simm.s32 $0x1  }
0x2: {  	[smem:$0x3F96] =	sst lr;
	_ =	strace $0xD0000000  }
0x3: {  	_ = 	snop  }
0x4: {  	_ = 	snop  }
0x5: {  	_ = 	snop  }
0x6: {  	_ = 	snop  }
0x7: {  	_ = 	snop  }
__scs_overlays_trampoline_lowered:
0x8: {  	[smem:$0x3FA5] =	sst s0  }
0x9: {  	[smem:$0x3FA6] =	sst s1  }
0xa: {  	[smem:$0x3FA7] =	sst s2  }
0xb: {  	[smem:$0x3FA8] =	sst s3  }
0xc: {  	[smem:$0x3FA9] =	sst s4  }
0xd: {  	[smem:$0x3FAA] =	sst s5  }
0xe: {  	[smem:$0x3FAB] =	sst s6  }
0xf: {  	[smem:$0x3FAC] =	sst s7  }
0x10: {  	[smem:$0x3FAD] =	sst s8  }
0x11: {  	[smem:$0x3FAE] =	sst s9;
	s0 =	simm.s32 @!p0 $0x0  }
0x12: {  	s1 =	sld [smem:$0x3F94];
	s0 =	simm.s32 @p0 $0x1  }
0x13: {  	[smem:$0x3FAF] =	sst s0;
	s0 =	simm.s32 @!p1 $0x0  }
0x14: {  	s2 =	sld [smem:$0x3F93];
	s0 =	simm.s32 @p1 $0x1  }
0x15: {  	[smem:$0x3FB0] =	sst s0;
	s0 =	simm.s32 @!p2 $0x0  }
0x16: {  	s3 =	sld [smem:$0x3FDB];
	s0 =	simm.s32 @p2 $0x1  }
0x17: {  	s4 =	simm.s32 $0x1BF5;
	[smem:$0x3FB2] =	sst s0  }
0x18: {  	s0 =	sld [smem:$0x3F95];
	_ =	swait.ge [sflag:s4], $0x0  }
0x19: {  	s7 =	sld [smem:$0x3F96]  }
0x1a: {  	s8 =	sadd.s32 $0xFFFFE003, lr  }
0x1b: {  	s9 =	sadd.s32 $0xFFFFFEF7, lr;
	s5 =	simm.s32 $0xFFFFFFFF;
	p2 =	slt.u32 s8, $0xFFFFF086  }
0x1c: {  	p1 =	slt.u32 s9, $0xF7A;
	s5 =	simm.s32 @!p2 $0x0  }
0x1d: {  	s5 =	simm.s32 @p1 $0x1;
	p0 =	seq.s32 s7, s2  }
0x1e: {  	s7 =	smul.u32 @!p0 $0xF7A, s2;
	p2 =	seq.s32 @!p0 s5, $0x0  }
0x1f: {  	s9 =	smul.u32 $0xF7A, s1;
	s8 =	simm.s32 @!p0 $0x1BF5;
	p2 =	por !p2, p0  }
0x20: {  	[sflag:s8] =	ssyncset.s32 @!p0 $0xFFFFF086;
	s6 =	sadd.s32 @!p0 s3, s7;
	s7 =	simm.s32 @!p0 $0x108  }
0x21: {  	s3 =	sadd.s32 s3, s9;
	s6 =	sadd.s32 @!p0 $0x88, s6;
	s7 =	simm.s32 @p2 $0x1082  }
0x22: {  	[simem:s7], [sflag:s8] =	dma.local @!p0 [hbm:s6], $0xF7A  }
0x23: {  	s9 =	sor.u32 $0xD0000000, s2;
	s6 =	simm.s32 $0x108;
	_ =	swait.ge @!p0 [sflag:s8], $0x0  }
0x24: {  	s3 =	sadd.s32 $0x88, s3;
	s6 =	simm.s32 @!p1 $0x1082;
	[sflag:s4] =	ssyncset.s32 $0xFFFFF086  }
0x25: {  	[simem:s6], [sflag:s4] =	dma.local [hbm:s3], $0xF7A  }
0x26: {  	[smem:$0x3F96] =	sst s1;
	(tag) =	ssettag s2;
	_ =	strace s9  }
0x27: {  	s1 =	sld [smem:$0x3FA6]  }
0x28: {  	s2 =	sld [smem:$0x3FA7]  }
0x29: {  	s4 =	sld [smem:$0x3FA9]  }
0x2a: {  	p0 =	seq.s32 s5, $0x0;
	s5 =	sld [smem:$0x3FAA]  }
0x2b: {  	s6 =	sld [smem:$0x3FAB]  }
0x2c: {  	s7 =	sld [smem:$0x3FAC]  }
0x2d: {  	s3 =	simm.s32 $0x108;
	s8 =	sld [smem:$0x3FAD]  }
0x2e: {  	s3 =	simm.s32 @!p0 $0x1082;
	s9 =	sld [smem:$0x3FAE]  }
0x2f: {  	lr =	sadd.s32 s0, s3;
	s0 =	sld [smem:$0x3FA5]  }
0x30: {  	s3 =	sld [smem:$0x3FA8]  }
0x31: {  	[smem:$0x3FB1] =	sst s10  }
0x32: {  	s10 =	sld [smem:$0x3FAF];
	_ =	sdelay $0x3  }
0x33: {  	p0 =	seq.s32 s10, $0x1;
	s10 =	sld [smem:$0x3FB1];
	_ =	sdelay $0x3  }
0x34: {  	[smem:$0x3FB1] =	sst s10  }
0x35: {  	s10 =	sld [smem:$0x3FB0];
	_ =	sdelay $0x3  }
0x36: {  	p1 =	seq.s32 s10, $0x1;
	s10 =	sld [smem:$0x3FB1];
	_ =	sdelay $0x3  }
0x37: {  	[smem:$0x3FB1] =	sst s10  }
0x38: {  	s10 =	sld [smem:$0x3FB2]  }
0x39: {  	_ = 	snop;
	(pc) =	sbr.ind lr, $3  }
0x3a: {  	_ = 	snop  }
0x3b: {  	_ = 	snop  }
0x3c: {  	p2 =	seq.s32 s10, $0x1;
	s10 =	sld [smem:$0x3FB1]  }
0x3d: {  	_ =	shalt  }
0x3e: {  	_ =	shalt  }
0x3f: {  	_ =	shalt  }
0x40: {  	_ =	shalt  }
0x41: {  	_ =	shalt  }
0x42: {  	_ =	shalt  }
0x43: {  	_ =	shalt  }
0x44: {  	_ =	shalt  }
0x45: {  	_ =	shalt  }
0x46: {  	_ =	shalt  }
0x47: {  	_ =	shalt  }
0x48: {  	_ =	shalt  }
0x49: {  	_ =	shalt  }
0x4a: {  	_ =	shalt  }
0x4b: {  	_ =	shalt  }
0x4c: {  	_ =	shalt  }
0x4d: {  	_ =	shalt  }
0x4e: {  	_ =	shalt  }
0x4f: {  	_ =	shalt  }
0x50: {  	_ =	shalt  }
0x51: {  	_ =	shalt  }
0x52: {  	_ =	shalt  }
0x53: {  	_ =	shalt  }
0x54: {  	_ =	shalt  }
0x55: {  	_ =	shalt  }
0x56: {  	_ =	shalt  }
0x57: {  	_ =	shalt  }
0x58: {  	_ =	shalt  }
0x59: {  	_ =	shalt  }
0x5a: {  	_ =	shalt  }
0x5b: {  	_ =	shalt  }
0x5c: {  	_ =	shalt  }
0x5d: {  	_ =	shalt  }
0x5e: {  	_ =	shalt  }
0x5f: {  	_ =	shalt  }
0x60: {  	_ =	shalt  }
0x61: {  	_ =	shalt  }
0x62: {  	_ =	shalt  }
0x63: {  	_ =	shalt  }
0x64: {  	_ =	shalt  }
0x65: {  	_ =	shalt  }
0x66: {  	_ =	shalt  }
0x67: {  	_ =	shalt  }
0x68: {  	_ =	shalt  }
0x69: {  	_ =	shalt  }
0x6a: {  	_ =	shalt  }
0x6b: {  	_ =	shalt  }
0x6c: {  	_ =	shalt  }
0x6d: {  	_ =	shalt  }
0x6e: {  	_ =	shalt  }
0x6f: {  	_ =	shalt  }
0x70: {  	_ =	shalt  }
0x71: {  	_ =	shalt  }
0x72: {  	_ =	shalt  }
0x73: {  	_ =	shalt  }
0x74: {  	_ =	shalt  }
0x75: {  	_ =	shalt  }
0x76: {  	_ =	shalt  }
0x77: {  	_ =	shalt  }
0x78: {  	_ =	shalt  }
0x79: {  	_ =	shalt  }
0x7a: {  	_ =	shalt  }
0x7b: {  	_ =	shalt  }
0x7c: {  	_ =	shalt  }
0x7d: {  	_ =	shalt  }
0x7e: {  	_ =	shalt  }
0x7f: {  	_ =	shalt  }
0x80: {  	_ =	shalt  }
0x81: {  	_ =	shalt  }
0x82: {  	_ =	shalt  }
0x83: {  	_ =	shalt  }
0x84: {  	_ =	shalt  }
0x85: {  	_ =	shalt  }
0x86: {  	_ =	shalt  }
0x87: {  	_ =	shalt  }
.Lfunc_end0:
.L_simem_size_0:
called_computation_lowered:
.L_overlay_start_0:
0x88: {  	s2 =	sld [smem:$0x3FD9]  }
0x89: {  	s3 =	sld [smem:$0x3FFE];
	_ =	sdelay $0x1  }
0x8a: {  	s1 =	srdreg.scid  }
0x8b: {  	s0 =	sand.u32 $0x1, s1  }
0x8c: {  	s17 =	sshll.u32 s0, $0xA;
	s2 =	sadd.s32 s3, s2  }
0x8d: {  	s2 =	sadd.s32 s2, s17  }
0x8e: {  	[smem:$0x3FBD] =	sst s2  }
0x8f: {  	_ = 	snop  }
0x90: {  	s2 =	sld [smem:$0x3FD0];
	(tm) =	ssettm $0x1  }
0x91: {  	s18 =	sld [smem:$0x3FFB];
	_ =	sdelay $0x3  }
0x92: {  	_ =	strace s18  }
0x93: {  	s3 =	sld [smem:$0x3FFC];
	_ =	sdelay $0x3  }
0x94: {  	_ =	strace s3  }
0x95: {  	s3 =	sld [smem:$0x3FFD];
	_ =	sdelay $0x3  }
0x96: {  	_ =	strace s3  }
0x97: {  	_ =	strace $0x8FFFFFFF  }
0x98: {  	s19 =	sld [smem:$0x3FDB];
	_ =	sdelay $0x1  }
0x99: {  	s4 =	simm.s32 $_scs_section_size  }
0x9a: {  	s5 =	simm.s32 $_size__tile_overlayer_lowered;
	s6 =	simm.s32 $_tile_overlayer_lowered  }
0x9b: {  	s22 =	simm.s32 $0x1BFF;
	s21 =	sshll.u32 s6, $0x1;
	s3 =	sadd.s32 s4, s19  }
0x9c: {  	s7 =	simm.s32 $0x0;
	s20 =	sshll.u32 s5, $0x1;
	s5 =	sadd.s32 s21, s3  }
0x9d: {  	[timem:s7], [sflag:s22] =	dma.local [hbm:s5], s20  }
0x9e: {  	_ =	swait.ge [sflag:s22], s20  }
0x9f: {  	s4 =	ssub.s32 $0x0, s20;
	[sflag:s22] =	ssyncset.done $0x0  }
0xa0: {  	[sflag:s22] =	ssyncadd.s32 s4;
	_ =	sdelay $0x1  }
0xa1: {  	s23 =	simm.s32 $0x1B8B  }
0xa2: {  	_ =	swait.ge [sflag:s23], $0x1  }
0xa3: {  	[sflag:s23] =	ssyncset.done $0x0  }
0xa4: {  	s25 =	simm.s32 $0x1B8E;
	s24 =	sld [smem:$0x3FFE];
	[sflag:s23] =	ssyncadd.s32 $0xFFFFFFFF  }
0xa5: {  	s26 =	simm.s32 $execute0_lowered;
	[smem:$0x3FD2] =	sst s25  }
0xa6: {  	s5 =	sshll.u32 s26, $0x1;
	_ =	strace $0x80000046;
	[dreg:$0x1] =	wrdreg $0xFFFFFFFF  }
0xa7: {  	s28 =	simm.s32 $_size_execute0_lowered;
	s3 =	sadd.s32 s3, s5;
	[dreg:$0x0] =	wrdreg $0x0  }
0xa8: {  	s5 =	sshll.u32 s28, $0x1;
	[dreg:$0x2] =	wrdreg s3  }
0xa9: {  	[dreg:$0x3] =	wrdreg s5  }
0xaa: {  	[dreg:$0x4] =	wrdreg $0xC0  }
0xab: {  	_ =	task [dreg:s7], $0x5FFFF  }
0xac: {  	[dreg:$0x1] =	wrdreg $0xFFFFFFFF  }
0xad: {  	[dreg:$0x0] =	wrdreg $0x60  }
0xae: {  	[dreg:$0x2] =	wrdreg s24  }
0xaf: {  	[dreg:$0x3] =	wrdreg s2  }
0xb0: {  	[dreg:$0x4] =	wrdreg $0x29800  }
0xb1: {  	[dreg:$0x5] =	wrdreg $0x9  }
0xb2: {  	_ =	task.clear_ibuf [dreg:s7], $0x6FFFF;
	_ =	strace $0x90000046  }
0xb3: {  	s29 =	simm.s32 $0x9;
	_ =	strace $0x80000048  }
0xb4: {  	_ =	swait.ge [sflag:s29], $0x1  }
0xb5: {  	[sflag:s29] =	ssyncadd.s32 $0xFFFFFFFF  }
0xb6: {  	_ =	strace $0x90000048  }
0xb7: {  	_ =	sfence  }
0xb8: {  	s30 =	sld [smem:$0x0];
	_ =	sdelay $0x2  }
0xb9: {  	s31 =	sshll.u32 s1, $0xD;
	s1 =	sshrl.u32 s1, $0x2  }
0xba: {  	s3 =	sand.u32 $0x4000, s31;
	s1 =	sadd.s32 s1, s30  }
0xbb: {  	s0 =	sor.u32 s3, s0;
	s1 =	sshll.u32 s1, $0x11  }
0xbc: {  	s0 =	sor.u32 s1, s0  }
0xbd: {  	s0 =	sadd.s32 $0x8F2B, s0  }
0xbe: {  	[sflag:s0] =	ssyncadd.remote.s32 $0x1  }
0xbf: {  	_ =	sfence.sel $0xFFFF  }
0xc0: {  	[dreg:$0x0] =	wrdreg $0xFFFFFFFF;
	(pc) =	sbr.abs _section_cstart, $3  }
0xc1: {  	[dreg:$0x1] =	wrdreg $0xFFFFFFFF  }
0xc2: {  	_ =	task.clear_ibuf [dreg:s7], $0x2FFFF;
	_ =	strace $0x9FFFFFFF  }
0xc3: {  	(tm) =	ssettm $0x7FFFFFFF  }
tec
execute0_lowered:
.L_overlay_start_1:
0x0: {  	(tag) =	ssettag $0x1  }
0x1: {  	s0 =	rddreg [dreg:$0x0]  }
0x2: {  	s1 =	rddreg [dreg:$0x1]  }
0x3: {  	s2 =	rddreg [dreg:$0x2]  }
0x4: {  	s3 =	srdreg.scid;
	s4 =	simm.s32 $0x0;
	s21 =	stileid.u32  }
0x5: {  	s19 =	simm.s32 $0x180;
	s20 =	simm.s32 $0x80;
	s28 =	simm.s32 $0x5  }
0x6: {  	s29 =	simm.s32 $0x6;
	s30 =	simm.s32 $0x0;
	s7 =	sand.u32 $0x1, s3  }
0x7: {  	[smem:$0x7FF] =	sst s4;
	s8 =	smul.u32 $0x14000, s21;
	s16 =	sadd.s32 $0x3400, s0  }
0x8: {  	s5 =	sadd.s32 $0x17000, s0;
	s22 =	sshll.u32 s21, $0x1;
	s10 =	smul.u32 $0x50000, s21  }
0x9: {  	s12 =	smul.u32 $0x4E20, s21;
	s25 =	sshll.u32 s21, $0x6;
	s21 =	simm.s32 $0x1  }
0xa: {  	s6 =	smul.u32 $0x140000, s7;
	_ =	strace $0x80000047;
	s9 =	ssub.s32 $0x2, s7  }
0xb: {  	s14 =	smul.u32 $0x2710, s7;
	s11 =	sshrl.u32 s9, $0x1;
	s23 =	sshrl.u32 s10, $0x2  }
0xc: {  	s6 =	sadd.s32 s8, s6;
	s8 =	sor.u32 s7, s22;
	s13 =	ssub.s32 s9, s11  }
0xd: {  	s17 =	sadd.s32 s23, s2;
	s7 =	sor.u32 $0x1C07, s25;
	s14 =	sadd.s32 s14, s12  }
0xe: {  	s22 =	simm.s32 $0x50;
	s23 =	simm.s32 $0x100;
	s25 =	simm.s32 $0x4  }
0xf: {  	s6 =	sshrl.u32 s6, $0x3;
	s8 =	smul.u32 $0x2710, s8;
	s13 =	smax.u32 s13, $0x1  }
0x10: {  	s26 =	sadd.s32 $0x230, s14;
	s15 =	sadd.s32 $0x1E0, s14;
	s18 =	sadd.s32 $0x190, s14  }
0x11: {  	s17 =	sshrl.u32 s17, $0x3;
	s0 =	sadd.s32 s6, s0;
	s31 =	sshrl.u32 s15, $0x3  }
0x12: {  	s18 =	sshrl.u32 s18, $0x3;
	s24 =	sshrl.u32 s8, $0x3;
	s12 =	sadd.s32 $0x19800, s0  }
0x13: {  	s0 =	sshrl.u32 s26, $0x3;
	s15 =	sadd.s32 s31, s16;
	s26 =	simm.s32 $0x3  }
0x14: {  	s6 =	sadd.s32 s16, s24;
	s14 =	sadd.s32 s0, s16;
	s16 =	sadd.s32 s18, s16  }
0x15: {  	s18 =	simm.s32 $0x7;
	s24 =	simm.s32 $0x2;
	s8 =	sadd.s32 $0xA, s6  }
0x16: {  	s9 =	sadd.s32 $0x14, s6;
	s10 =	sadd.s32 $0x1E, s6;
	s11 =	sadd.s32 $0x28, s6  }
.LBB2_1:
0x17: {  	[spmem:s17], [sflag:s7] =	dma.local [hbm:s5], $0x2800  }
0x18: {  	_ =	swait.ge [sflag:s18], $0x2800  }
0x19: {  	[sflag:s18] =	ssyncset.done $0x0  }
0x1a: {  	[sflag:s18] =	ssyncadd.s32 $0xFFFFD800  }
0x1b: {  	[tilespmem:s19], [sflag:$0x7] =	stream.linear.gather [hbm4b:s1+s4], $0x2800, $0x38;
	[tilespmem:$0x16980] =	vst v63  }
0x1c: {  	_ =	swait.ge [sflag:s18], $0x2800  }
0x1d: {  	[sflag:s18] =	ssyncset.done $0x0  }
0x1e: {  	[sflag:s18] =	ssyncadd.s32 $0xFFFFD800  }
0x1f: {  	[bflag:$0x0] =	sbarrier.arrive $0xFFFF  }
0x20: {  	[tilespmem:s4], [sflag:$0x1] =	stream.linear.gather [hbm4b:s6+s4], $0x50, $0x38;
	[tilespmem:$0x16980] =	vst v63  }
0x21: {  	_ = 	snop  }
0x22: {  	[tilespmem:s20], [sflag:$0x2] =	stream.linear.gather [hbm4b:s8+s4], $0x50, $0x38;
	[tilespmem:$0x16980] =	vst v63  }
0x23: {  	_ =	swait.ge [sflag:s21], $0x50  }
0x24: {  	[sflag:s21] =	ssyncset.done $0x0  }
0x25: {  	[sflag:s21] =	ssyncadd.s32 $0xFFFFFFB0  }
0x26: {  	[spmem:s2] =	stream.indirect.scatter.add.f32 [tilespmem:s19], [sflag:$0x4], $0x80, s4, s22, $0xb8;
	[tilespmem:$0x16980] =	vst v63  }
0x27: {  	_ = 	snop  }
0x28: {  	[tilespmem:s23], [sflag:$0x3] =	stream.linear.gather [hbm4b:s9+s4], $0x50, $0x38;
	[tilespmem:$0x16980] =	vst v63  }
0x29: {  	_ =	swait.ge [sflag:s24], $0x50  }
0x2a: {  	[sflag:s24] =	ssyncset.done $0x0  }
0x2b: {  	[sflag:s24] =	ssyncadd.s32 $0xFFFFFFB0  }
0x2c: {  	[spmem:s2] =	stream.indirect.scatter.add.f32 [tilespmem:s19], [sflag:$0x5], $0x80, s20, s22, $0xb8;
	[tilespmem:$0x16980] =	vst v63  }
0x2d: {  	_ =	swait.ge [sflag:s25], $0x2800  }
0x2e: {  	[sflag:s25] =	ssyncset.done $0x0  }
0x2f: {  	[sflag:s25] =	ssyncadd.s32 $0xFFFFD800  }
0x30: {  	[tilespmem:s4], [sflag:$0x1] =	stream.linear.gather [hbm4b:s10+s4], $0x50, $0x38;
	[tilespmem:$0x16980] =	vst v63  }
0x31: {  	_ =	swait.ge [sflag:s26], $0x50  }
0x32: {  	[sflag:s26] =	ssyncset.done $0x0  }
0x33: {  	[sflag:s26] =	ssyncadd.s32 $0xFFFFFFB0  }
0x34: {  	[spmem:s2] =	stream.indirect.scatter.add.f32 [tilespmem:s19], [sflag:$0x6], $0x80, s23, s22, $0xb8;
	[tilespmem:$0x16980] =	vst v63  }
0x35: {  	_ =	swait.ge [sflag:s28], $0x2800  }
0x36: {  	[sflag:s28] =	ssyncset.done $0x0  }
0x37: {  	[sflag:s28] =	ssyncadd.s32 $0xFFFFD800  }
0x38: {  	[tilespmem:s20], [sflag:$0x2] =	stream.linear.gather [hbm4b:s11+s4], $0x50, $0x38;
	[tilespmem:$0x16980] =	vst v63  }
0x39: {  	_ =	swait.ge [sflag:s21], $0x50  }
0x3a: {  	[sflag:s21] =	ssyncset.done $0x0  }
0x3b: {  	[sflag:s21] =	ssyncadd.s32 $0xFFFFFFB0  }
0x3c: {  	[spmem:s2] =	stream.indirect.scatter.add.f32 [tilespmem:s19], [sflag:$0x4], $0x80, s4, s22, $0xb8;
	[tilespmem:$0x16980] =	vst v63  }
0x3d: {  	_ =	swait.ge [sflag:s29], $0x2800  }
0x3e: {  	[sflag:s29] =	ssyncset.done $0x0  }
0x3f: {  	s0 =	sadd.s32 $0x0, s16;
	[sflag:s29] =	ssyncadd.s32 $0xFFFFD800  }
0x40: {  	[tilespmem:s23], [sflag:$0x3] =	stream.linear.gather [hbm4b:s0+s4], $0x50, $0x38;
	[tilespmem:$0x16980] =	vst v63  }
0x41: {  	_ =	swait.ge [sflag:s24], $0x50  }
0x42: {  	[sflag:s24] =	ssyncset.done $0x0  }
0x43: {  	[sflag:s24] =	ssyncadd.s32 $0xFFFFFFB0  }
0x44: {  	[spmem:s2] =	stream.indirect.scatter.add.f32 [tilespmem:s19], [sflag:$0x5], $0x80, s20, s22, $0xb8;
	[tilespmem:$0x16980] =	vst v63  }
0x45: {  	_ =	swait.ge [sflag:s25], $0x2800  }
0x46: {  	[sflag:s25] =	ssyncset.done $0x0  }
0x47: {  	s3 =	sadd.s32 $0x0, s15;
	[sflag:s25] =	ssyncadd.s32 $0xFFFFD800  }
0x48: {  	[tilespmem:s4], [sflag:$0x1] =	stream.linear.gather [hbm4b:s3+s4], $0x50, $0x38;
	[tilespmem:$0x16980] =	vst v63  }
0x49: {  	_ =	swait.ge [sflag:s26], $0x50  }
0x4a: {  	[sflag:s26] =	ssyncset.done $0x0  }
0x4b: {  	[sflag:s26] =	ssyncadd.s32 $0xFFFFFFB0  }
0x4c: {  	[spmem:s2] =	stream.indirect.scatter.add.f32 [tilespmem:s19], [sflag:$0x6], $0x80, s23, s22, $0xb8;
	[tilespmem:$0x16980] =	vst v63  }
0x4d: {  	_ =	swait.ge [sflag:s28], $0x2800  }
0x4e: {  	[sflag:s28] =	ssyncset.done $0x0  }
0x4f: {  	s31 =	simm.s32 $0x1E;
	s0 =	sadd.s32 $0x0, s14;
	[sflag:s28] =	ssyncadd.s32 $0xFFFFD800  }
.LBB2_2:
0x50: {  	[tilespmem:s20], [sflag:$0x2] =	stream.linear.gather [hbm4b:s0+s4], $0x50, $0x38;
	[tilespmem:$0x16980] =	vst v63  }
0x51: {  	s0 =	smov.u32 s31  }
0x52: {  	p0 =	sne.s32 s31, $0x492;
	s31 =	sadd.s32 $0x1E, s31;
	_ =	swait.ge [sflag:s21], $0x50  }
0x53: {  	[sflag:s21] =	ssyncset.done $0x0  }
0x54: {  	[sflag:s21] =	ssyncadd.s32 $0xFFFFFFB0  }
0x55: {  	[spmem:s2] =	stream.indirect.scatter.add.f32 [tilespmem:s19], [sflag:$0x4], $0x80, s4, s22, $0xb8;
	[tilespmem:$0x16980] =	vst v63  }
0x56: {  	_ =	swait.ge [sflag:s29], $0x2800  }
0x57: {  	[sflag:s29] =	ssyncset.done $0x0  }
0x58: {  	s3 =	sadd.s32 s0, s16;
	[sflag:s29] =	ssyncadd.s32 $0xFFFFD800  }
0x59: {  	[tilespmem:s23], [sflag:$0x3] =	stream.linear.gather [hbm4b:s3+s4], $0x50, $0x38;
	[tilespmem:$0x16980] =	vst v63  }
0x5a: {  	_ =	swait.ge [sflag:s24], $0x50  }
0x5b: {  	[sflag:s24] =	ssyncset.done $0x0  }
0x5c: {  	[sflag:s24] =	ssyncadd.s32 $0xFFFFFFB0  }
0x5d: {  	[spmem:s2] =	stream.indirect.scatter.add.f32 [tilespmem:s19], [sflag:$0x5], $0x80, s20, s22, $0xb8;
	[tilespmem:$0x16980] =	vst v63  }
0x5e: {  	_ =	swait.ge [sflag:s25], $0x2800  }
0x5f: {  	[sflag:s25] =	ssyncset.done $0x0  }
0x60: {  	s3 =	sadd.s32 s0, s15;
	[sflag:s25] =	ssyncadd.s32 $0xFFFFD800  }
0x61: {  	[tilespmem:s4], [sflag:$0x1] =	stream.linear.gather [hbm4b:s3+s4], $0x50, $0x38;
	[tilespmem:$0x16980] =	vst v63  }
0x62: {  	_ =	swait.ge [sflag:s26], $0x50  }
0x63: {  	[sflag:s26] =	ssyncset.done $0x0  }
.Ltmp0:
0x64: {  	[sflag:s26] =	ssyncadd.s32 $0xFFFFFFB0;
	(pc) =	sbr.rel @p0 .LBB2_2-.Ltmp0, $4  }
0x65: {  	[spmem:s2] =	stream.indirect.scatter.add.f32 [tilespmem:s19], [sflag:$0x6], $0x80, s23, s22, $0xb8;
	[tilespmem:$0x16980] =	vst v63  }
0x66: {  	_ =	swait.ge [sflag:s28], $0x2800  }
0x67: {  	[sflag:s28] =	ssyncset.done $0x0  }
0x68: {  	s0 =	sadd.s32 s0, s14;
	[sflag:s28] =	ssyncadd.s32 $0xFFFFD800  }
0x69: {  	[tilespmem:s20], [sflag:$0x2] =	stream.linear.gather [hbm4b:s0+s4], $0x50, $0x38;
	[tilespmem:$0x16980] =	vst v63  }
0x6a: {  	_ =	swait.ge [sflag:s21], $0x50  }
0x6b: {  	[sflag:s21] =	ssyncset.done $0x0  }
0x6c: {  	[sflag:s21] =	ssyncadd.s32 $0xFFFFFFB0  }
0x6d: {  	[spmem:s2] =	stream.indirect.scatter.add.f32 [tilespmem:s19], [sflag:$0x4], $0x80, s4, s22, $0xb8;
	[tilespmem:$0x16980] =	vst v63  }
0x6e: {  	_ =	swait.ge [sflag:s29], $0x2800  }
0x6f: {  	[sflag:s29] =	ssyncset.done $0x0  }
0x70: {  	[sflag:s29] =	ssyncadd.s32 $0xFFFFD800  }
0x71: {  	_ =	swait.ge [sflag:s24], $0x50  }
0x72: {  	[sflag:s24] =	ssyncset.done $0x0  }
0x73: {  	[sflag:s24] =	ssyncadd.s32 $0xFFFFFFB0  }
0x74: {  	[spmem:s2] =	stream.indirect.scatter.add.f32 [tilespmem:s19], [sflag:$0x5], $0x80, s20, s22, $0xb8;
	[tilespmem:$0x16980] =	vst v63  }
0x75: {  	_ =	swait.ge [sflag:s25], $0x2800  }
0x76: {  	[sflag:s25] =	ssyncset.done $0x0  }
0x77: {  	[sflag:s25] =	ssyncadd.s32 $0xFFFFD800  }
0x78: {  	_ =	swait.ge [sflag:s28], $0x2800  }
0x79: {  	s30 =	sadd.s32 $0x1, s30;
	[sflag:s28] =	ssyncset.done $0x0  }
0x7a: {  	p0 =	sne.s32 s30, s13;
	[sflag:s28] =	ssyncadd.s32 $0xFFFFD800  }
.Ltmp1:
0x7b: {  	[bflag:$0x0] =	sbarrier.arrive $0xFFFF;
	(pc) =	sbr.rel @p0 .LBB2_1-.Ltmp1, $4  }
0x7c: {  	[hbm:s12], [sflag:s7] =	dma.local [spmem:s17], $0x2800  }
0x7d: {  	_ =	swait.ge [sflag:s18], $0x2800  }
0x7e: {  	[sflag:s18] =	ssyncset.done $0x0  }
0x7f: {  	[sflag:s18] =	ssyncadd.s32 $0xFFFFD800  }
0x80: {  	_ =	sfence.sel $0x180000  }
0x81: {  	[bflag:$0x0] =	sbarrier.arrive $0xFFFF  }
0x82: {  	_ =	strace $0x90000047  }
0x83: {  	s0 =	stileid.u32;
	[bflag:$0x2] =	sbarrier.arrive $0xFFFF  }
0x84: {  	p0 =	sne.s32 s0, $0x0;
	s0 =	rddreg [dreg:$0x3]  }
0x85: {  	s0 =	sadd.s32 @!p0 $0x100000, s0  }
0x86: {  	[sflag:s0] =	ssyncadd.tile.s32 @!p0 $0x1;
	_ =	shalt  }
.Lfunc_end2:
_tile_overlayer_lowered:
.L_overlay_start_2:
0x87: {  	(tag) =	ssettag $0x2  }
0x88: {  	s0 =	rddreg [dreg:$0x0];
	s2 =	stileid.u32  }
0x89: {  	s1 =	rddreg [dreg:$0x1];
	p0 =	sne.s32 s2, $0x0  }
0x8a: {  	s3 =	rddreg [dreg:$0x2];
	[bflag:$0x3] =	sbarrier.arrive $0xFFFF;
	s2 =	simm.s32 @!p0 $0x1C07  }
0x8b: {  	[timem:s3], [sflag:s2] =	dma.local @!p0 [hbm:s0], s1  }
0x8c: {  	s0 =	simm.s32 @!p0 $0x7  }
0x8d: {  	_ =	swait.ge @!p0 [sflag:s0], s1  }
0x8e: {  	s1 =	ssub.s32 @!p0 $0x0, s1;
	[sflag:s0] =	ssyncset.done @!p0 $0x0  }
0x8f: {  	[sflag:s0] =	ssyncadd.s32 @!p0 s1  }
0x90: {  	[bflag:$0x3] =	sbarrier.arrive $0xFFFF  }
0x91: {  	_ =	shalt  }

</sc_bundles>
